<compile_context>
chip_gen: v7x
topology: tpu7x:2x2x1
jax: 0.10.2.dev20260603
libtpu: 0.0.44.dev20260713+nightly
codegen_flags: <defaults>
</compile_context>

<pallas_src>
import functools

import jax
import jax.numpy as jnp
from jax import lax
from jax.experimental import pallas as pl
from jax.experimental.pallas import tpu as pltpu
from jax.experimental.pallas import tpu_sc as plsc

_B, _C, _H, _W = 8, 256, 64, 64
_HW = _H * _W
_P = 100
_PPAD = 128


def _heads_kernel(x_ref, w1_ref, b1_ref, w2_ref, b2_ref,
                  scores_ref, head2_ref):
    x = x_ref[0]
    lane = jax.lax.broadcasted_iota(jnp.int32, (1, _HW), 1)
    xcol = lane % _W
    xm = x * (xcol <= _W - 2).astype(jnp.float32)
    xp_ = x * (xcol >= 1).astype(jnp.float32)
    srcs = {-1: xm, 0: x, 1: xp_}

    acc = jnp.zeros((_C, _HW), jnp.float32)
    for k in range(9):
        dy, dx = k // 3 - 1, k % 3 - 1
        src = srcs[dx]
        off = dy * _W + dx
        if off > 0:
            xs = jnp.concatenate(
                [src[:, off:], jnp.zeros((_C, off), jnp.float32)], axis=1)
        elif off < 0:
            xs = jnp.concatenate(
                [jnp.zeros((_C, -off), jnp.float32), src[:, :off]], axis=1)
        else:
            xs = src
        acc = acc + jax.lax.dot_general(
            w1_ref[k], xs, (((1,), (0,)), ((), ())),
            preferred_element_type=jnp.float32)
    hid = jnp.maximum(acc + b1_ref[:, 0:1], 0.0)

    head2 = jax.lax.dot_general(
        w2_ref[...], hid, (((1,), (0,)), ((), ())),
        preferred_element_type=jnp.float32) + b2_ref[:, 0:1]
    scores_ref[0] = jax.nn.sigmoid(head2[0:1, :])
    head2_ref[0] = head2


def _topk_decode_kernel(scores_ref, head2_ref,
                        vals_ref, eidx_ref, mask8_ref, bbox_ref, loc_ref,
                        idx_scr):
    b = pl.program_id(0)

    @pl.when(b == 0)
    def _topk():
        sc = scores_ref[:, 0, :]
        lane = jax.lax.broadcasted_iota(jnp.int32, (1, _HW), 1)
        lane_p = jax.lax.broadcasted_iota(jnp.int32, (1, _PPAD), 1)

        def body(t, carry):
            s, vals, idx = carry
            m = jnp.max(s, axis=1, keepdims=True)
            i = jnp.min(jnp.where(s == m, lane, jnp.int32(_HW)),
                        axis=1, keepdims=True)
            vals = jnp.where(lane_p == t, m, vals)
            idx = jnp.where(lane_p == t, i, idx)
            s = jnp.where(lane == i, -1.0, s)
            return s, vals, idx

        carry0 = (sc,
                  jnp.zeros((_B, _PPAD), jnp.float32),
                  jnp.full((_B, _PPAD), -1, jnp.int32))
        _, vals, idx = jax.lax.fori_loop(0, _P, body, carry0)
        vals_ref[...] = vals
        idx_scr[...] = idx

    idxr = idx_scr[pl.ds(b, 1), :]
    sub = jax.lax.broadcasted_iota(jnp.int32, (_HW, 1), 0)
    onehot_t = (sub == idxr).astype(jnp.float32)

    subc = jax.lax.broadcasted_iota(jnp.int32, (_C, 1), 0)
    eidx_ref[0] = ((jnp.maximum(idxr, 0) >> 3) + b * (_C * _HW // 8)
                   + subc * (_HW // 8))

    lane8 = jax.lax.broadcasted_iota(jnp.int32, (1, _PPAD * 8), 1)
    sub_p2 = jax.lax.broadcasted_iota(jnp.int32, (_PPAD, 1), 0)
    ups = ((lane8 >> 3) == sub_p2).astype(jnp.float32)
    idxmod_f = (idxr % 8).astype(jnp.float32)
    rmod = jax.lax.dot_general(
        idxmod_f, ups, (((1,), (0,)), ((), ())),
        preferred_element_type=jnp.float32)
    jmod_f = (lane8 % 8).astype(jnp.float32)
    mask8_ref[0] = (rmod == jmod_f).astype(jnp.float32)

    dsel = jax.lax.dot_general(
        head2_ref[0], onehot_t, (((1,), (0,)), ((), ())),
        preferred_element_type=jnp.float32)

    xx = idxr % _W
    yy = idxr // _W
    dxv, dyv, dwv, dhv = dsel[1:2], dsel[2:3], dsel[3:4], dsel[4:5]
    cx = xx.astype(jnp.float32) * 8.0 + dxv * 8.0
    cy = yy.astype(jnp.float32) * 8.0 + dyv * 8.0
    wv = jnp.exp(dwv) * 8.0
    hv = jnp.exp(dhv) * 8.0

    bbox_ref[0, 0:1, :] = cx - wv * 0.5
    bbox_ref[0, 1:2, :] = cy - hv * 0.5
    bbox_ref[0, 2:3, :] = cx + wv * 0.5
    bbox_ref[0, 3:4, :] = cy + hv * 0.5
    bbox_ref[0, 4:8, :] = jnp.zeros((4, _PPAD), jnp.float32)
    loc_ref[0, 0:1, :] = xx
    loc_ref[0, 1:2, :] = yy
    loc_ref[0, 2:8, :] = jnp.zeros((6, _PPAD), jnp.int32)


def _select_kernel(gath_ref, mask8_ref, featsT_ref):
    gm = gath_ref[0] * mask8_ref[0]
    sub8 = jax.lax.broadcasted_iota(jnp.int32, (_PPAD * 8, 1), 0)
    lane_p = jax.lax.broadcasted_iota(jnp.int32, (1, _PPAD), 1)
    fold = ((sub8 >> 3) == lane_p).astype(jnp.float32)
    featsT_ref[0] = jax.lax.dot_general(
        gm, fold, (((1,), (0,)), ((), ())),
        preferred_element_type=jnp.float32)


def _make_sc_gather():
    info = plsc.get_sparse_core_info()
    nc, ns = info.num_cores, info.num_subcores
    nw = nc * ns
    rows_total = _B * _PPAD * _C
    rows_per_w = rows_total // nw
    cw = 128
    chunks = rows_per_w // cw
    mesh = plsc.VectorSubcoreMesh(core_axis_name="c", subcore_axis_name="s")

    total_chunks = nw * chunks

    @functools.partial(
        pl.kernel, mesh=mesh,
        compiler_params=pltpu.CompilerParams(use_tc_tiling_on_sc=False),
        out_type=jax.ShapeDtypeStruct((total_chunks, cw, 8), jnp.float32),
        scratch_types=[
            pltpu.VMEM((chunks, cw), jnp.int32),
            pltpu.VMEM((chunks, cw, 8), jnp.float32),
            pltpu.SemaphoreType.DMA,
        ],
    )
    def sc_gather(table_hbm, eidx_hbm, out_hbm, eidx_v, rows_v, sem):
        wid = lax.axis_index("s") * nc + lax.axis_index("c")
        base = wid * chunks
        pltpu.sync_copy(eidx_hbm.at[pl.ds(base, chunks)], eidx_v)
        copies = []
        for i in range(chunks):
            copies.append(pltpu.async_copy(
                table_hbm.at[eidx_v.at[i]], rows_v.at[i], sem))
        for c in copies:
            c.wait()
        pltpu.sync_copy(rows_v, out_hbm.at[pl.ds(base, chunks)])

    return sc_gather


_sc_gather = _make_sc_gather()


def kernel(features, obj_w1, obj_b1, obj_w2, obj_b2,
           box_w1, box_b1, box_w2, box_b2):
    xf = features.reshape(_B, _C, _HW)

    w1c = jnp.concatenate([obj_w1, box_w1], axis=0)
    w1t = jnp.transpose(w1c, (2, 3, 0, 1)).reshape(9, _C, _C)
    b1c = jnp.concatenate([obj_b1, box_b1], axis=0).reshape(_C, 1)
    b1p = jnp.broadcast_to(b1c, (_C, 128))

    w2 = jnp.zeros((8, _C), jnp.float32)
    w2 = w2.at[0, :128].set(obj_w2.reshape(128))
    w2 = w2.at[1:5, 128:].set(box_w2.reshape(4, 128))
    b2 = jnp.zeros((8,), jnp.float32)
    b2 = b2.at[0].set(obj_b2[0]).at[1:5].set(box_b2)
    b2p = jnp.broadcast_to(b2.reshape(8, 1), (8, 128))

    scores3, head2o = pl.pallas_call(
        _heads_kernel,
        grid=(_B,),
        in_specs=[
            pl.BlockSpec((1, _C, _HW), lambda b: (b, 0, 0)),
            pl.BlockSpec((9, _C, _C), lambda b: (0, 0, 0)),
            pl.BlockSpec((_C, 128), lambda b: (0, 0)),
            pl.BlockSpec((8, _C), lambda b: (0, 0)),
            pl.BlockSpec((8, 128), lambda b: (0, 0)),
        ],
        out_specs=[
            pl.BlockSpec((1, 1, _HW), lambda b: (b, 0, 0)),
            pl.BlockSpec((1, 8, _HW), lambda b: (b, 0, 0)),
        ],
        out_shape=[
            jax.ShapeDtypeStruct((_B, 1, _HW), jnp.float32),
            jax.ShapeDtypeStruct((_B, 8, _HW), jnp.float32),
        ],
    )(xf, w1t, b1p, w2, b2p)

    vals, eidx, mask8, bbox_o, loc_o = pl.pallas_call(
        _topk_decode_kernel,
        grid=(_B,),
        in_specs=[
            pl.BlockSpec((_B, 1, _HW), lambda b: (0, 0, 0)),
            pl.BlockSpec((1, 8, _HW), lambda b: (b, 0, 0)),
        ],
        out_specs=[
            pl.BlockSpec((_B, _PPAD), lambda b: (0, 0)),
            pl.BlockSpec((1, _C, _PPAD), lambda b: (b, 0, 0)),
            pl.BlockSpec((1, 1, _PPAD * 8), lambda b: (b, 0, 0)),
            pl.BlockSpec((1, 8, _PPAD), lambda b: (b, 0, 0)),
            pl.BlockSpec((1, 8, _PPAD), lambda b: (b, 0, 0)),
        ],
        out_shape=[
            jax.ShapeDtypeStruct((_B, _PPAD), jnp.float32),
            jax.ShapeDtypeStruct((_B, _C, _PPAD), jnp.int32),
            jax.ShapeDtypeStruct((_B, 1, _PPAD * 8), jnp.float32),
            jax.ShapeDtypeStruct((_B, 8, _PPAD), jnp.float32),
            jax.ShapeDtypeStruct((_B, 8, _PPAD), jnp.int32),
        ],
        scratch_shapes=[pltpu.VMEM((_B, _PPAD), jnp.int32)],
    )(scores3, head2o)

    gath = _sc_gather(features.reshape(_B * _C * _HW // 8, 8),
                      eidx.reshape(_B * _C * _PPAD // 128, 128))
    gath = gath.reshape(_B, _C, _PPAD * 8)

    featsT_o = pl.pallas_call(
        _select_kernel,
        grid=(_B,),
        in_specs=[
            pl.BlockSpec((1, _C, _PPAD * 8), lambda b: (b, 0, 0)),
            pl.BlockSpec((1, 1, _PPAD * 8), lambda b: (b, 0, 0)),
        ],
        out_specs=pl.BlockSpec((1, _C, _PPAD), lambda b: (b, 0, 0)),
        out_shape=jax.ShapeDtypeStruct((_B, _C, _PPAD), jnp.float32),
    )(gath, mask8)
    feats = featsT_o[:, :, :_P].transpose(0, 2, 1)

    top_scores = vals[:, :_P]
    bboxes = bbox_o[:, :4, :_P].transpose(0, 2, 1)
    locations = loc_o[:, :2, :_P].transpose(0, 2, 1)
    return bboxes, top_scores, feats, locations

# --- scband reference (transcript-rebuilt; emitter-appended) ---
"""Pipeline reference for scband-object-proposal-generator-53652731461788 (READ-ONLY COPY).

The authoritative reference and input builder live on the scoring server;
editing this copy changes nothing except your own understanding.
"""

import jax, jax.numpy as jnp
import numpy as np

FEATURE_DIM = 256
NUM_PROPOSALS = 100
B, H, W = 8, 64, 64


def _conv2d(x, Wt, b):
    out = jax.lax.conv_general_dilated(
        x, Wt, window_strides=(1, 1), padding='SAME',
        dimension_numbers=('NCHW', 'OIHW', 'NCHW'))
    return out + b[None, :, None, None]


def setup_inputs(seed: int = 0) -> dict:
    key = jax.random.key(seed)
    ks = jax.random.split(key, 9)
    C = FEATURE_DIM
    Ch = C // 2
    features = jax.random.normal(ks[0], (B, C, H, W), dtype=jnp.float32)
    s1 = 1.0 / np.sqrt(C * 9)
    s2 = 1.0 / np.sqrt(Ch * 1)
    obj_w1 = jax.random.uniform(ks[1], (Ch, C, 3, 3), minval=-s1, maxval=s1, dtype=jnp.float32)
    obj_b1 = jax.random.uniform(ks[2], (Ch,), minval=-s1, maxval=s1, dtype=jnp.float32)
    obj_w2 = jax.random.uniform(ks[3], (1, Ch, 1, 1), minval=-s2, maxval=s2, dtype=jnp.float32)
    obj_b2 = jax.random.uniform(ks[4], (1,), minval=-s2, maxval=s2, dtype=jnp.float32)
    box_w1 = jax.random.uniform(ks[5], (Ch, C, 3, 3), minval=-s1, maxval=s1, dtype=jnp.float32)
    box_b1 = jax.random.uniform(ks[6], (Ch,), minval=-s1, maxval=s1, dtype=jnp.float32)
    box_w2 = jax.random.uniform(ks[7], (4, Ch, 1, 1), minval=-s2, maxval=s2, dtype=jnp.float32)
    box_b2 = jax.random.uniform(ks[8], (4,), minval=-s2, maxval=s2, dtype=jnp.float32)
    return {'features': features,
            'obj_w1': obj_w1, 'obj_b1': obj_b1, 'obj_w2': obj_w2, 'obj_b2': obj_b2,
            'box_w1': box_w1, 'box_b1': box_b1, 'box_w2': box_w2, 'box_b2': box_b2}


def reference(features, obj_w1, obj_b1, obj_w2, obj_b2, box_w1, box_b1, box_w2, box_b2):
    P = NUM_PROPOSALS
    # objectness head: conv3x3 -> relu -> conv1x1 -> sigmoid
    h = jax.nn.relu(_conv2d(features, obj_w1, obj_b1))
    objectness = jax.nn.sigmoid(_conv2d(h, obj_w2, obj_b2))  # [B,1,H,W]
    # bbox head: conv3x3 -> relu -> conv1x1
    hb = jax.nn.relu(_conv2d(features, box_w1, box_b1))
    bbox_deltas = _conv2d(hb, box_w2, box_b2)  # [B,4,H,W]

    Bn, _, Hh, Ww = features.shape
    flat_scores = objectness[:, 0].reshape(Bn, Hh * Ww)  # [B, H*W]
    top_scores, top_idx = jax.lax.top_k(flat_scores, P)  # [B,P]

    yy = top_idx // Ww
    xx = top_idx % Ww

    bbox_flat = bbox_deltas.reshape(Bn, 4, Hh * Ww)
    deltas = jnp.take_along_axis(bbox_flat, top_idx[:, None, :], axis=2)  # [B,4,P]
    dx, dy, dw, dh = deltas[:, 0], deltas[:, 1], deltas[:, 2], deltas[:, 3]

    scale_x = 8.0
    scale_y = 8.0
    center_x = xx.astype(jnp.float32) * scale_x + dx * scale_x
    center_y = yy.astype(jnp.float32) * scale_y + dy * scale_y
    width = jnp.exp(dw) * scale_x
    height = jnp.exp(dh) * scale_y
    bboxes = jnp.stack([center_x - width / 2, center_y - height / 2,
                        center_x + width / 2, center_y + height / 2], axis=-1)  # [B,P,4]

    feat_flat = features.reshape(Bn, features.shape[1], Hh * Ww)
    feats = jnp.take_along_axis(feat_flat, top_idx[:, None, :], axis=2)  # [B,C,P]
    feats = jnp.transpose(feats, (0, 2, 1))  # [B,P,C]

    locations = jnp.stack([xx, yy], axis=-1)  # [B,P,2] int
    return bboxes, top_scores, feats, locations

if __name__ == "__main__":
    import jax
    _d = setup_inputs()
    print(jax.jit(kernel)(*tuple(_d.values())))

</pallas_src>

<mosaic_0001>
#map = affine_map<(d0, d1) -> (0, 0)>
#map1 = affine_map<(d0, d1) -> (0, 0, 0)>
module attributes {stable_mosaic.version = 14 : i64} {
  func.func @sc_gather(%arg0: i32, %arg1: i32, %arg2: memref<1048576x8xf32, #tpu.memory_space<hbm>>, %arg3: memref<2048x128xi32, #tpu.memory_space<hbm>>, %arg4: memref<2048x128x8xf32, #tpu.memory_space<hbm>>, %arg5: memref<64x128xi32, #tpu.memory_space<vmem>>, %arg6: memref<64x128x8xf32, #tpu.memory_space<vmem>>, %arg7: memref<!tpu.dma_semaphore, #tpu.memory_space<semaphore_mem>>) attributes {dimension_semantics = [#tpu.dimension_semantics<core_parallel>, #tpu.dimension_semantics<subcore_parallel>], iteration_bounds = array<i64: 2, 16>, scalar_prefetch = 0 : i64, scratch_operands = 3 : i64, tpu.core_type = #tpu.core_type<sc_vector_subcore>, window_params = [{transform_indices = #map}, {transform_indices = #map}, {transform_indices = #map1}]} {
    %mul3A = arith.constant 2 : i32
    %mul3A_0 = arith.muli %arg1, %mul3A : i32
    %add3A = arith.addi %mul3A_0, %arg0 : i32
    %mul3A_1 = arith.constant 64 : i32
    %mul3A_2 = arith.muli %add3A, %mul3A_1 : i32
    "tpu.region"() ({
      %run_scoped3A = tpu.sem_alloc : memref<!tpu.dma_semaphore, #tpu.memory_space<semaphore_mem>>
      %dma_start3A_1537 = arith.constant 0 : i32
      %dma_start3A_1538 = tpu.memref_slice %arg3[%mul3A_2, %dma_start3A_1537] : memref<2048x128xi32, #tpu.memory_space<hbm>> -> memref<64x128xi32, #tpu.memory_space<hbm>>
      %dma_start3A_1539 = arith.constant 0 : i32
      %dma_start3A_1540 = tpu.memref_slice %arg3[%mul3A_2, %dma_start3A_1539] : memref<2048x128xi32, #tpu.memory_space<hbm>> -> memref<64x128xi32, #tpu.memory_space<hbm>>
      tpu.enqueue_dma source(%dma_start3A_1540 : memref<64x128xi32, #tpu.memory_space<hbm>>) target(%arg5 : memref<64x128xi32, #tpu.memory_space<vmem>>) target_semaphore(%run_scoped3A : memref<!tpu.dma_semaphore, #tpu.memory_space<semaphore_mem>>)
      %dma_wait3A_1541 = arith.constant 0 : i32
      %dma_wait3A_1542 = tpu.memref_slice %arg3[%mul3A_2, %dma_wait3A_1541] : memref<2048x128xi32, #tpu.memory_space<hbm>> -> memref<64x128xi32, #tpu.memory_space<hbm>>
      %dma_wait3A_1543 = arith.constant 0 : i32
      %dma_wait3A_1544 = tpu.memref_slice %arg3[%mul3A_2, %dma_wait3A_1543] : memref<2048x128xi32, #tpu.memory_space<hbm>> -> memref<64x128xi32, #tpu.memory_space<hbm>>
      tpu.wait_dma2 semaphore(%run_scoped3A : memref<!tpu.dma_semaphore, #tpu.memory_space<semaphore_mem>>) src(%dma_wait3A_1544 : memref<64x128xi32, #tpu.memory_space<hbm>>) dst(%arg5 : memref<64x128xi32, #tpu.memory_space<vmem>>)
      tpu.yield
    }) : () -> ()
    %dma_start3A = arith.constant 0 : i32
    %dma_start3A_3 = arith.constant 0 : i32
    %dma_start3A_4 = arith.constant 0 : i32
    %dma_start3A_5 = arith.constant 0 : i32
    %dma_start3A_6 = tpu.memref_slice %arg6[%dma_start3A_3, %dma_start3A_4, %dma_start3A_5] : memref<64x128x8xf32, #tpu.memory_space<vmem>> -> memref<1x128x8xf32, #tpu.memory_space<vmem>>
    %dma_start3A_7 = tpu.memref_squeeze %dma_start3A_6 : memref<1x128x8xf32, #tpu.memory_space<vmem>> -> memref<128x8xf32, #tpu.memory_space<vmem>>
    %dma_start3A_8 = arith.constant 0 : i32
    %dma_start3A_9 = tpu.memref_slice %arg5[%dma_start3A, %dma_start3A_8] : memref<64x128xi32, #tpu.memory_space<vmem>> -> memref<1x128xi32, #tpu.memory_space<vmem>>
    %dma_start3A_10 = tpu.memref_squeeze %dma_start3A_9 : memref<1x128xi32, #tpu.memory_space<vmem>> -> memref<128xi32, #tpu.memory_space<vmem>>
    %dma_start3A_11 = arith.constant 0 : i32
    %dma_start3A_12 = arith.constant 0 : i32
    %dma_start3A_13 = tpu.memref_slice %arg2[%dma_start3A_11, %dma_start3A_12] : memref<1048576x8xf32, #tpu.memory_space<hbm>> -> memref<1048576x8xf32, #tpu.memory_space<hbm>>
    tpu.enqueue_indirect_dma source(%dma_start3A_13 : memref<1048576x8xf32, #tpu.memory_space<hbm>>) target(%dma_start3A_7 : memref<128x8xf32, #tpu.memory_space<vmem>>) offsets(%dma_start3A_10 : memref<128xi32, #tpu.memory_space<vmem>>) semaphore(%arg7 : memref<!tpu.dma_semaphore, #tpu.memory_space<semaphore_mem>>)
    %dma_start3A_14 = arith.constant 1 : i32
    %dma_start3A_15 = arith.constant 1 : i32
    %dma_start3A_16 = arith.constant 0 : i32
    %dma_start3A_17 = arith.constant 0 : i32
    %dma_start3A_18 = tpu.memref_slice %arg6[%dma_start3A_15, %dma_start3A_16, %dma_start3A_17] : memref<64x128x8xf32, #tpu.memory_space<vmem>> -> memref<1x128x8xf32, #tpu.memory_space<vmem>>
    %dma_start3A_19 = tpu.memref_squeeze %dma_start3A_18 : memref<1x128x8xf32, #tpu.memory_space<vmem>> -> memref<128x8xf32, #tpu.memory_space<vmem>>
    %dma_start3A_20 = arith.constant 0 : i32
    %dma_start3A_21 = tpu.memref_slice %arg5[%dma_start3A_14, %dma_start3A_20] : memref<64x128xi32, #tpu.memory_space<vmem>> -> memref<1x128xi32, #tpu.memory_space<vmem>>
    %dma_start3A_22 = tpu.memref_squeeze %dma_start3A_21 : memref<1x128xi32, #tpu.memory_space<vmem>> -> memref<128xi32, #tpu.memory_space<vmem>>
    %dma_start3A_23 = arith.constant 0 : i32
    %dma_start3A_24 = arith.constant 0 : i32
    %dma_start3A_25 = tpu.memref_slice %arg2[%dma_start3A_23, %dma_start3A_24] : memref<1048576x8xf32, #tpu.memory_space<hbm>> -> memref<1048576x8xf32, #tpu.memory_space<hbm>>
    tpu.enqueue_indirect_dma source(%dma_start3A_25 : memref<1048576x8xf32, #tpu.memory_space<hbm>>) target(%dma_start3A_19 : memref<128x8xf32, #tpu.memory_space<vmem>>) offsets(%dma_start3A_22 : memref<128xi32, #tpu.memory_space<vmem>>) semaphore(%arg7 : memref<!tpu.dma_semaphore, #tpu.memory_space<semaphore_mem>>)
    %dma_start3A_26 = arith.constant 2 : i32
    %dma_start3A_27 = arith.constant 2 : i32
    %dma_start3A_28 = arith.constant 0 : i32
    %dma_start3A_29 = arith.constant 0 : i32
    %dma_start3A_30 = tpu.memref_slice %arg6[%dma_start3A_27, %dma_start3A_28, %dma_start3A_29] : memref<64x128x8xf32, #tpu.memory_space<vmem>> -> memref<1x128x8xf32, #tpu.memory_space<vmem>>
    %dma_start3A_31 = tpu.memref_squeeze %dma_start3A_30 : memref<1x128x8xf32, #tpu.memory_space<vmem>> -> memref<128x8xf32, #tpu.memory_space<vmem>>
    %dma_start3A_32 = arith.constant 0 : i32
    %dma_start3A_33 = tpu.memref_slice %arg5[%dma_start3A_26, %dma_start3A_32] : memref<64x128xi32, #tpu.memory_space<vmem>> -> memref<1x128xi32, #tpu.memory_space<vmem>>
    %dma_start3A_34 = tpu.memref_squeeze %dma_start3A_33 : memref<1x128xi32, #tpu.memory_space<vmem>> -> memref<128xi32, #tpu.memory_space<vmem>>
    %dma_start3A_35 = arith.constant 0 : i32
    %dma_start3A_36 = arith.constant 0 : i32
    %dma_start3A_37 = tpu.memref_slice %arg2[%dma_start3A_35, %dma_start3A_36] : memref<1048576x8xf32, #tpu.memory_space<hbm>> -> memref<1048576x8xf32, #tpu.memory_space<hbm>>
    tpu.enqueue_indirect_dma source(%dma_start3A_37 : memref<1048576x8xf32, #tpu.memory_space<hbm>>) target(%dma_start3A_31 : memref<128x8xf32, #tpu.memory_space<vmem>>) offsets(%dma_start3A_34 : memref<128xi32, #tpu.memory_space<vmem>>) semaphore(%arg7 : memref<!tpu.dma_semaphore, #tpu.memory_space<semaphore_mem>>)
    %dma_start3A_38 = arith.constant 3 : i32
    %dma_start3A_39 = arith.constant 3 : i32
    %dma_start3A_40 = arith.constant 0 : i32
    %dma_start3A_41 = arith.constant 0 : i32
    %dma_start3A_42 = tpu.memref_slice %arg6[%dma_start3A_39, %dma_start3A_40, %dma_start3A_41] : memref<64x128x8xf32, #tpu.memory_space<vmem>> -> memref<1x128x8xf32, #tpu.memory_space<vmem>>
    %dma_start3A_43 = tpu.memref_squeeze %dma_start3A_42 : memref<1x128x8xf32, #tpu.memory_space<vmem>> -> memref<128x8xf32, #tpu.memory_space<vmem>>
    %dma_start3A_44 = arith.constant 0 : i32
    %dma_start3A_45 = tpu.memref_slice %arg5[%dma_start3A_38, %dma_start3A_44] : memref<64x128xi32, #tpu.memory_space<vmem>> -> memref<1x128xi32, #tpu.memory_space<vmem>>
    %dma_start3A_46 = tpu.memref_squeeze %dma_start3A_45 : memref<1x128xi32, #tpu.memory_space<vmem>> -> memref<128xi32, #tpu.memory_space<vmem>>
    %dma_start3A_47 = arith.constant 0 : i32
    %dma_start3A_48 = arith.constant 0 : i32
    %dma_start3A_49 = tpu.memref_slice %arg2[%dma_start3A_47, %dma_start3A_48] : memref<1048576x8xf32, #tpu.memory_space<hbm>> -> memref<1048576x8xf32, #tpu.memory_space<hbm>>
    tpu.enqueue_indirect_dma source(%dma_start3A_49 : memref<1048576x8xf32, #tpu.memory_space<hbm>>) target(%dma_start3A_43 : memref<128x8xf32, #tpu.memory_space<vmem>>) offsets(%dma_start3A_46 : memref<128xi32, #tpu.memory_space<vmem>>) semaphore(%arg7 : memref<!tpu.dma_semaphore, #tpu.memory_space<semaphore_mem>>)
    %dma_start3A_50 = arith.constant 4 : i32
    %dma_start3A_51 = arith.constant 4 : i32
    %dma_start3A_52 = arith.constant 0 : i32
    %dma_start3A_53 = arith.constant 0 : i32
    %dma_start3A_54 = tpu.memref_slice %arg6[%dma_start3A_51, %dma_start3A_52, %dma_start3A_53] : memref<64x128x8xf32, #tpu.memory_space<vmem>> -> memref<1x128x8xf32, #tpu.memory_space<vmem>>
    %dma_start3A_55 = tpu.memref_squeeze %dma_start3A_54 : memref<1x128x8xf32, #tpu.memory_space<vmem>> -> memref<128x8xf32, #tpu.memory_space<vmem>>
    %dma_start3A_56 = arith.constant 0 : i32
    %dma_start3A_57 = tpu.memref_slice %arg5[%dma_start3A_50, %dma_start3A_56] : memref<64x128xi32, #tpu.memory_space<vmem>> -> memref<1x128xi32, #tpu.memory_space<vmem>>
    %dma_start3A_58 = tpu.memref_squeeze %dma_start3A_57 : memref<1x128xi32, #tpu.memory_space<vmem>> -> memref<128xi32, #tpu.memory_space<vmem>>
    %dma_start3A_59 = arith.constant 0 : i32
    %dma_start3A_60 = arith.constant 0 : i32
    %dma_start3A_61 = tpu.memref_slice %arg2[%dma_start3A_59, %dma_start3A_60] : memref<1048576x8xf32, #tpu.memory_space<hbm>> -> memref<1048576x8xf32, #tpu.memory_space<hbm>>
    tpu.enqueue_indirect_dma source(%dma_start3A_61 : memref<1048576x8xf32, #tpu.memory_space<hbm>>) target(%dma_start3A_55 : memref<128x8xf32, #tpu.memory_space<vmem>>) offsets(%dma_start3A_58 : memref<128xi32, #tpu.memory_space<vmem>>) semaphore(%arg7 : memref<!tpu.dma_semaphore, #tpu.memory_space<semaphore_mem>>)
    %dma_start3A_62 = arith.constant 5 : i32
    %dma_start3A_63 = arith.constant 5 : i32
    %dma_start3A_64 = arith.constant 0 : i32
    %dma_start3A_65 = arith.constant 0 : i32
    %dma_start3A_66 = tpu.memref_slice %arg6[%dma_start3A_63, %dma_start3A_64, %dma_start3A_65] : memref<64x128x8xf32, #tpu.memory_space<vmem>> -> memref<1x128x8xf32, #tpu.memory_space<vmem>>
    %dma_start3A_67 = tpu.memref_squeeze %dma_start3A_66 : memref<1x128x8xf32, #tpu.memory_space<vmem>> -> memref<128x8xf32, #tpu.memory_space<vmem>>
    %dma_start3A_68 = arith.constant 0 : i32
    %dma_start3A_69 = tpu.memref_slice %arg5[%dma_start3A_62, %dma_start3A_68] : memref<64x128xi32, #tpu.memory_space<vmem>> -> memref<1x128xi32, #tpu.memory_space<vmem>>
    %dma_start3A_70 = tpu.memref_squeeze %dma_start3A_69 : memref<1x128xi32, #tpu.memory_space<vmem>> -> memref<128xi32, #tpu.memory_space<vmem>>
    %dma_start3A_71 = arith.constant 0 : i32
    %dma_start3A_72 = arith.constant 0 : i32
    %dma_start3A_73 = tpu.memref_slice %arg2[%dma_start3A_71, %dma_start3A_72] : memref<1048576x8xf32, #tpu.memory_space<hbm>> -> memref<1048576x8xf32, #tpu.memory_space<hbm>>
    tpu.enqueue_indirect_dma source(%dma_start3A_73 : memref<1048576x8xf32, #tpu.memory_space<hbm>>) target(%dma_start3A_67 : memref<128x8xf32, #tpu.memory_space<vmem>>) offsets(%dma_start3A_70 : memref<128xi32, #tpu.memory_space<vmem>>) semaphore(%arg7 : memref<!tpu.dma_semaphore, #tpu.memory_space<semaphore_mem>>)
    %dma_start3A_74 = arith.constant 6 : i32
    %dma_start3A_75 = arith.constant 6 : i32
    %dma_start3A_76 = arith.constant 0 : i32
    %dma_start3A_77 = arith.constant 0 : i32
    %dma_start3A_78 = tpu.memref_slice %arg6[%dma_start3A_75, %dma_start3A_76, %dma_start3A_77] : memref<64x128x8xf32, #tpu.memory_space<vmem>> -> memref<1x128x8xf32, #tpu.memory_space<vmem>>
    %dma_start3A_79 = tpu.memref_squeeze %dma_start3A_78 : memref<1x128x8xf32, #tpu.memory_space<vmem>> -> memref<128x8xf32, #tpu.memory_space<vmem>>
    %dma_start3A_80 = arith.constant 0 : i32
    %dma_start3A_81 = tpu.memref_slice %arg5[%dma_start3A_74, %dma_start3A_80] : memref<64x128xi32, #tpu.memory_space<vmem>> -> memref<1x128xi32, #tpu.memory_space<vmem>>
    %dma_start3A_82 = tpu.memref_squeeze %dma_start3A_81 : memref<1x128xi32, #tpu.memory_space<vmem>> -> memref<128xi32, #tpu.memory_space<vmem>>
    %dma_start3A_83 = arith.constant 0 : i32
    %dma_start3A_84 = arith.constant 0 : i32
    %dma_start3A_85 = tpu.memref_slice %arg2[%dma_start3A_83, %dma_start3A_84] : memref<1048576x8xf32, #tpu.memory_space<hbm>> -> memref<1048576x8xf32, #tpu.memory_space<hbm>>
    tpu.enqueue_indirect_dma source(%dma_start3A_85 : memref<1048576x8xf32, #tpu.memory_space<hbm>>) target(%dma_start3A_79 : memref<128x8xf32, #tpu.memory_space<vmem>>) offsets(%dma_start3A_82 : memref<128xi32, #tpu.memory_space<vmem>>) semaphore(%arg7 : memref<!tpu.dma_semaphore, #tpu.memory_space<semaphore_mem>>)
    %dma_start3A_86 = arith.constant 7 : i32
    %dma_start3A_87 = arith.constant 7 : i32
    %dma_start3A_88 = arith.constant 0 : i32
    %dma_start3A_89 = arith.constant 0 : i32
    %dma_start3A_90 = tpu.memref_slice %arg6[%dma_start3A_87, %dma_start3A_88, %dma_start3A_89] : memref<64x128x8xf32, #tpu.memory_space<vmem>> -> memref<1x128x8xf32, #tpu.memory_space<vmem>>
    %dma_start3A_91 = tpu.memref_squeeze %dma_start3A_90 : memref<1x128x8xf32, #tpu.memory_space<vmem>> -> memref<128x8xf32, #tpu.memory_space<vmem>>
    %dma_start3A_92 = arith.constant 0 : i32
    %dma_start3A_93 = tpu.memref_slice %arg5[%dma_start3A_86, %dma_start3A_92] : memref<64x128xi32, #tpu.memory_space<vmem>> -> memref<1x128xi32, #tpu.memory_space<vmem>>
    %dma_start3A_94 = tpu.memref_squeeze %dma_start3A_93 : memref<1x128xi32, #tpu.memory_space<vmem>> -> memref<128xi32, #tpu.memory_space<vmem>>
    %dma_start3A_95 = arith.constant 0 : i32
    %dma_start3A_96 = arith.constant 0 : i32
    %dma_start3A_97 = tpu.memref_slice %arg2[%dma_start3A_95, %dma_start3A_96] : memref<1048576x8xf32, #tpu.memory_space<hbm>> -> memref<1048576x8xf32, #tpu.memory_space<hbm>>
    tpu.enqueue_indirect_dma source(%dma_start3A_97 : memref<1048576x8xf32, #tpu.memory_space<hbm>>) target(%dma_start3A_91 : memref<128x8xf32, #tpu.memory_space<vmem>>) offsets(%dma_start3A_94 : memref<128xi32, #tpu.memory_space<vmem>>) semaphore(%arg7 : memref<!tpu.dma_semaphore, #tpu.memory_space<semaphore_mem>>)
    %dma_start3A_98 = arith.constant 8 : i32
    %dma_start3A_99 = arith.constant 8 : i32
    %dma_start3A_100 = arith.constant 0 : i32
    %dma_start3A_101 = arith.constant 0 : i32
    %dma_start3A_102 = tpu.memref_slice %arg6[%dma_start3A_99, %dma_start3A_100, %dma_start3A_101] : memref<64x128x8xf32, #tpu.memory_space<vmem>> -> memref<1x128x8xf32, #tpu.memory_space<vmem>>
    %dma_start3A_103 = tpu.memref_squeeze %dma_start3A_102 : memref<1x128x8xf32, #tpu.memory_space<vmem>> -> memref<128x8xf32, #tpu.memory_space<vmem>>
    %dma_start3A_104 = arith.constant 0 : i32
    %dma_start3A_105 = tpu.memref_slice %arg5[%dma_start3A_98, %dma_start3A_104] : memref<64x128xi32, #tpu.memory_space<vmem>> -> memref<1x128xi32, #tpu.memory_space<vmem>>
    %dma_start3A_106 = tpu.memref_squeeze %dma_start3A_105 : memref<1x128xi32, #tpu.memory_space<vmem>> -> memref<128xi32, #tpu.memory_space<vmem>>
    %dma_start3A_107 = arith.constant 0 : i32
    %dma_start3A_108 = arith.constant 0 : i32
    %dma_start3A_109 = tpu.memref_slice %arg2[%dma_start3A_107, %dma_start3A_108] : memref<1048576x8xf32, #tpu.memory_space<hbm>> -> memref<1048576x8xf32, #tpu.memory_space<hbm>>
    tpu.enqueue_indirect_dma source(%dma_start3A_109 : memref<1048576x8xf32, #tpu.memory_space<hbm>>) target(%dma_start3A_103 : memref<128x8xf32, #tpu.memory_space<vmem>>) offsets(%dma_start3A_106 : memref<128xi32, #tpu.memory_space<vmem>>) semaphore(%arg7 : memref<!tpu.dma_semaphore, #tpu.memory_space<semaphore_mem>>)
    %dma_start3A_110 = arith.constant 9 : i32
    %dma_start3A_111 = arith.constant 9 : i32
    %dma_start3A_112 = arith.constant 0 : i32
    %dma_start3A_113 = arith.constant 0 : i32
    %dma_start3A_114 = tpu.memref_slice %arg6[%dma_start3A_111, %dma_start3A_112, %dma_start3A_113] : memref<64x128x8xf32, #tpu.memory_space<vmem>> -> memref<1x128x8xf32, #tpu.memory_space<vmem>>
    %dma_start3A_115 = tpu.memref_squeeze %dma_start3A_114 : memref<1x128x8xf32, #tpu.memory_space<vmem>> -> memref<128x8xf32, #tpu.memory_space<vmem>>
    %dma_start3A_116 = arith.constant 0 : i32
    %dma_start3A_117 = tpu.memref_slice %arg5[%dma_start3A_110, %dma_start3A_116] : memref<64x128xi32, #tpu.memory_space<vmem>> -> memref<1x128xi32, #tpu.memory_space<vmem>>
    %dma_start3A_118 = tpu.memref_squeeze %dma_start3A_117 : memref<1x128xi32, #tpu.memory_space<vmem>> -> memref<128xi32, #tpu.memory_space<vmem>>
    %dma_start3A_119 = arith.constant 0 : i32
    %dma_start3A_120 = arith.constant 0 : i32
    %dma_start3A_121 = tpu.memref_slice %arg2[%dma_start3A_119, %dma_start3A_120] : memref<1048576x8xf32, #tpu.memory_space<hbm>> -> memref<1048576x8xf32, #tpu.memory_space<hbm>>
    tpu.enqueue_indirect_dma source(%dma_start3A_121 : memref<1048576x8xf32, #tpu.memory_space<hbm>>) target(%dma_start3A_115 : memref<128x8xf32, #tpu.memory_space<vmem>>) offsets(%dma_start3A_118 : memref<128xi32, #tpu.memory_space<vmem>>) semaphore(%arg7 : memref<!tpu.dma_semaphore, #tpu.memory_space<semaphore_mem>>)
    %dma_start3A_122 = arith.constant 10 : i32
    %dma_start3A_123 = arith.constant 10 : i32
    %dma_start3A_124 = arith.constant 0 : i32
    %dma_start3A_125 = arith.constant 0 : i32
    %dma_start3A_126 = tpu.memref_slice %arg6[%dma_start3A_123, %dma_start3A_124, %dma_start3A_125] : memref<64x128x8xf32, #tpu.memory_space<vmem>> -> memref<1x128x8xf32, #tpu.memory_space<vmem>>
    %dma_start3A_127 = tpu.memref_squeeze %dma_start3A_126 : memref<1x128x8xf32, #tpu.memory_space<vmem>> -> memref<128x8xf32, #tpu.memory_space<vmem>>
    %dma_start3A_128 = arith.constant 0 : i32
    %dma_start3A_129 = tpu.memref_slice %arg5[%dma_start3A_122, %dma_start3A_128] : memref<64x128xi32, #tpu.memory_space<vmem>> -> memref<1x128xi32, #tpu.memory_space<vmem>>
    %dma_start3A_130 = tpu.memref_squeeze %dma_start3A_129 : memref<1x128xi32, #tpu.memory_space<vmem>> -> memref<128xi32, #tpu.memory_space<vmem>>
    %dma_start3A_131 = arith.constant 0 : i32
    %dma_start3A_132 = arith.constant 0 : i32
    %dma_start3A_133 = tpu.memref_slice %arg2[%dma_start3A_131, %dma_start3A_132] : memref<1048576x8xf32, #tpu.memory_space<hbm>> -> memref<1048576x8xf32, #tpu.memory_space<hbm>>
    tpu.enqueue_indirect_dma source(%dma_start3A_133 : memref<1048576x8xf32, #tpu.memory_space<hbm>>) target(%dma_start3A_127 : memref<128x8xf32, #tpu.memory_space<vmem>>) offsets(%dma_start3A_130 : memref<128xi32, #tpu.memory_space<vmem>>) semaphore(%arg7 : memref<!tpu.dma_semaphore, #tpu.memory_space<semaphore_mem>>)
    %dma_start3A_134 = arith.constant 11 : i32
    %dma_start3A_135 = arith.constant 11 : i32
    %dma_start3A_136 = arith.constant 0 : i32
    %dma_start3A_137 = arith.constant 0 : i32
    %dma_start3A_138 = tpu.memref_slice %arg6[%dma_start3A_135, %dma_start3A_136, %dma_start3A_137] : memref<64x128x8xf32, #tpu.memory_space<vmem>> -> memref<1x128x8xf32, #tpu.memory_space<vmem>>
    %dma_start3A_139 = tpu.memref_squeeze %dma_start3A_138 : memref<1x128x8xf32, #tpu.memory_space<vmem>> -> memref<128x8xf32, #tpu.memory_space<vmem>>
    %dma_start3A_140 = arith.constant 0 : i32
    %dma_start3A_141 = tpu.memref_slice %arg5[%dma_start3A_134, %dma_start3A_140] : memref<64x128xi32, #tpu.memory_space<vmem>> -> memref<1x128xi32, #tpu.memory_space<vmem>>
    %dma_start3A_142 = tpu.memref_squeeze %dma_start3A_141 : memref<1x128xi32, #tpu.memory_space<vmem>> -> memref<128xi32, #tpu.memory_space<vmem>>
    %dma_start3A_143 = arith.constant 0 : i32
    %dma_start3A_144 = arith.constant 0 : i32
    %dma_start3A_145 = tpu.memref_slice %arg2[%dma_start3A_143, %dma_start3A_144] : memref<1048576x8xf32, #tpu.memory_space<hbm>> -> memref<1048576x8xf32, #tpu.memory_space<hbm>>
    tpu.enqueue_indirect_dma source(%dma_start3A_145 : memref<1048576x8xf32, #tpu.memory_space<hbm>>) target(%dma_start3A_139 : memref<128x8xf32, #tpu.memory_space<vmem>>) offsets(%dma_start3A_142 : memref<128xi32, #tpu.memory_space<vmem>>) semaphore(%arg7 : memref<!tpu.dma_semaphore, #tpu.memory_space<semaphore_mem>>)
    %dma_start3A_146 = arith.constant 12 : i32
    %dma_start3A_147 = arith.constant 12 : i32
    %dma_start3A_148 = arith.constant 0 : i32
    %dma_start3A_149 = arith.constant 0 : i32
    %dma_start3A_150 = tpu.memref_slice %arg6[%dma_start3A_147, %dma_start3A_148, %dma_start3A_149] : memref<64x128x8xf32, #tpu.memory_space<vmem>> -> memref<1x128x8xf32, #tpu.memory_space<vmem>>
    %dma_start3A_151 = tpu.memref_squeeze %dma_start3A_150 : memref<1x128x8xf32, #tpu.memory_space<vmem>> -> memref<128x8xf32, #tpu.memory_space<vmem>>
    %dma_start3A_152 = arith.constant 0 : i32
    %dma_start3A_153 = tpu.memref_slice %arg5[%dma_start3A_146, %dma_start3A_152] : memref<64x128xi32, #tpu.memory_space<vmem>> -> memref<1x128xi32, #tpu.memory_space<vmem>>
    %dma_start3A_154 = tpu.memref_squeeze %dma_start3A_153 : memref<1x128xi32, #tpu.memory_space<vmem>> -> memref<128xi32, #tpu.memory_space<vmem>>
    %dma_start3A_155 = arith.constant 0 : i32
    %dma_start3A_156 = arith.constant 0 : i32
    %dma_start3A_157 = tpu.memref_slice %arg2[%dma_start3A_155, %dma_start3A_156] : memref<1048576x8xf32, #tpu.memory_space<hbm>> -> memref<1048576x8xf32, #tpu.memory_space<hbm>>
    tpu.enqueue_indirect_dma source(%dma_start3A_157 : memref<1048576x8xf32, #tpu.memory_space<hbm>>) target(%dma_start3A_151 : memref<128x8xf32, #tpu.memory_space<vmem>>) offsets(%dma_start3A_154 : memref<128xi32, #tpu.memory_space<vmem>>) semaphore(%arg7 : memref<!tpu.dma_semaphore, #tpu.memory_space<semaphore_mem>>)
    %dma_start3A_158 = arith.constant 13 : i32
    %dma_start3A_159 = arith.constant 13 : i32
    %dma_start3A_160 = arith.constant 0 : i32
    %dma_start3A_161 = arith.constant 0 : i32
    %dma_start3A_162 = tpu.memref_slice %arg6[%dma_start3A_159, %dma_start3A_160, %dma_start3A_161] : memref<64x128x8xf32, #tpu.memory_space<vmem>> -> memref<1x128x8xf32, #tpu.memory_space<vmem>>
    %dma_start3A_163 = tpu.memref_squeeze %dma_start3A_162 : memref<1x128x8xf32, #tpu.memory_space<vmem>> -> memref<128x8xf32, #tpu.memory_space<vmem>>
    %dma_start3A_164 = arith.constant 0 : i32
    %dma_start3A_165 = tpu.memref_slice %arg5[%dma_start3A_158, %dma_start3A_164] : memref<64x128xi32, #tpu.memory_space<vmem>> -> memref<1x128xi32, #tpu.memory_space<vmem>>
    %dma_start3A_166 = tpu.memref_squeeze %dma_start3A_165 : memref<1x128xi32, #tpu.memory_space<vmem>> -> memref<128xi32, #tpu.memory_space<vmem>>
    %dma_start3A_167 = arith.constant 0 : i32
    %dma_start3A_168 = arith.constant 0 : i32
    %dma_start3A_169 = tpu.memref_slice %arg2[%dma_start3A_167, %dma_start3A_168] : memref<1048576x8xf32, #tpu.memory_space<hbm>> -> memref<1048576x8xf32, #tpu.memory_space<hbm>>
    tpu.enqueue_indirect_dma source(%dma_start3A_169 : memref<1048576x8xf32, #tpu.memory_space<hbm>>) target(%dma_start3A_163 : memref<128x8xf32, #tpu.memory_space<vmem>>) offsets(%dma_start3A_166 : memref<128xi32, #tpu.memory_space<vmem>>) semaphore(%arg7 : memref<!tpu.dma_semaphore, #tpu.memory_space<semaphore_mem>>)
    %dma_start3A_170 = arith.constant 14 : i32
    %dma_start3A_171 = arith.constant 14 : i32
    %dma_start3A_172 = arith.constant 0 : i32
    %dma_start3A_173 = arith.constant 0 : i32
    %dma_start3A_174 = tpu.memref_slice %arg6[%dma_start3A_171, %dma_start3A_172, %dma_start3A_173] : memref<64x128x8xf32, #tpu.memory_space<vmem>> -> memref<1x128x8xf32, #tpu.memory_space<vmem>>
    %dma_start3A_175 = tpu.memref_squeeze %dma_start3A_174 : memref<1x128x8xf32, #tpu.memory_space<vmem>> -> memref<128x8xf32, #tpu.memory_space<vmem>>
    %dma_start3A_176 = arith.constant 0 : i32
    %dma_start3A_177 = tpu.memref_slice %arg5[%dma_start3A_170, %dma_start3A_176] : memref<64x128xi32, #tpu.memory_space<vmem>> -> memref<1x128xi32, #tpu.memory_space<vmem>>
    %dma_start3A_178 = tpu.memref_squeeze %dma_start3A_177 : memref<1x128xi32, #tpu.memory_space<vmem>> -> memref<128xi32, #tpu.memory_space<vmem>>
    %dma_start3A_179 = arith.constant 0 : i32
    %dma_start3A_180 = arith.constant 0 : i32
    %dma_start3A_181 = tpu.memref_slice %arg2[%dma_start3A_179, %dma_start3A_180] : memref<1048576x8xf32, #tpu.memory_space<hbm>> -> memref<1048576x8xf32, #tpu.memory_space<hbm>>
    tpu.enqueue_indirect_dma source(%dma_start3A_181 : memref<1048576x8xf32, #tpu.memory_space<hbm>>) target(%dma_start3A_175 : memref<128x8xf32, #tpu.memory_space<vmem>>) offsets(%dma_start3A_178 : memref<128xi32, #tpu.memory_space<vmem>>) semaphore(%arg7 : memref<!tpu.dma_semaphore, #tpu.memory_space<semaphore_mem>>)
    %dma_start3A_182 = arith.constant 15 : i32
    %dma_start3A_183 = arith.constant 15 : i32
    %dma_start3A_184 = arith.constant 0 : i32
    %dma_start3A_185 = arith.constant 0 : i32
    %dma_start3A_186 = tpu.memref_slice %arg6[%dma_start3A_183, %dma_start3A_184, %dma_start3A_185] : memref<64x128x8xf32, #tpu.memory_space<vmem>> -> memref<1x128x8xf32, #tpu.memory_space<vmem>>
    %dma_start3A_187 = tpu.memref_squeeze %dma_start3A_186 : memref<1x128x8xf32, #tpu.memory_space<vmem>> -> memref<128x8xf32, #tpu.memory_space<vmem>>
    %dma_start3A_188 = arith.constant 0 : i32
    %dma_start3A_189 = tpu.memref_slice %arg5[%dma_start3A_182, %dma_start3A_188] : memref<64x128xi32, #tpu.memory_space<vmem>> -> memref<1x128xi32, #tpu.memory_space<vmem>>
    %dma_start3A_190 = tpu.memref_squeeze %dma_start3A_189 : memref<1x128xi32, #tpu.memory_space<vmem>> -> memref<128xi32, #tpu.memory_space<vmem>>
    %dma_start3A_191 = arith.constant 0 : i32
    %dma_start3A_192 = arith.constant 0 : i32
    %dma_start3A_193 = tpu.memref_slice %arg2[%dma_start3A_191, %dma_start3A_192] : memref<1048576x8xf32, #tpu.memory_space<hbm>> -> memref<1048576x8xf32, #tpu.memory_space<hbm>>
    tpu.enqueue_indirect_dma source(%dma_start3A_193 : memref<1048576x8xf32, #tpu.memory_space<hbm>>) target(%dma_start3A_187 : memref<128x8xf32, #tpu.memory_space<vmem>>) offsets(%dma_start3A_190 : memref<128xi32, #tpu.memory_space<vmem>>) semaphore(%arg7 : memref<!tpu.dma_semaphore, #tpu.memory_space<semaphore_mem>>)
    %dma_start3A_194 = arith.constant 16 : i32
    %dma_start3A_195 = arith.constant 16 : i32
    %dma_start3A_196 = arith.constant 0 : i32
    %dma_start3A_197 = arith.constant 0 : i32
    %dma_start3A_198 = tpu.memref_slice %arg6[%dma_start3A_195, %dma_start3A_196, %dma_start3A_197] : memref<64x128x8xf32, #tpu.memory_space<vmem>> -> memref<1x128x8xf32, #tpu.memory_space<vmem>>
    %dma_start3A_199 = tpu.memref_squeeze %dma_start3A_198 : memref<1x128x8xf32, #tpu.memory_space<vmem>> -> memref<128x8xf32, #tpu.memory_space<vmem>>
    %dma_start3A_200 = arith.constant 0 : i32
    %dma_start3A_201 = tpu.memref_slice %arg5[%dma_start3A_194, %dma_start3A_200] : memref<64x128xi32, #tpu.memory_space<vmem>> -> memref<1x128xi32, #tpu.memory_space<vmem>>
    %dma_start3A_202 = tpu.memref_squeeze %dma_start3A_201 : memref<1x128xi32, #tpu.memory_space<vmem>> -> memref<128xi32, #tpu.memory_space<vmem>>
    %dma_start3A_203 = arith.constant 0 : i32
    %dma_start3A_204 = arith.constant 0 : i32
    %dma_start3A_205 = tpu.memref_slice %arg2[%dma_start3A_203, %dma_start3A_204] : memref<1048576x8xf32, #tpu.memory_space<hbm>> -> memref<1048576x8xf32, #tpu.memory_space<hbm>>
    tpu.enqueue_indirect_dma source(%dma_start3A_205 : memref<1048576x8xf32, #tpu.memory_space<hbm>>) target(%dma_start3A_199 : memref<128x8xf32, #tpu.memory_space<vmem>>) offsets(%dma_start3A_202 : memref<128xi32, #tpu.memory_space<vmem>>) semaphore(%arg7 : memref<!tpu.dma_semaphore, #tpu.memory_space<semaphore_mem>>)
    %dma_start3A_206 = arith.constant 17 : i32
    %dma_start3A_207 = arith.constant 17 : i32
    %dma_start3A_208 = arith.constant 0 : i32
    %dma_start3A_209 = arith.constant 0 : i32
    %dma_start3A_210 = tpu.memref_slice %arg6[%dma_start3A_207, %dma_start3A_208, %dma_start3A_209] : memref<64x128x8xf32, #tpu.memory_space<vmem>> -> memref<1x128x8xf32, #tpu.memory_space<vmem>>
    %dma_start3A_211 = tpu.memref_squeeze %dma_start3A_210 : memref<1x128x8xf32, #tpu.memory_space<vmem>> -> memref<128x8xf32, #tpu.memory_space<vmem>>
    %dma_start3A_212 = arith.constant 0 : i32
    %dma_start3A_213 = tpu.memref_slice %arg5[%dma_start3A_206, %dma_start3A_212] : memref<64x128xi32, #tpu.memory_space<vmem>> -> memref<1x128xi32, #tpu.memory_space<vmem>>
    %dma_start3A_214 = tpu.memref_squeeze %dma_start3A_213 : memref<1x128xi32, #tpu.memory_space<vmem>> -> memref<128xi32, #tpu.memory_space<vmem>>
    %dma_start3A_215 = arith.constant 0 : i32
    %dma_start3A_216 = arith.constant 0 : i32
    %dma_start3A_217 = tpu.memref_slice %arg2[%dma_start3A_215, %dma_start3A_216] : memref<1048576x8xf32, #tpu.memory_space<hbm>> -> memref<1048576x8xf32, #tpu.memory_space<hbm>>
    tpu.enqueue_indirect_dma source(%dma_start3A_217 : memref<1048576x8xf32, #tpu.memory_space<hbm>>) target(%dma_start3A_211 : memref<128x8xf32, #tpu.memory_space<vmem>>) offsets(%dma_start3A_214 : memref<128xi32, #tpu.memory_space<vmem>>) semaphore(%arg7 : memref<!tpu.dma_semaphore, #tpu.memory_space<semaphore_mem>>)
    %dma_start3A_218 = arith.constant 18 : i32
    %dma_start3A_219 = arith.constant 18 : i32
    %dma_start3A_220 = arith.constant 0 : i32
    %dma_start3A_221 = arith.constant 0 : i32
    %dma_start3A_222 = tpu.memref_slice %arg6[%dma_start3A_219, %dma_start3A_220, %dma_start3A_221] : memref<64x128x8xf32, #tpu.memory_space<vmem>> -> memref<1x128x8xf32, #tpu.memory_space<vmem>>
    %dma_start3A_223 = tpu.memref_squeeze %dma_start3A_222 : memref<1x128x8xf32, #tpu.memory_space<vmem>> -> memref<128x8xf32, #tpu.memory_space<vmem>>
    %dma_start3A_224 = arith.constant 0 : i32
    %dma_start3A_225 = tpu.memref_slice %arg5[%dma_start3A_218, %dma_start3A_224] : memref<64x128xi32, #tpu.memory_space<vmem>> -> memref<1x128xi32, #tpu.memory_space<vmem>>
    %dma_start3A_226 = tpu.memref_squeeze %dma_start3A_225 : memref<1x128xi32, #tpu.memory_space<vmem>> -> memref<128xi32, #tpu.memory_space<vmem>>
    %dma_start3A_227 = arith.constant 0 : i32
    %dma_start3A_228 = arith.constant 0 : i32
    %dma_start3A_229 = tpu.memref_slice %arg2[%dma_start3A_227, %dma_start3A_228] : memref<1048576x8xf32, #tpu.memory_space<hbm>> -> memref<1048576x8xf32, #tpu.memory_space<hbm>>
    tpu.enqueue_indirect_dma source(%dma_start3A_229 : memref<1048576x8xf32, #tpu.memory_space<hbm>>) target(%dma_start3A_223 : memref<128x8xf32, #tpu.memory_space<vmem>>) offsets(%dma_start3A_226 : memref<128xi32, #tpu.memory_space<vmem>>) semaphore(%arg7 : memref<!tpu.dma_semaphore, #tpu.memory_space<semaphore_mem>>)
    %dma_start3A_230 = arith.constant 19 : i32
    %dma_start3A_231 = arith.constant 19 : i32
    %dma_start3A_232 = arith.constant 0 : i32
    %dma_start3A_233 = arith.constant 0 : i32
    %dma_start3A_234 = tpu.memref_slice %arg6[%dma_start3A_231, %dma_start3A_232, %dma_start3A_233] : memref<64x128x8xf32, #tpu.memory_space<vmem>> -> memref<1x128x8xf32, #tpu.memory_space<vmem>>
    %dma_start3A_235 = tpu.memref_squeeze %dma_start3A_234 : memref<1x128x8xf32, #tpu.memory_space<vmem>> -> memref<128x8xf32, #tpu.memory_space<vmem>>
    %dma_start3A_236 = arith.constant 0 : i32
    %dma_start3A_237 = tpu.memref_slice %arg5[%dma_start3A_230, %dma_start3A_236] : memref<64x128xi32, #tpu.memory_space<vmem>> -> memref<1x128xi32, #tpu.memory_space<vmem>>
    %dma_start3A_238 = tpu.memref_squeeze %dma_start3A_237 : memref<1x128xi32, #tpu.memory_space<vmem>> -> memref<128xi32, #tpu.memory_space<vmem>>
    %dma_start3A_239 = arith.constant 0 : i32
    %dma_start3A_240 = arith.constant 0 : i32
    %dma_start3A_241 = tpu.memref_slice %arg2[%dma_start3A_239, %dma_start3A_240] : memref<1048576x8xf32, #tpu.memory_space<hbm>> -> memref<1048576x8xf32, #tpu.memory_space<hbm>>
    tpu.enqueue_indirect_dma source(%dma_start3A_241 : memref<1048576x8xf32, #tpu.memory_space<hbm>>) target(%dma_start3A_235 : memref<128x8xf32, #tpu.memory_space<vmem>>) offsets(%dma_start3A_238 : memref<128xi32, #tpu.memory_space<vmem>>) semaphore(%arg7 : memref<!tpu.dma_semaphore, #tpu.memory_space<semaphore_mem>>)
    %dma_start3A_242 = arith.constant 20 : i32
    %dma_start3A_243 = arith.constant 20 : i32
    %dma_start3A_244 = arith.constant 0 : i32
    %dma_start3A_245 = arith.constant 0 : i32
    %dma_start3A_246 = tpu.memref_slice %arg6[%dma_start3A_243, %dma_start3A_244, %dma_start3A_245] : memref<64x128x8xf32, #tpu.memory_space<vmem>> -> memref<1x128x8xf32, #tpu.memory_space<vmem>>
    %dma_start3A_247 = tpu.memref_squeeze %dma_start3A_246 : memref<1x128x8xf32, #tpu.memory_space<vmem>> -> memref<128x8xf32, #tpu.memory_space<vmem>>
    %dma_start3A_248 = arith.constant 0 : i32
    %dma_start3A_249 = tpu.memref_slice %arg5[%dma_start3A_242, %dma_start3A_248] : memref<64x128xi32, #tpu.memory_space<vmem>> -> memref<1x128xi32, #tpu.memory_space<vmem>>
    %dma_start3A_250 = tpu.memref_squeeze %dma_start3A_249 : memref<1x128xi32, #tpu.memory_space<vmem>> -> memref<128xi32, #tpu.memory_space<vmem>>
    %dma_start3A_251 = arith.constant 0 : i32
    %dma_start3A_252 = arith.constant 0 : i32
    %dma_start3A_253 = tpu.memref_slice %arg2[%dma_start3A_251, %dma_start3A_252] : memref<1048576x8xf32, #tpu.memory_space<hbm>> -> memref<1048576x8xf32, #tpu.memory_space<hbm>>
    tpu.enqueue_indirect_dma source(%dma_start3A_253 : memref<1048576x8xf32, #tpu.memory_space<hbm>>) target(%dma_start3A_247 : memref<128x8xf32, #tpu.memory_space<vmem>>) offsets(%dma_start3A_250 : memref<128xi32, #tpu.memory_space<vmem>>) semaphore(%arg7 : memref<!tpu.dma_semaphore, #tpu.memory_space<semaphore_mem>>)
    %dma_start3A_254 = arith.constant 21 : i32
    %dma_start3A_255 = arith.constant 21 : i32
    %dma_start3A_256 = arith.constant 0 : i32
    %dma_start3A_257 = arith.constant 0 : i32
    %dma_start3A_258 = tpu.memref_slice %arg6[%dma_start3A_255, %dma_start3A_256, %dma_start3A_257] : memref<64x128x8xf32, #tpu.memory_space<vmem>> -> memref<1x128x8xf32, #tpu.memory_space<vmem>>
    %dma_start3A_259 = tpu.memref_squeeze %dma_start3A_258 : memref<1x128x8xf32, #tpu.memory_space<vmem>> -> memref<128x8xf32, #tpu.memory_space<vmem>>
    %dma_start3A_260 = arith.constant 0 : i32
    %dma_start3A_261 = tpu.memref_slice %arg5[%dma_start3A_254, %dma_start3A_260] : memref<64x128xi32, #tpu.memory_space<vmem>> -> memref<1x128xi32, #tpu.memory_space<vmem>>
    %dma_start3A_262 = tpu.memref_squeeze %dma_start3A_261 : memref<1x128xi32, #tpu.memory_space<vmem>> -> memref<128xi32, #tpu.memory_space<vmem>>
    %dma_start3A_263 = arith.constant 0 : i32
    %dma_start3A_264 = arith.constant 0 : i32
    %dma_start3A_265 = tpu.memref_slice %arg2[%dma_start3A_263, %dma_start3A_264] : memref<1048576x8xf32, #tpu.memory_space<hbm>> -> memref<1048576x8xf32, #tpu.memory_space<hbm>>
    tpu.enqueue_indirect_dma source(%dma_start3A_265 : memref<1048576x8xf32, #tpu.memory_space<hbm>>) target(%dma_start3A_259 : memref<128x8xf32, #tpu.memory_space<vmem>>) offsets(%dma_start3A_262 : memref<128xi32, #tpu.memory_space<vmem>>) semaphore(%arg7 : memref<!tpu.dma_semaphore, #tpu.memory_space<semaphore_mem>>)
    %dma_start3A_266 = arith.constant 22 : i32
    %dma_start3A_267 = arith.constant 22 : i32
    %dma_start3A_268 = arith.constant 0 : i32
    %dma_start3A_269 = arith.constant 0 : i32
    %dma_start3A_270 = tpu.memref_slice %arg6[%dma_start3A_267, %dma_start3A_268, %dma_start3A_269] : memref<64x128x8xf32, #tpu.memory_space<vmem>> -> memref<1x128x8xf32, #tpu.memory_space<vmem>>
    %dma_start3A_271 = tpu.memref_squeeze %dma_start3A_270 : memref<1x128x8xf32, #tpu.memory_space<vmem>> -> memref<128x8xf32, #tpu.memory_space<vmem>>
    %dma_start3A_272 = arith.constant 0 : i32
    %dma_start3A_273 = tpu.memref_slice %arg5[%dma_start3A_266, %dma_start3A_272] : memref<64x128xi32, #tpu.memory_space<vmem>> -> memref<1x128xi32, #tpu.memory_space<vmem>>
    %dma_start3A_274 = tpu.memref_squeeze %dma_start3A_273 : memref<1x128xi32, #tpu.memory_space<vmem>> -> memref<128xi32, #tpu.memory_space<vmem>>
    %dma_start3A_275 = arith.constant 0 : i32
    %dma_start3A_276 = arith.constant 0 : i32
    %dma_start3A_277 = tpu.memref_slice %arg2[%dma_start3A_275, %dma_start3A_276] : memref<1048576x8xf32, #tpu.memory_space<hbm>> -> memref<1048576x8xf32, #tpu.memory_space<hbm>>
    tpu.enqueue_indirect_dma source(%dma_start3A_277 : memref<1048576x8xf32, #tpu.memory_space<hbm>>) target(%dma_start3A_271 : memref<128x8xf32, #tpu.memory_space<vmem>>) offsets(%dma_start3A_274 : memref<128xi32, #tpu.memory_space<vmem>>) semaphore(%arg7 : memref<!tpu.dma_semaphore, #tpu.memory_space<semaphore_mem>>)
    %dma_start3A_278 = arith.constant 23 : i32
    %dma_start3A_279 = arith.constant 23 : i32
    %dma_start3A_280 = arith.constant 0 : i32
    %dma_start3A_281 = arith.constant 0 : i32
    %dma_start3A_282 = tpu.memref_slice %arg6[%dma_start3A_279, %dma_start3A_280, %dma_start3A_281] : memref<64x128x8xf32, #tpu.memory_space<vmem>> -> memref<1x128x8xf32, #tpu.memory_space<vmem>>
    %dma_start3A_283 = tpu.memref_squeeze %dma_start3A_282 : memref<1x128x8xf32, #tpu.memory_space<vmem>> -> memref<128x8xf32, #tpu.memory_space<vmem>>
    %dma_start3A_284 = arith.constant 0 : i32
    %dma_start3A_285 = tpu.memref_slice %arg5[%dma_start3A_278, %dma_start3A_284] : memref<64x128xi32, #tpu.memory_space<vmem>> -> memref<1x128xi32, #tpu.memory_space<vmem>>
    %dma_start3A_286 = tpu.memref_squeeze %dma_start3A_285 : memref<1x128xi32, #tpu.memory_space<vmem>> -> memref<128xi32, #tpu.memory_space<vmem>>
    %dma_start3A_287 = arith.constant 0 : i32
    %dma_start3A_288 = arith.constant 0 : i32
    %dma_start3A_289 = tpu.memref_slice %arg2[%dma_start3A_287, %dma_start3A_288] : memref<1048576x8xf32, #tpu.memory_space<hbm>> -> memref<1048576x8xf32, #tpu.memory_space<hbm>>
    tpu.enqueue_indirect_dma source(%dma_start3A_289 : memref<1048576x8xf32, #tpu.memory_space<hbm>>) target(%dma_start3A_283 : memref<128x8xf32, #tpu.memory_space<vmem>>) offsets(%dma_start3A_286 : memref<128xi32, #tpu.memory_space<vmem>>) semaphore(%arg7 : memref<!tpu.dma_semaphore, #tpu.memory_space<semaphore_mem>>)
    %dma_start3A_290 = arith.constant 24 : i32
    %dma_start3A_291 = arith.constant 24 : i32
    %dma_start3A_292 = arith.constant 0 : i32
    %dma_start3A_293 = arith.constant 0 : i32
    %dma_start3A_294 = tpu.memref_slice %arg6[%dma_start3A_291, %dma_start3A_292, %dma_start3A_293] : memref<64x128x8xf32, #tpu.memory_space<vmem>> -> memref<1x128x8xf32, #tpu.memory_space<vmem>>
    %dma_start3A_295 = tpu.memref_squeeze %dma_start3A_294 : memref<1x128x8xf32, #tpu.memory_space<vmem>> -> memref<128x8xf32, #tpu.memory_space<vmem>>
    %dma_start3A_296 = arith.constant 0 : i32
    %dma_start3A_297 = tpu.memref_slice %arg5[%dma_start3A_290, %dma_start3A_296] : memref<64x128xi32, #tpu.memory_space<vmem>> -> memref<1x128xi32, #tpu.memory_space<vmem>>
    %dma_start3A_298 = tpu.memref_squeeze %dma_start3A_297 : memref<1x128xi32, #tpu.memory_space<vmem>> -> memref<128xi32, #tpu.memory_space<vmem>>
    %dma_start3A_299 = arith.constant 0 : i32
    %dma_start3A_300 = arith.constant 0 : i32
    %dma_start3A_301 = tpu.memref_slice %arg2[%dma_start3A_299, %dma_start3A_300] : memref<1048576x8xf32, #tpu.memory_space<hbm>> -> memref<1048576x8xf32, #tpu.memory_space<hbm>>
    tpu.enqueue_indirect_dma source(%dma_start3A_301 : memref<1048576x8xf32, #tpu.memory_space<hbm>>) target(%dma_start3A_295 : memref<128x8xf32, #tpu.memory_space<vmem>>) offsets(%dma_start3A_298 : memref<128xi32, #tpu.memory_space<vmem>>) semaphore(%arg7 : memref<!tpu.dma_semaphore, #tpu.memory_space<semaphore_mem>>)
    %dma_start3A_302 = arith.constant 25 : i32
    %dma_start3A_303 = arith.constant 25 : i32
    %dma_start3A_304 = arith.constant 0 : i32
    %dma_start3A_305 = arith.constant 0 : i32
    %dma_start3A_306 = tpu.memref_slice %arg6[%dma_start3A_303, %dma_start3A_304, %dma_start3A_305] : memref<64x128x8xf32, #tpu.memory_space<vmem>> -> memref<1x128x8xf32, #tpu.memory_space<vmem>>
    %dma_start3A_307 = tpu.memref_squeeze %dma_start3A_306 : memref<1x128x8xf32, #tpu.memory_space<vmem>> -> memref<128x8xf32, #tpu.memory_space<vmem>>
    %dma_start3A_308 = arith.constant 0 : i32
    %dma_start3A_309 = tpu.memref_slice %arg5[%dma_start3A_302, %dma_start3A_308] : memref<64x128xi32, #tpu.memory_space<vmem>> -> memref<1x128xi32, #tpu.memory_space<vmem>>
    %dma_start3A_310 = tpu.memref_squeeze %dma_start3A_309 : memref<1x128xi32, #tpu.memory_space<vmem>> -> memref<128xi32, #tpu.memory_space<vmem>>
    %dma_start3A_311 = arith.constant 0 : i32
    %dma_start3A_312 = arith.constant 0 : i32
    %dma_start3A_313 = tpu.memref_slice %arg2[%dma_start3A_311, %dma_start3A_312] : memref<1048576x8xf32, #tpu.memory_space<hbm>> -> memref<1048576x8xf32, #tpu.memory_space<hbm>>
    tpu.enqueue_indirect_dma source(%dma_start3A_313 : memref<1048576x8xf32, #tpu.memory_space<hbm>>) target(%dma_start3A_307 : memref<128x8xf32, #tpu.memory_space<vmem>>) offsets(%dma_start3A_310 : memref<128xi32, #tpu.memory_space<vmem>>) semaphore(%arg7 : memref<!tpu.dma_semaphore, #tpu.memory_space<semaphore_mem>>)
    %dma_start3A_314 = arith.constant 26 : i32
    %dma_start3A_315 = arith.constant 26 : i32
    %dma_start3A_316 = arith.constant 0 : i32
    %dma_start3A_317 = arith.constant 0 : i32
    %dma_start3A_318 = tpu.memref_slice %arg6[%dma_start3A_315, %dma_start3A_316, %dma_start3A_317] : memref<64x128x8xf32, #tpu.memory_space<vmem>> -> memref<1x128x8xf32, #tpu.memory_space<vmem>>
    %dma_start3A_319 = tpu.memref_squeeze %dma_start3A_318 : memref<1x128x8xf32, #tpu.memory_space<vmem>> -> memref<128x8xf32, #tpu.memory_space<vmem>>
    %dma_start3A_320 = arith.constant 0 : i32
    %dma_start3A_321 = tpu.memref_slice %arg5[%dma_start3A_314, %dma_start3A_320] : memref<64x128xi32, #tpu.memory_space<vmem>> -> memref<1x128xi32, #tpu.memory_space<vmem>>
    %dma_start3A_322 = tpu.memref_squeeze %dma_start3A_321 : memref<1x128xi32, #tpu.memory_space<vmem>> -> memref<128xi32, #tpu.memory_space<vmem>>
    %dma_start3A_323 = arith.constant 0 : i32
    %dma_start3A_324 = arith.constant 0 : i32
    %dma_start3A_325 = tpu.memref_slice %arg2[%dma_start3A_323, %dma_start3A_324] : memref<1048576x8xf32, #tpu.memory_space<hbm>> -> memref<1048576x8xf32, #tpu.memory_space<hbm>>
    tpu.enqueue_indirect_dma source(%dma_start3A_325 : memref<1048576x8xf32, #tpu.memory_space<hbm>>) target(%dma_start3A_319 : memref<128x8xf32, #tpu.memory_space<vmem>>) offsets(%dma_start3A_322 : memref<128xi32, #tpu.memory_space<vmem>>) semaphore(%arg7 : memref<!tpu.dma_semaphore, #tpu.memory_space<semaphore_mem>>)
    %dma_start3A_326 = arith.constant 27 : i32
    %dma_start3A_327 = arith.constant 27 : i32
    %dma_start3A_328 = arith.constant 0 : i32
    %dma_start3A_329 = arith.constant 0 : i32
    %dma_start3A_330 = tpu.memref_slice %arg6[%dma_start3A_327, %dma_start3A_328, %dma_start3A_329] : memref<64x128x8xf32, #tpu.memory_space<vmem>> -> memref<1x128x8xf32, #tpu.memory_space<vmem>>
    %dma_start3A_331 = tpu.memref_squeeze %dma_start3A_330 : memref<1x128x8xf32, #tpu.memory_space<vmem>> -> memref<128x8xf32, #tpu.memory_space<vmem>>
    %dma_start3A_332 = arith.constant 0 : i32
    %dma_start3A_333 = tpu.memref_slice %arg5[%dma_start3A_326, %dma_start3A_332] : memref<64x128xi32, #tpu.memory_space<vmem>> -> memref<1x128xi32, #tpu.memory_space<vmem>>
    %dma_start3A_334 = tpu.memref_squeeze %dma_start3A_333 : memref<1x128xi32, #tpu.memory_space<vmem>> -> memref<128xi32, #tpu.memory_space<vmem>>
    %dma_start3A_335 = arith.constant 0 : i32
    %dma_start3A_336 = arith.constant 0 : i32
    %dma_start3A_337 = tpu.memref_slice %arg2[%dma_start3A_335, %dma_start3A_336] : memref<1048576x8xf32, #tpu.memory_space<hbm>> -> memref<1048576x8xf32, #tpu.memory_space<hbm>>
    tpu.enqueue_indirect_dma source(%dma_start3A_337 : memref<1048576x8xf32, #tpu.memory_space<hbm>>) target(%dma_start3A_331 : memref<128x8xf32, #tpu.memory_space<vmem>>) offsets(%dma_start3A_334 : memref<128xi32, #tpu.memory_space<vmem>>) semaphore(%arg7 : memref<!tpu.dma_semaphore, #tpu.memory_space<semaphore_mem>>)
    %dma_start3A_338 = arith.constant 28 : i32
    %dma_start3A_339 = arith.constant 28 : i32
    %dma_start3A_340 = arith.constant 0 : i32
    %dma_start3A_341 = arith.constant 0 : i32
    %dma_start3A_342 = tpu.memref_slice %arg6[%dma_start3A_339, %dma_start3A_340, %dma_start3A_341] : memref<64x128x8xf32, #tpu.memory_space<vmem>> -> memref<1x128x8xf32, #tpu.memory_space<vmem>>
    %dma_start3A_343 = tpu.memref_squeeze %dma_start3A_342 : memref<1x128x8xf32, #tpu.memory_space<vmem>> -> memref<128x8xf32, #tpu.memory_space<vmem>>
    %dma_start3A_344 = arith.constant 0 : i32
    %dma_start3A_345 = tpu.memref_slice %arg5[%dma_start3A_338, %dma_start3A_344] : memref<64x128xi32, #tpu.memory_space<vmem>> -> memref<1x128xi32, #tpu.memory_space<vmem>>
    %dma_start3A_346 = tpu.memref_squeeze %dma_start3A_345 : memref<1x128xi32, #tpu.memory_space<vmem>> -> memref<128xi32, #tpu.memory_space<vmem>>
    %dma_start3A_347 = arith.constant 0 : i32
    %dma_start3A_348 = arith.constant 0 : i32
    %dma_start3A_349 = tpu.memref_slice %arg2[%dma_start3A_347, %dma_start3A_348] : memref<1048576x8xf32, #tpu.memory_space<hbm>> -> memref<1048576x8xf32, #tpu.memory_space<hbm>>
    tpu.enqueue_indirect_dma source(%dma_start3A_349 : memref<1048576x8xf32, #tpu.memory_space<hbm>>) target(%dma_start3A_343 : memref<128x8xf32, #tpu.memory_space<vmem>>) offsets(%dma_start3A_346 : memref<128xi32, #tpu.memory_space<vmem>>) semaphore(%arg7 : memref<!tpu.dma_semaphore, #tpu.memory_space<semaphore_mem>>)
    %dma_start3A_350 = arith.constant 29 : i32
    %dma_start3A_351 = arith.constant 29 : i32
    %dma_start3A_352 = arith.constant 0 : i32
    %dma_start3A_353 = arith.constant 0 : i32
    %dma_start3A_354 = tpu.memref_slice %arg6[%dma_start3A_351, %dma_start3A_352, %dma_start3A_353] : memref<64x128x8xf32, #tpu.memory_space<vmem>> -> memref<1x128x8xf32, #tpu.memory_space<vmem>>
    %dma_start3A_355 = tpu.memref_squeeze %dma_start3A_354 : memref<1x128x8xf32, #tpu.memory_space<vmem>> -> memref<128x8xf32, #tpu.memory_space<vmem>>
    %dma_start3A_356 = arith.constant 0 : i32
    %dma_start3A_357 = tpu.memref_slice %arg5[%dma_start3A_350, %dma_start3A_356] : memref<64x128xi32, #tpu.memory_space<vmem>> -> memref<1x128xi32, #tpu.memory_space<vmem>>
    %dma_start3A_358 = tpu.memref_squeeze %dma_start3A_357 : memref<1x128xi32, #tpu.memory_space<vmem>> -> memref<128xi32, #tpu.memory_space<vmem>>
    %dma_start3A_359 = arith.constant 0 : i32
    %dma_start3A_360 = arith.constant 0 : i32
    %dma_start3A_361 = tpu.memref_slice %arg2[%dma_start3A_359, %dma_start3A_360] : memref<1048576x8xf32, #tpu.memory_space<hbm>> -> memref<1048576x8xf32, #tpu.memory_space<hbm>>
    tpu.enqueue_indirect_dma source(%dma_start3A_361 : memref<1048576x8xf32, #tpu.memory_space<hbm>>) target(%dma_start3A_355 : memref<128x8xf32, #tpu.memory_space<vmem>>) offsets(%dma_start3A_358 : memref<128xi32, #tpu.memory_space<vmem>>) semaphore(%arg7 : memref<!tpu.dma_semaphore, #tpu.memory_space<semaphore_mem>>)
    %dma_start3A_362 = arith.constant 30 : i32
    %dma_start3A_363 = arith.constant 30 : i32
    %dma_start3A_364 = arith.constant 0 : i32
    %dma_start3A_365 = arith.constant 0 : i32
    %dma_start3A_366 = tpu.memref_slice %arg6[%dma_start3A_363, %dma_start3A_364, %dma_start3A_365] : memref<64x128x8xf32, #tpu.memory_space<vmem>> -> memref<1x128x8xf32, #tpu.memory_space<vmem>>
    %dma_start3A_367 = tpu.memref_squeeze %dma_start3A_366 : memref<1x128x8xf32, #tpu.memory_space<vmem>> -> memref<128x8xf32, #tpu.memory_space<vmem>>
    %dma_start3A_368 = arith.constant 0 : i32
    %dma_start3A_369 = tpu.memref_slice %arg5[%dma_start3A_362, %dma_start3A_368] : memref<64x128xi32, #tpu.memory_space<vmem>> -> memref<1x128xi32, #tpu.memory_space<vmem>>
    %dma_start3A_370 = tpu.memref_squeeze %dma_start3A_369 : memref<1x128xi32, #tpu.memory_space<vmem>> -> memref<128xi32, #tpu.memory_space<vmem>>
    %dma_start3A_371 = arith.constant 0 : i32
    %dma_start3A_372 = arith.constant 0 : i32
    %dma_start3A_373 = tpu.memref_slice %arg2[%dma_start3A_371, %dma_start3A_372] : memref<1048576x8xf32, #tpu.memory_space<hbm>> -> memref<1048576x8xf32, #tpu.memory_space<hbm>>
    tpu.enqueue_indirect_dma source(%dma_start3A_373 : memref<1048576x8xf32, #tpu.memory_space<hbm>>) target(%dma_start3A_367 : memref<128x8xf32, #tpu.memory_space<vmem>>) offsets(%dma_start3A_370 : memref<128xi32, #tpu.memory_space<vmem>>) semaphore(%arg7 : memref<!tpu.dma_semaphore, #tpu.memory_space<semaphore_mem>>)
    %dma_start3A_374 = arith.constant 31 : i32
    %dma_start3A_375 = arith.constant 31 : i32
    %dma_start3A_376 = arith.constant 0 : i32
    %dma_start3A_377 = arith.constant 0 : i32
    %dma_start3A_378 = tpu.memref_slice %arg6[%dma_start3A_375, %dma_start3A_376, %dma_start3A_377] : memref<64x128x8xf32, #tpu.memory_space<vmem>> -> memref<1x128x8xf32, #tpu.memory_space<vmem>>
    %dma_start3A_379 = tpu.memref_squeeze %dma_start3A_378 : memref<1x128x8xf32, #tpu.memory_space<vmem>> -> memref<128x8xf32, #tpu.memory_space<vmem>>
    %dma_start3A_380 = arith.constant 0 : i32
    %dma_start3A_381 = tpu.memref_slice %arg5[%dma_start3A_374, %dma_start3A_380] : memref<64x128xi32, #tpu.memory_space<vmem>> -> memref<1x128xi32, #tpu.memory_space<vmem>>
    %dma_start3A_382 = tpu.memref_squeeze %dma_start3A_381 : memref<1x128xi32, #tpu.memory_space<vmem>> -> memref<128xi32, #tpu.memory_space<vmem>>
    %dma_start3A_383 = arith.constant 0 : i32
    %dma_start3A_384 = arith.constant 0 : i32
    %dma_start3A_385 = tpu.memref_slice %arg2[%dma_start3A_383, %dma_start3A_384] : memref<1048576x8xf32, #tpu.memory_space<hbm>> -> memref<1048576x8xf32, #tpu.memory_space<hbm>>
    tpu.enqueue_indirect_dma source(%dma_start3A_385 : memref<1048576x8xf32, #tpu.memory_space<hbm>>) target(%dma_start3A_379 : memref<128x8xf32, #tpu.memory_space<vmem>>) offsets(%dma_start3A_382 : memref<128xi32, #tpu.memory_space<vmem>>) semaphore(%arg7 : memref<!tpu.dma_semaphore, #tpu.memory_space<semaphore_mem>>)
    %dma_start3A_386 = arith.constant 32 : i32
    %dma_start3A_387 = arith.constant 32 : i32
    %dma_start3A_388 = arith.constant 0 : i32
    %dma_start3A_389 = arith.constant 0 : i32
    %dma_start3A_390 = tpu.memref_slice %arg6[%dma_start3A_387, %dma_start3A_388, %dma_start3A_389] : memref<64x128x8xf32, #tpu.memory_space<vmem>> -> memref<1x128x8xf32, #tpu.memory_space<vmem>>
    %dma_start3A_391 = tpu.memref_squeeze %dma_start3A_390 : memref<1x128x8xf32, #tpu.memory_space<vmem>> -> memref<128x8xf32, #tpu.memory_space<vmem>>
    %dma_start3A_392 = arith.constant 0 : i32
    %dma_start3A_393 = tpu.memref_slice %arg5[%dma_start3A_386, %dma_start3A_392] : memref<64x128xi32, #tpu.memory_space<vmem>> -> memref<1x128xi32, #tpu.memory_space<vmem>>
    %dma_start3A_394 = tpu.memref_squeeze %dma_start3A_393 : memref<1x128xi32, #tpu.memory_space<vmem>> -> memref<128xi32, #tpu.memory_space<vmem>>
    %dma_start3A_395 = arith.constant 0 : i32
    %dma_start3A_396 = arith.constant 0 : i32
    %dma_start3A_397 = tpu.memref_slice %arg2[%dma_start3A_395, %dma_start3A_396] : memref<1048576x8xf32, #tpu.memory_space<hbm>> -> memref<1048576x8xf32, #tpu.memory_space<hbm>>
    tpu.enqueue_indirect_dma source(%dma_start3A_397 : memref<1048576x8xf32, #tpu.memory_space<hbm>>) target(%dma_start3A_391 : memref<128x8xf32, #tpu.memory_space<vmem>>) offsets(%dma_start3A_394 : memref<128xi32, #tpu.memory_space<vmem>>) semaphore(%arg7 : memref<!tpu.dma_semaphore, #tpu.memory_space<semaphore_mem>>)
    %dma_start3A_398 = arith.constant 33 : i32
    %dma_start3A_399 = arith.constant 33 : i32
    %dma_start3A_400 = arith.constant 0 : i32
    %dma_start3A_401 = arith.constant 0 : i32
    %dma_start3A_402 = tpu.memref_slice %arg6[%dma_start3A_399, %dma_start3A_400, %dma_start3A_401] : memref<64x128x8xf32, #tpu.memory_space<vmem>> -> memref<1x128x8xf32, #tpu.memory_space<vmem>>
    %dma_start3A_403 = tpu.memref_squeeze %dma_start3A_402 : memref<1x128x8xf32, #tpu.memory_space<vmem>> -> memref<128x8xf32, #tpu.memory_space<vmem>>
    %dma_start3A_404 = arith.constant 0 : i32
    %dma_start3A_405 = tpu.memref_slice %arg5[%dma_start3A_398, %dma_start3A_404] : memref<64x128xi32, #tpu.memory_space<vmem>> -> memref<1x128xi32, #tpu.memory_space<vmem>>
    %dma_start3A_406 = tpu.memref_squeeze %dma_start3A_405 : memref<1x128xi32, #tpu.memory_space<vmem>> -> memref<128xi32, #tpu.memory_space<vmem>>
    %dma_start3A_407 = arith.constant 0 : i32
    %dma_start3A_408 = arith.constant 0 : i32
    %dma_start3A_409 = tpu.memref_slice %arg2[%dma_start3A_407, %dma_start3A_408] : memref<1048576x8xf32, #tpu.memory_space<hbm>> -> memref<1048576x8xf32, #tpu.memory_space<hbm>>
    tpu.enqueue_indirect_dma source(%dma_start3A_409 : memref<1048576x8xf32, #tpu.memory_space<hbm>>) target(%dma_start3A_403 : memref<128x8xf32, #tpu.memory_space<vmem>>) offsets(%dma_start3A_406 : memref<128xi32, #tpu.memory_space<vmem>>) semaphore(%arg7 : memref<!tpu.dma_semaphore, #tpu.memory_space<semaphore_mem>>)
    %dma_start3A_410 = arith.constant 34 : i32
    %dma_start3A_411 = arith.constant 34 : i32
    %dma_start3A_412 = arith.constant 0 : i32
    %dma_start3A_413 = arith.constant 0 : i32
    %dma_start3A_414 = tpu.memref_slice %arg6[%dma_start3A_411, %dma_start3A_412, %dma_start3A_413] : memref<64x128x8xf32, #tpu.memory_space<vmem>> -> memref<1x128x8xf32, #tpu.memory_space<vmem>>
    %dma_start3A_415 = tpu.memref_squeeze %dma_start3A_414 : memref<1x128x8xf32, #tpu.memory_space<vmem>> -> memref<128x8xf32, #tpu.memory_space<vmem>>
    %dma_start3A_416 = arith.constant 0 : i32
    %dma_start3A_417 = tpu.memref_slice %arg5[%dma_start3A_410, %dma_start3A_416] : memref<64x128xi32, #tpu.memory_space<vmem>> -> memref<1x128xi32, #tpu.memory_space<vmem>>
    %dma_start3A_418 = tpu.memref_squeeze %dma_start3A_417 : memref<1x128xi32, #tpu.memory_space<vmem>> -> memref<128xi32, #tpu.memory_space<vmem>>
    %dma_start3A_419 = arith.constant 0 : i32
    %dma_start3A_420 = arith.constant 0 : i32
    %dma_start3A_421 = tpu.memref_slice %arg2[%dma_start3A_419, %dma_start3A_420] : memref<1048576x8xf32, #tpu.memory_space<hbm>> -> memref<1048576x8xf32, #tpu.memory_space<hbm>>
    tpu.enqueue_indirect_dma source(%dma_start3A_421 : memref<1048576x8xf32, #tpu.memory_space<hbm>>) target(%dma_start3A_415 : memref<128x8xf32, #tpu.memory_space<vmem>>) offsets(%dma_start3A_418 : memref<128xi32, #tpu.memory_space<vmem>>) semaphore(%arg7 : memref<!tpu.dma_semaphore, #tpu.memory_space<semaphore_mem>>)
    %dma_start3A_422 = arith.constant 35 : i32
    %dma_start3A_423 = arith.constant 35 : i32
    %dma_start3A_424 = arith.constant 0 : i32
    %dma_start3A_425 = arith.constant 0 : i32
    %dma_start3A_426 = tpu.memref_slice %arg6[%dma_start3A_423, %dma_start3A_424, %dma_start3A_425] : memref<64x128x8xf32, #tpu.memory_space<vmem>> -> memref<1x128x8xf32, #tpu.memory_space<vmem>>
    %dma_start3A_427 = tpu.memref_squeeze %dma_start3A_426 : memref<1x128x8xf32, #tpu.memory_space<vmem>> -> memref<128x8xf32, #tpu.memory_space<vmem>>
    %dma_start3A_428 = arith.constant 0 : i32
    %dma_start3A_429 = tpu.memref_slice %arg5[%dma_start3A_422, %dma_start3A_428] : memref<64x128xi32, #tpu.memory_space<vmem>> -> memref<1x128xi32, #tpu.memory_space<vmem>>
    %dma_start3A_430 = tpu.memref_squeeze %dma_start3A_429 : memref<1x128xi32, #tpu.memory_space<vmem>> -> memref<128xi32, #tpu.memory_space<vmem>>
    %dma_start3A_431 = arith.constant 0 : i32
    %dma_start3A_432 = arith.constant 0 : i32
    %dma_start3A_433 = tpu.memref_slice %arg2[%dma_start3A_431, %dma_start3A_432] : memref<1048576x8xf32, #tpu.memory_space<hbm>> -> memref<1048576x8xf32, #tpu.memory_space<hbm>>
    tpu.enqueue_indirect_dma source(%dma_start3A_433 : memref<1048576x8xf32, #tpu.memory_space<hbm>>) target(%dma_start3A_427 : memref<128x8xf32, #tpu.memory_space<vmem>>) offsets(%dma_start3A_430 : memref<128xi32, #tpu.memory_space<vmem>>) semaphore(%arg7 : memref<!tpu.dma_semaphore, #tpu.memory_space<semaphore_mem>>)
    %dma_start3A_434 = arith.constant 36 : i32
    %dma_start3A_435 = arith.constant 36 : i32
    %dma_start3A_436 = arith.constant 0 : i32
    %dma_start3A_437 = arith.constant 0 : i32
    %dma_start3A_438 = tpu.memref_slice %arg6[%dma_start3A_435, %dma_start3A_436, %dma_start3A_437] : memref<64x128x8xf32, #tpu.memory_space<vmem>> -> memref<1x128x8xf32, #tpu.memory_space<vmem>>
    %dma_start3A_439 = tpu.memref_squeeze %dma_start3A_438 : memref<1x128x8xf32, #tpu.memory_space<vmem>> -> memref<128x8xf32, #tpu.memory_space<vmem>>
    %dma_start3A_440 = arith.constant 0 : i32
    %dma_start3A_441 = tpu.memref_slice %arg5[%dma_start3A_434, %dma_start3A_440] : memref<64x128xi32, #tpu.memory_space<vmem>> -> memref<1x128xi32, #tpu.memory_space<vmem>>
    %dma_start3A_442 = tpu.memref_squeeze %dma_start3A_441 : memref<1x128xi32, #tpu.memory_space<vmem>> -> memref<128xi32, #tpu.memory_space<vmem>>
    %dma_start3A_443 = arith.constant 0 : i32
    %dma_start3A_444 = arith.constant 0 : i32
    %dma_start3A_445 = tpu.memref_slice %arg2[%dma_start3A_443, %dma_start3A_444] : memref<1048576x8xf32, #tpu.memory_space<hbm>> -> memref<1048576x8xf32, #tpu.memory_space<hbm>>
    tpu.enqueue_indirect_dma source(%dma_start3A_445 : memref<1048576x8xf32, #tpu.memory_space<hbm>>) target(%dma_start3A_439 : memref<128x8xf32, #tpu.memory_space<vmem>>) offsets(%dma_start3A_442 : memref<128xi32, #tpu.memory_space<vmem>>) semaphore(%arg7 : memref<!tpu.dma_semaphore, #tpu.memory_space<semaphore_mem>>)
    %dma_start3A_446 = arith.constant 37 : i32
    %dma_start3A_447 = arith.constant 37 : i32
    %dma_start3A_448 = arith.constant 0 : i32
    %dma_start3A_449 = arith.constant 0 : i32
    %dma_start3A_450 = tpu.memref_slice %arg6[%dma_start3A_447, %dma_start3A_448, %dma_start3A_449] : memref<64x128x8xf32, #tpu.memory_space<vmem>> -> memref<1x128x8xf32, #tpu.memory_space<vmem>>
    %dma_start3A_451 = tpu.memref_squeeze %dma_start3A_450 : memref<1x128x8xf32, #tpu.memory_space<vmem>> -> memref<128x8xf32, #tpu.memory_space<vmem>>
    %dma_start3A_452 = arith.constant 0 : i32
    %dma_start3A_453 = tpu.memref_slice %arg5[%dma_start3A_446, %dma_start3A_452] : memref<64x128xi32, #tpu.memory_space<vmem>> -> memref<1x128xi32, #tpu.memory_space<vmem>>
    %dma_start3A_454 = tpu.memref_squeeze %dma_start3A_453 : memref<1x128xi32, #tpu.memory_space<vmem>> -> memref<128xi32, #tpu.memory_space<vmem>>
    %dma_start3A_455 = arith.constant 0 : i32
    %dma_start3A_456 = arith.constant 0 : i32
    %dma_start3A_457 = tpu.memref_slice %arg2[%dma_start3A_455, %dma_start3A_456] : memref<1048576x8xf32, #tpu.memory_space<hbm>> -> memref<1048576x8xf32, #tpu.memory_space<hbm>>
    tpu.enqueue_indirect_dma source(%dma_start3A_457 : memref<1048576x8xf32, #tpu.memory_space<hbm>>) target(%dma_start3A_451 : memref<128x8xf32, #tpu.memory_space<vmem>>) offsets(%dma_start3A_454 : memref<128xi32, #tpu.memory_space<vmem>>) semaphore(%arg7 : memref<!tpu.dma_semaphore, #tpu.memory_space<semaphore_mem>>)
    %dma_start3A_458 = arith.constant 38 : i32
    %dma_start3A_459 = arith.constant 38 : i32
    %dma_start3A_460 = arith.constant 0 : i32
    %dma_start3A_461 = arith.constant 0 : i32
    %dma_start3A_462 = tpu.memref_slice %arg6[%dma_start3A_459, %dma_start3A_460, %dma_start3A_461] : memref<64x128x8xf32, #tpu.memory_space<vmem>> -> memref<1x128x8xf32, #tpu.memory_space<vmem>>
    %dma_start3A_463 = tpu.memref_squeeze %dma_start3A_462 : memref<1x128x8xf32, #tpu.memory_space<vmem>> -> memref<128x8xf32, #tpu.memory_space<vmem>>
    %dma_start3A_464 = arith.constant 0 : i32
    %dma_start3A_465 = tpu.memref_slice %arg5[%dma_start3A_458, %dma_start3A_464] : memref<64x128xi32, #tpu.memory_space<vmem>> -> memref<1x128xi32, #tpu.memory_space<vmem>>
    %dma_start3A_466 = tpu.memref_squeeze %dma_start3A_465 : memref<1x128xi32, #tpu.memory_space<vmem>> -> memref<128xi32, #tpu.memory_space<vmem>>
    %dma_start3A_467 = arith.constant 0 : i32
    %dma_start3A_468 = arith.constant 0 : i32
    %dma_start3A_469 = tpu.memref_slice %arg2[%dma_start3A_467, %dma_start3A_468] : memref<1048576x8xf32, #tpu.memory_space<hbm>> -> memref<1048576x8xf32, #tpu.memory_space<hbm>>
    tpu.enqueue_indirect_dma source(%dma_start3A_469 : memref<1048576x8xf32, #tpu.memory_space<hbm>>) target(%dma_start3A_463 : memref<128x8xf32, #tpu.memory_space<vmem>>) offsets(%dma_start3A_466 : memref<128xi32, #tpu.memory_space<vmem>>) semaphore(%arg7 : memref<!tpu.dma_semaphore, #tpu.memory_space<semaphore_mem>>)
    %dma_start3A_470 = arith.constant 39 : i32
    %dma_start3A_471 = arith.constant 39 : i32
    %dma_start3A_472 = arith.constant 0 : i32
    %dma_start3A_473 = arith.constant 0 : i32
    %dma_start3A_474 = tpu.memref_slice %arg6[%dma_start3A_471, %dma_start3A_472, %dma_start3A_473] : memref<64x128x8xf32, #tpu.memory_space<vmem>> -> memref<1x128x8xf32, #tpu.memory_space<vmem>>
    %dma_start3A_475 = tpu.memref_squeeze %dma_start3A_474 : memref<1x128x8xf32, #tpu.memory_space<vmem>> -> memref<128x8xf32, #tpu.memory_space<vmem>>
    %dma_start3A_476 = arith.constant 0 : i32
    %dma_start3A_477 = tpu.memref_slice %arg5[%dma_start3A_470, %dma_start3A_476] : memref<64x128xi32, #tpu.memory_space<vmem>> -> memref<1x128xi32, #tpu.memory_space<vmem>>
    %dma_start3A_478 = tpu.memref_squeeze %dma_start3A_477 : memref<1x128xi32, #tpu.memory_space<vmem>> -> memref<128xi32, #tpu.memory_space<vmem>>
    %dma_start3A_479 = arith.constant 0 : i32
    %dma_start3A_480 = arith.constant 0 : i32
    %dma_start3A_481 = tpu.memref_slice %arg2[%dma_start3A_479, %dma_start3A_480] : memref<1048576x8xf32, #tpu.memory_space<hbm>> -> memref<1048576x8xf32, #tpu.memory_space<hbm>>
    tpu.enqueue_indirect_dma source(%dma_start3A_481 : memref<1048576x8xf32, #tpu.memory_space<hbm>>) target(%dma_start3A_475 : memref<128x8xf32, #tpu.memory_space<vmem>>) offsets(%dma_start3A_478 : memref<128xi32, #tpu.memory_space<vmem>>) semaphore(%arg7 : memref<!tpu.dma_semaphore, #tpu.memory_space<semaphore_mem>>)
    %dma_start3A_482 = arith.constant 40 : i32
    %dma_start3A_483 = arith.constant 40 : i32
    %dma_start3A_484 = arith.constant 0 : i32
    %dma_start3A_485 = arith.constant 0 : i32
    %dma_start3A_486 = tpu.memref_slice %arg6[%dma_start3A_483, %dma_start3A_484, %dma_start3A_485] : memref<64x128x8xf32, #tpu.memory_space<vmem>> -> memref<1x128x8xf32, #tpu.memory_space<vmem>>
    %dma_start3A_487 = tpu.memref_squeeze %dma_start3A_486 : memref<1x128x8xf32, #tpu.memory_space<vmem>> -> memref<128x8xf32, #tpu.memory_space<vmem>>
    %dma_start3A_488 = arith.constant 0 : i32
    %dma_start3A_489 = tpu.memref_slice %arg5[%dma_start3A_482, %dma_start3A_488] : memref<64x128xi32, #tpu.memory_space<vmem>> -> memref<1x128xi32, #tpu.memory_space<vmem>>
    %dma_start3A_490 = tpu.memref_squeeze %dma_start3A_489 : memref<1x128xi32, #tpu.memory_space<vmem>> -> memref<128xi32, #tpu.memory_space<vmem>>
    %dma_start3A_491 = arith.constant 0 : i32
    %dma_start3A_492 = arith.constant 0 : i32
    %dma_start3A_493 = tpu.memref_slice %arg2[%dma_start3A_491, %dma_start3A_492] : memref<1048576x8xf32, #tpu.memory_space<hbm>> -> memref<1048576x8xf32, #tpu.memory_space<hbm>>
    tpu.enqueue_indirect_dma source(%dma_start3A_493 : memref<1048576x8xf32, #tpu.memory_space<hbm>>) target(%dma_start3A_487 : memref<128x8xf32, #tpu.memory_space<vmem>>) offsets(%dma_start3A_490 : memref<128xi32, #tpu.memory_space<vmem>>) semaphore(%arg7 : memref<!tpu.dma_semaphore, #tpu.memory_space<semaphore_mem>>)
    %dma_start3A_494 = arith.constant 41 : i32
    %dma_start3A_495 = arith.constant 41 : i32
    %dma_start3A_496 = arith.constant 0 : i32
    %dma_start3A_497 = arith.constant 0 : i32
    %dma_start3A_498 = tpu.memref_slice %arg6[%dma_start3A_495, %dma_start3A_496, %dma_start3A_497] : memref<64x128x8xf32, #tpu.memory_space<vmem>> -> memref<1x128x8xf32, #tpu.memory_space<vmem>>
    %dma_start3A_499 = tpu.memref_squeeze %dma_start3A_498 : memref<1x128x8xf32, #tpu.memory_space<vmem>> -> memref<128x8xf32, #tpu.memory_space<vmem>>
    %dma_start3A_500 = arith.constant 0 : i32
    %dma_start3A_501 = tpu.memref_slice %arg5[%dma_start3A_494, %dma_start3A_500] : memref<64x128xi32, #tpu.memory_space<vmem>> -> memref<1x128xi32, #tpu.memory_space<vmem>>
    %dma_start3A_502 = tpu.memref_squeeze %dma_start3A_501 : memref<1x128xi32, #tpu.memory_space<vmem>> -> memref<128xi32, #tpu.memory_space<vmem>>
    %dma_start3A_503 = arith.constant 0 : i32
    %dma_start3A_504 = arith.constant 0 : i32
    %dma_start3A_505 = tpu.memref_slice %arg2[%dma_start3A_503, %dma_start3A_504] : memref<1048576x8xf32, #tpu.memory_space<hbm>> -> memref<1048576x8xf32, #tpu.memory_space<hbm>>
    tpu.enqueue_indirect_dma source(%dma_start3A_505 : memref<1048576x8xf32, #tpu.memory_space<hbm>>) target(%dma_start3A_499 : memref<128x8xf32, #tpu.memory_space<vmem>>) offsets(%dma_start3A_502 : memref<128xi32, #tpu.memory_space<vmem>>) semaphore(%arg7 : memref<!tpu.dma_semaphore, #tpu.memory_space<semaphore_mem>>)
    %dma_start3A_506 = arith.constant 42 : i32
    %dma_start3A_507 = arith.constant 42 : i32
    %dma_start3A_508 = arith.constant 0 : i32
    %dma_start3A_509 = arith.constant 0 : i32
    %dma_start3A_510 = tpu.memref_slice %arg6[%dma_start3A_507, %dma_start3A_508, %dma_start3A_509] : memref<64x128x8xf32, #tpu.memory_space<vmem>> -> memref<1x128x8xf32, #tpu.memory_space<vmem>>
    %dma_start3A_511 = tpu.memref_squeeze %dma_start3A_510 : memref<1x128x8xf32, #tpu.memory_space<vmem>> -> memref<128x8xf32, #tpu.memory_space<vmem>>
    %dma_start3A_512 = arith.constant 0 : i32
    %dma_start3A_513 = tpu.memref_slice %arg5[%dma_start3A_506, %dma_start3A_512] : memref<64x128xi32, #tpu.memory_space<vmem>> -> memref<1x128xi32, #tpu.memory_space<vmem>>
    %dma_start3A_514 = tpu.memref_squeeze %dma_start3A_513 : memref<1x128xi32, #tpu.memory_space<vmem>> -> memref<128xi32, #tpu.memory_space<vmem>>
    %dma_start3A_515 = arith.constant 0 : i32
    %dma_start3A_516 = arith.constant 0 : i32
    %dma_start3A_517 = tpu.memref_slice %arg2[%dma_start3A_515, %dma_start3A_516] : memref<1048576x8xf32, #tpu.memory_space<hbm>> -> memref<1048576x8xf32, #tpu.memory_space<hbm>>
    tpu.enqueue_indirect_dma source(%dma_start3A_517 : memref<1048576x8xf32, #tpu.memory_space<hbm>>) target(%dma_start3A_511 : memref<128x8xf32, #tpu.memory_space<vmem>>) offsets(%dma_start3A_514 : memref<128xi32, #tpu.memory_space<vmem>>) semaphore(%arg7 : memref<!tpu.dma_semaphore, #tpu.memory_space<semaphore_mem>>)
    %dma_start3A_518 = arith.constant 43 : i32
    %dma_start3A_519 = arith.constant 43 : i32
    %dma_start3A_520 = arith.constant 0 : i32
    %dma_start3A_521 = arith.constant 0 : i32
    %dma_start3A_522 = tpu.memref_slice %arg6[%dma_start3A_519, %dma_start3A_520, %dma_start3A_521] : memref<64x128x8xf32, #tpu.memory_space<vmem>> -> memref<1x128x8xf32, #tpu.memory_space<vmem>>
    %dma_start3A_523 = tpu.memref_squeeze %dma_start3A_522 : memref<1x128x8xf32, #tpu.memory_space<vmem>> -> memref<128x8xf32, #tpu.memory_space<vmem>>
    %dma_start3A_524 = arith.constant 0 : i32
    %dma_start3A_525 = tpu.memref_slice %arg5[%dma_start3A_518, %dma_start3A_524] : memref<64x128xi32, #tpu.memory_space<vmem>> -> memref<1x128xi32, #tpu.memory_space<vmem>>
    %dma_start3A_526 = tpu.memref_squeeze %dma_start3A_525 : memref<1x128xi32, #tpu.memory_space<vmem>> -> memref<128xi32, #tpu.memory_space<vmem>>
    %dma_start3A_527 = arith.constant 0 : i32
    %dma_start3A_528 = arith.constant 0 : i32
    %dma_start3A_529 = tpu.memref_slice %arg2[%dma_start3A_527, %dma_start3A_528] : memref<1048576x8xf32, #tpu.memory_space<hbm>> -> memref<1048576x8xf32, #tpu.memory_space<hbm>>
    tpu.enqueue_indirect_dma source(%dma_start3A_529 : memref<1048576x8xf32, #tpu.memory_space<hbm>>) target(%dma_start3A_523 : memref<128x8xf32, #tpu.memory_space<vmem>>) offsets(%dma_start3A_526 : memref<128xi32, #tpu.memory_space<vmem>>) semaphore(%arg7 : memref<!tpu.dma_semaphore, #tpu.memory_space<semaphore_mem>>)
    %dma_start3A_530 = arith.constant 44 : i32
    %dma_start3A_531 = arith.constant 44 : i32
    %dma_start3A_532 = arith.constant 0 : i32
    %dma_start3A_533 = arith.constant 0 : i32
    %dma_start3A_534 = tpu.memref_slice %arg6[%dma_start3A_531, %dma_start3A_532, %dma_start3A_533] : memref<64x128x8xf32, #tpu.memory_space<vmem>> -> memref<1x128x8xf32, #tpu.memory_space<vmem>>
    %dma_start3A_535 = tpu.memref_squeeze %dma_start3A_534 : memref<1x128x8xf32, #tpu.memory_space<vmem>> -> memref<128x8xf32, #tpu.memory_space<vmem>>
    %dma_start3A_536 = arith.constant 0 : i32
    %dma_start3A_537 = tpu.memref_slice %arg5[%dma_start3A_530, %dma_start3A_536] : memref<64x128xi32, #tpu.memory_space<vmem>> -> memref<1x128xi32, #tpu.memory_space<vmem>>
    %dma_start3A_538 = tpu.memref_squeeze %dma_start3A_537 : memref<1x128xi32, #tpu.memory_space<vmem>> -> memref<128xi32, #tpu.memory_space<vmem>>
    %dma_start3A_539 = arith.constant 0 : i32
    %dma_start3A_540 = arith.constant 0 : i32
    %dma_start3A_541 = tpu.memref_slice %arg2[%dma_start3A_539, %dma_start3A_540] : memref<1048576x8xf32, #tpu.memory_space<hbm>> -> memref<1048576x8xf32, #tpu.memory_space<hbm>>
    tpu.enqueue_indirect_dma source(%dma_start3A_541 : memref<1048576x8xf32, #tpu.memory_space<hbm>>) target(%dma_start3A_535 : memref<128x8xf32, #tpu.memory_space<vmem>>) offsets(%dma_start3A_538 : memref<128xi32, #tpu.memory_space<vmem>>) semaphore(%arg7 : memref<!tpu.dma_semaphore, #tpu.memory_space<semaphore_mem>>)
    %dma_start3A_542 = arith.constant 45 : i32
    %dma_start3A_543 = arith.constant 45 : i32
    %dma_start3A_544 = arith.constant 0 : i32
    %dma_start3A_545 = arith.constant 0 : i32
    %dma_start3A_546 = tpu.memref_slice %arg6[%dma_start3A_543, %dma_start3A_544, %dma_start3A_545] : memref<64x128x8xf32, #tpu.memory_space<vmem>> -> memref<1x128x8xf32, #tpu.memory_space<vmem>>
    %dma_start3A_547 = tpu.memref_squeeze %dma_start3A_546 : memref<1x128x8xf32, #tpu.memory_space<vmem>> -> memref<128x8xf32, #tpu.memory_space<vmem>>
    %dma_start3A_548 = arith.constant 0 : i32
    %dma_start3A_549 = tpu.memref_slice %arg5[%dma_start3A_542, %dma_start3A_548] : memref<64x128xi32, #tpu.memory_space<vmem>> -> memref<1x128xi32, #tpu.memory_space<vmem>>
    %dma_start3A_550 = tpu.memref_squeeze %dma_start3A_549 : memref<1x128xi32, #tpu.memory_space<vmem>> -> memref<128xi32, #tpu.memory_space<vmem>>
    %dma_start3A_551 = arith.constant 0 : i32
    %dma_start3A_552 = arith.constant 0 : i32
    %dma_start3A_553 = tpu.memref_slice %arg2[%dma_start3A_551, %dma_start3A_552] : memref<1048576x8xf32, #tpu.memory_space<hbm>> -> memref<1048576x8xf32, #tpu.memory_space<hbm>>
    tpu.enqueue_indirect_dma source(%dma_start3A_553 : memref<1048576x8xf32, #tpu.memory_space<hbm>>) target(%dma_start3A_547 : memref<128x8xf32, #tpu.memory_space<vmem>>) offsets(%dma_start3A_550 : memref<128xi32, #tpu.memory_space<vmem>>) semaphore(%arg7 : memref<!tpu.dma_semaphore, #tpu.memory_space<semaphore_mem>>)
    %dma_start3A_554 = arith.constant 46 : i32
    %dma_start3A_555 = arith.constant 46 : i32
    %dma_start3A_556 = arith.constant 0 : i32
    %dma_start3A_557 = arith.constant 0 : i32
    %dma_start3A_558 = tpu.memref_slice %arg6[%dma_start3A_555, %dma_start3A_556, %dma_start3A_557] : memref<64x128x8xf32, #tpu.memory_space<vmem>> -> memref<1x128x8xf32, #tpu.memory_space<vmem>>
    %dma_start3A_559 = tpu.memref_squeeze %dma_start3A_558 : memref<1x128x8xf32, #tpu.memory_space<vmem>> -> memref<128x8xf32, #tpu.memory_space<vmem>>
    %dma_start3A_560 = arith.constant 0 : i32
    %dma_start3A_561 = tpu.memref_slice %arg5[%dma_start3A_554, %dma_start3A_560] : memref<64x128xi32, #tpu.memory_space<vmem>> -> memref<1x128xi32, #tpu.memory_space<vmem>>
    %dma_start3A_562 = tpu.memref_squeeze %dma_start3A_561 : memref<1x128xi32, #tpu.memory_space<vmem>> -> memref<128xi32, #tpu.memory_space<vmem>>
    %dma_start3A_563 = arith.constant 0 : i32
    %dma_start3A_564 = arith.constant 0 : i32
    %dma_start3A_565 = tpu.memref_slice %arg2[%dma_start3A_563, %dma_start3A_564] : memref<1048576x8xf32, #tpu.memory_space<hbm>> -> memref<1048576x8xf32, #tpu.memory_space<hbm>>
    tpu.enqueue_indirect_dma source(%dma_start3A_565 : memref<1048576x8xf32, #tpu.memory_space<hbm>>) target(%dma_start3A_559 : memref<128x8xf32, #tpu.memory_space<vmem>>) offsets(%dma_start3A_562 : memref<128xi32, #tpu.memory_space<vmem>>) semaphore(%arg7 : memref<!tpu.dma_semaphore, #tpu.memory_space<semaphore_mem>>)
    %dma_start3A_566 = arith.constant 47 : i32
    %dma_start3A_567 = arith.constant 47 : i32
    %dma_start3A_568 = arith.constant 0 : i32
    %dma_start3A_569 = arith.constant 0 : i32
    %dma_start3A_570 = tpu.memref_slice %arg6[%dma_start3A_567, %dma_start3A_568, %dma_start3A_569] : memref<64x128x8xf32, #tpu.memory_space<vmem>> -> memref<1x128x8xf32, #tpu.memory_space<vmem>>
    %dma_start3A_571 = tpu.memref_squeeze %dma_start3A_570 : memref<1x128x8xf32, #tpu.memory_space<vmem>> -> memref<128x8xf32, #tpu.memory_space<vmem>>
    %dma_start3A_572 = arith.constant 0 : i32
    %dma_start3A_573 = tpu.memref_slice %arg5[%dma_start3A_566, %dma_start3A_572] : memref<64x128xi32, #tpu.memory_space<vmem>> -> memref<1x128xi32, #tpu.memory_space<vmem>>
    %dma_start3A_574 = tpu.memref_squeeze %dma_start3A_573 : memref<1x128xi32, #tpu.memory_space<vmem>> -> memref<128xi32, #tpu.memory_space<vmem>>
    %dma_start3A_575 = arith.constant 0 : i32
    %dma_start3A_576 = arith.constant 0 : i32
    %dma_start3A_577 = tpu.memref_slice %arg2[%dma_start3A_575, %dma_start3A_576] : memref<1048576x8xf32, #tpu.memory_space<hbm>> -> memref<1048576x8xf32, #tpu.memory_space<hbm>>
    tpu.enqueue_indirect_dma source(%dma_start3A_577 : memref<1048576x8xf32, #tpu.memory_space<hbm>>) target(%dma_start3A_571 : memref<128x8xf32, #tpu.memory_space<vmem>>) offsets(%dma_start3A_574 : memref<128xi32, #tpu.memory_space<vmem>>) semaphore(%arg7 : memref<!tpu.dma_semaphore, #tpu.memory_space<semaphore_mem>>)
    %dma_start3A_578 = arith.constant 48 : i32
    %dma_start3A_579 = arith.constant 48 : i32
    %dma_start3A_580 = arith.constant 0 : i32
    %dma_start3A_581 = arith.constant 0 : i32
    %dma_start3A_582 = tpu.memref_slice %arg6[%dma_start3A_579, %dma_start3A_580, %dma_start3A_581] : memref<64x128x8xf32, #tpu.memory_space<vmem>> -> memref<1x128x8xf32, #tpu.memory_space<vmem>>
    %dma_start3A_583 = tpu.memref_squeeze %dma_start3A_582 : memref<1x128x8xf32, #tpu.memory_space<vmem>> -> memref<128x8xf32, #tpu.memory_space<vmem>>
    %dma_start3A_584 = arith.constant 0 : i32
    %dma_start3A_585 = tpu.memref_slice %arg5[%dma_start3A_578, %dma_start3A_584] : memref<64x128xi32, #tpu.memory_space<vmem>> -> memref<1x128xi32, #tpu.memory_space<vmem>>
    %dma_start3A_586 = tpu.memref_squeeze %dma_start3A_585 : memref<1x128xi32, #tpu.memory_space<vmem>> -> memref<128xi32, #tpu.memory_space<vmem>>
    %dma_start3A_587 = arith.constant 0 : i32
    %dma_start3A_588 = arith.constant 0 : i32
    %dma_start3A_589 = tpu.memref_slice %arg2[%dma_start3A_587, %dma_start3A_588] : memref<1048576x8xf32, #tpu.memory_space<hbm>> -> memref<1048576x8xf32, #tpu.memory_space<hbm>>
    tpu.enqueue_indirect_dma source(%dma_start3A_589 : memref<1048576x8xf32, #tpu.memory_space<hbm>>) target(%dma_start3A_583 : memref<128x8xf32, #tpu.memory_space<vmem>>) offsets(%dma_start3A_586 : memref<128xi32, #tpu.memory_space<vmem>>) semaphore(%arg7 : memref<!tpu.dma_semaphore, #tpu.memory_space<semaphore_mem>>)
    %dma_start3A_590 = arith.constant 49 : i32
    %dma_start3A_591 = arith.constant 49 : i32
    %dma_start3A_592 = arith.constant 0 : i32
    %dma_start3A_593 = arith.constant 0 : i32
    %dma_start3A_594 = tpu.memref_slice %arg6[%dma_start3A_591, %dma_start3A_592, %dma_start3A_593] : memref<64x128x8xf32, #tpu.memory_space<vmem>> -> memref<1x128x8xf32, #tpu.memory_space<vmem>>
    %dma_start3A_595 = tpu.memref_squeeze %dma_start3A_594 : memref<1x128x8xf32, #tpu.memory_space<vmem>> -> memref<128x8xf32, #tpu.memory_space<vmem>>
    %dma_start3A_596 = arith.constant 0 : i32
    %dma_start3A_597 = tpu.memref_slice %arg5[%dma_start3A_590, %dma_start3A_596] : memref<64x128xi32, #tpu.memory_space<vmem>> -> memref<1x128xi32, #tpu.memory_space<vmem>>
    %dma_start3A_598 = tpu.memref_squeeze %dma_start3A_597 : memref<1x128xi32, #tpu.memory_space<vmem>> -> memref<128xi32, #tpu.memory_space<vmem>>
    %dma_start3A_599 = arith.constant 0 : i32
    %dma_start3A_600 = arith.constant 0 : i32
    %dma_start3A_601 = tpu.memref_slice %arg2[%dma_start3A_599, %dma_start3A_600] : memref<1048576x8xf32, #tpu.memory_space<hbm>> -> memref<1048576x8xf32, #tpu.memory_space<hbm>>
    tpu.enqueue_indirect_dma source(%dma_start3A_601 : memref<1048576x8xf32, #tpu.memory_space<hbm>>) target(%dma_start3A_595 : memref<128x8xf32, #tpu.memory_space<vmem>>) offsets(%dma_start3A_598 : memref<128xi32, #tpu.memory_space<vmem>>) semaphore(%arg7 : memref<!tpu.dma_semaphore, #tpu.memory_space<semaphore_mem>>)
    %dma_start3A_602 = arith.constant 50 : i32
    %dma_start3A_603 = arith.constant 50 : i32
    %dma_start3A_604 = arith.constant 0 : i32
    %dma_start3A_605 = arith.constant 0 : i32
    %dma_start3A_606 = tpu.memref_slice %arg6[%dma_start3A_603, %dma_start3A_604, %dma_start3A_605] : memref<64x128x8xf32, #tpu.memory_space<vmem>> -> memref<1x128x8xf32, #tpu.memory_space<vmem>>
    %dma_start3A_607 = tpu.memref_squeeze %dma_start3A_606 : memref<1x128x8xf32, #tpu.memory_space<vmem>> -> memref<128x8xf32, #tpu.memory_space<vmem>>
    %dma_start3A_608 = arith.constant 0 : i32
    %dma_start3A_609 = tpu.memref_slice %arg5[%dma_start3A_602, %dma_start3A_608] : memref<64x128xi32, #tpu.memory_space<vmem>> -> memref<1x128xi32, #tpu.memory_space<vmem>>
    %dma_start3A_610 = tpu.memref_squeeze %dma_start3A_609 : memref<1x128xi32, #tpu.memory_space<vmem>> -> memref<128xi32, #tpu.memory_space<vmem>>
    %dma_start3A_611 = arith.constant 0 : i32
    %dma_start3A_612 = arith.constant 0 : i32
    %dma_start3A_613 = tpu.memref_slice %arg2[%dma_start3A_611, %dma_start3A_612] : memref<1048576x8xf32, #tpu.memory_space<hbm>> -> memref<1048576x8xf32, #tpu.memory_space<hbm>>
    tpu.enqueue_indirect_dma source(%dma_start3A_613 : memref<1048576x8xf32, #tpu.memory_space<hbm>>) target(%dma_start3A_607 : memref<128x8xf32, #tpu.memory_space<vmem>>) offsets(%dma_start3A_610 : memref<128xi32, #tpu.memory_space<vmem>>) semaphore(%arg7 : memref<!tpu.dma_semaphore, #tpu.memory_space<semaphore_mem>>)
    %dma_start3A_614 = arith.constant 51 : i32
    %dma_start3A_615 = arith.constant 51 : i32
    %dma_start3A_616 = arith.constant 0 : i32
    %dma_start3A_617 = arith.constant 0 : i32
    %dma_start3A_618 = tpu.memref_slice %arg6[%dma_start3A_615, %dma_start3A_616, %dma_start3A_617] : memref<64x128x8xf32, #tpu.memory_space<vmem>> -> memref<1x128x8xf32, #tpu.memory_space<vmem>>
    %dma_start3A_619 = tpu.memref_squeeze %dma_start3A_618 : memref<1x128x8xf32, #tpu.memory_space<vmem>> -> memref<128x8xf32, #tpu.memory_space<vmem>>
    %dma_start3A_620 = arith.constant 0 : i32
    %dma_start3A_621 = tpu.memref_slice %arg5[%dma_start3A_614, %dma_start3A_620] : memref<64x128xi32, #tpu.memory_space<vmem>> -> memref<1x128xi32, #tpu.memory_space<vmem>>
    %dma_start3A_622 = tpu.memref_squeeze %dma_start3A_621 : memref<1x128xi32, #tpu.memory_space<vmem>> -> memref<128xi32, #tpu.memory_space<vmem>>
    %dma_start3A_623 = arith.constant 0 : i32
    %dma_start3A_624 = arith.constant 0 : i32
    %dma_start3A_625 = tpu.memref_slice %arg2[%dma_start3A_623, %dma_start3A_624] : memref<1048576x8xf32, #tpu.memory_space<hbm>> -> memref<1048576x8xf32, #tpu.memory_space<hbm>>
    tpu.enqueue_indirect_dma source(%dma_start3A_625 : memref<1048576x8xf32, #tpu.memory_space<hbm>>) target(%dma_start3A_619 : memref<128x8xf32, #tpu.memory_space<vmem>>) offsets(%dma_start3A_622 : memref<128xi32, #tpu.memory_space<vmem>>) semaphore(%arg7 : memref<!tpu.dma_semaphore, #tpu.memory_space<semaphore_mem>>)
    %dma_start3A_626 = arith.constant 52 : i32
    %dma_start3A_627 = arith.constant 52 : i32
    %dma_start3A_628 = arith.constant 0 : i32
    %dma_start3A_629 = arith.constant 0 : i32
    %dma_start3A_630 = tpu.memref_slice %arg6[%dma_start3A_627, %dma_start3A_628, %dma_start3A_629] : memref<64x128x8xf32, #tpu.memory_space<vmem>> -> memref<1x128x8xf32, #tpu.memory_space<vmem>>
    %dma_start3A_631 = tpu.memref_squeeze %dma_start3A_630 : memref<1x128x8xf32, #tpu.memory_space<vmem>> -> memref<128x8xf32, #tpu.memory_space<vmem>>
    %dma_start3A_632 = arith.constant 0 : i32
    %dma_start3A_633 = tpu.memref_slice %arg5[%dma_start3A_626, %dma_start3A_632] : memref<64x128xi32, #tpu.memory_space<vmem>> -> memref<1x128xi32, #tpu.memory_space<vmem>>
    %dma_start3A_634 = tpu.memref_squeeze %dma_start3A_633 : memref<1x128xi32, #tpu.memory_space<vmem>> -> memref<128xi32, #tpu.memory_space<vmem>>
    %dma_start3A_635 = arith.constant 0 : i32
    %dma_start3A_636 = arith.constant 0 : i32
    %dma_start3A_637 = tpu.memref_slice %arg2[%dma_start3A_635, %dma_start3A_636] : memref<1048576x8xf32, #tpu.memory_space<hbm>> -> memref<1048576x8xf32, #tpu.memory_space<hbm>>
    tpu.enqueue_indirect_dma source(%dma_start3A_637 : memref<1048576x8xf32, #tpu.memory_space<hbm>>) target(%dma_start3A_631 : memref<128x8xf32, #tpu.memory_space<vmem>>) offsets(%dma_start3A_634 : memref<128xi32, #tpu.memory_space<vmem>>) semaphore(%arg7 : memref<!tpu.dma_semaphore, #tpu.memory_space<semaphore_mem>>)
    %dma_start3A_638 = arith.constant 53 : i32
    %dma_start3A_639 = arith.constant 53 : i32
    %dma_start3A_640 = arith.constant 0 : i32
    %dma_start3A_641 = arith.constant 0 : i32
    %dma_start3A_642 = tpu.memref_slice %arg6[%dma_start3A_639, %dma_start3A_640, %dma_start3A_641] : memref<64x128x8xf32, #tpu.memory_space<vmem>> -> memref<1x128x8xf32, #tpu.memory_space<vmem>>
    %dma_start3A_643 = tpu.memref_squeeze %dma_start3A_642 : memref<1x128x8xf32, #tpu.memory_space<vmem>> -> memref<128x8xf32, #tpu.memory_space<vmem>>
    %dma_start3A_644 = arith.constant 0 : i32
    %dma_start3A_645 = tpu.memref_slice %arg5[%dma_start3A_638, %dma_start3A_644] : memref<64x128xi32, #tpu.memory_space<vmem>> -> memref<1x128xi32, #tpu.memory_space<vmem>>
    %dma_start3A_646 = tpu.memref_squeeze %dma_start3A_645 : memref<1x128xi32, #tpu.memory_space<vmem>> -> memref<128xi32, #tpu.memory_space<vmem>>
    %dma_start3A_647 = arith.constant 0 : i32
    %dma_start3A_648 = arith.constant 0 : i32
    %dma_start3A_649 = tpu.memref_slice %arg2[%dma_start3A_647, %dma_start3A_648] : memref<1048576x8xf32, #tpu.memory_space<hbm>> -> memref<1048576x8xf32, #tpu.memory_space<hbm>>
    tpu.enqueue_indirect_dma source(%dma_start3A_649 : memref<1048576x8xf32, #tpu.memory_space<hbm>>) target(%dma_start3A_643 : memref<128x8xf32, #tpu.memory_space<vmem>>) offsets(%dma_start3A_646 : memref<128xi32, #tpu.memory_space<vmem>>) semaphore(%arg7 : memref<!tpu.dma_semaphore, #tpu.memory_space<semaphore_mem>>)
    %dma_start3A_650 = arith.constant 54 : i32
    %dma_start3A_651 = arith.constant 54 : i32
    %dma_start3A_652 = arith.constant 0 : i32
    %dma_start3A_653 = arith.constant 0 : i32
    %dma_start3A_654 = tpu.memref_slice %arg6[%dma_start3A_651, %dma_start3A_652, %dma_start3A_653] : memref<64x128x8xf32, #tpu.memory_space<vmem>> -> memref<1x128x8xf32, #tpu.memory_space<vmem>>
    %dma_start3A_655 = tpu.memref_squeeze %dma_start3A_654 : memref<1x128x8xf32, #tpu.memory_space<vmem>> -> memref<128x8xf32, #tpu.memory_space<vmem>>
    %dma_start3A_656 = arith.constant 0 : i32
    %dma_start3A_657 = tpu.memref_slice %arg5[%dma_start3A_650, %dma_start3A_656] : memref<64x128xi32, #tpu.memory_space<vmem>> -> memref<1x128xi32, #tpu.memory_space<vmem>>
    %dma_start3A_658 = tpu.memref_squeeze %dma_start3A_657 : memref<1x128xi32, #tpu.memory_space<vmem>> -> memref<128xi32, #tpu.memory_space<vmem>>
    %dma_start3A_659 = arith.constant 0 : i32
    %dma_start3A_660 = arith.constant 0 : i32
    %dma_start3A_661 = tpu.memref_slice %arg2[%dma_start3A_659, %dma_start3A_660] : memref<1048576x8xf32, #tpu.memory_space<hbm>> -> memref<1048576x8xf32, #tpu.memory_space<hbm>>
    tpu.enqueue_indirect_dma source(%dma_start3A_661 : memref<1048576x8xf32, #tpu.memory_space<hbm>>) target(%dma_start3A_655 : memref<128x8xf32, #tpu.memory_space<vmem>>) offsets(%dma_start3A_658 : memref<128xi32, #tpu.memory_space<vmem>>) semaphore(%arg7 : memref<!tpu.dma_semaphore, #tpu.memory_space<semaphore_mem>>)
    %dma_start3A_662 = arith.constant 55 : i32
    %dma_start3A_663 = arith.constant 55 : i32
    %dma_start3A_664 = arith.constant 0 : i32
    %dma_start3A_665 = arith.constant 0 : i32
    %dma_start3A_666 = tpu.memref_slice %arg6[%dma_start3A_663, %dma_start3A_664, %dma_start3A_665] : memref<64x128x8xf32, #tpu.memory_space<vmem>> -> memref<1x128x8xf32, #tpu.memory_space<vmem>>
    %dma_start3A_667 = tpu.memref_squeeze %dma_start3A_666 : memref<1x128x8xf32, #tpu.memory_space<vmem>> -> memref<128x8xf32, #tpu.memory_space<vmem>>
    %dma_start3A_668 = arith.constant 0 : i32
    %dma_start3A_669 = tpu.memref_slice %arg5[%dma_start3A_662, %dma_start3A_668] : memref<64x128xi32, #tpu.memory_space<vmem>> -> memref<1x128xi32, #tpu.memory_space<vmem>>
    %dma_start3A_670 = tpu.memref_squeeze %dma_start3A_669 : memref<1x128xi32, #tpu.memory_space<vmem>> -> memref<128xi32, #tpu.memory_space<vmem>>
    %dma_start3A_671 = arith.constant 0 : i32
    %dma_start3A_672 = arith.constant 0 : i32
    %dma_start3A_673 = tpu.memref_slice %arg2[%dma_start3A_671, %dma_start3A_672] : memref<1048576x8xf32, #tpu.memory_space<hbm>> -> memref<1048576x8xf32, #tpu.memory_space<hbm>>
    tpu.enqueue_indirect_dma source(%dma_start3A_673 : memref<1048576x8xf32, #tpu.memory_space<hbm>>) target(%dma_start3A_667 : memref<128x8xf32, #tpu.memory_space<vmem>>) offsets(%dma_start3A_670 : memref<128xi32, #tpu.memory_space<vmem>>) semaphore(%arg7 : memref<!tpu.dma_semaphore, #tpu.memory_space<semaphore_mem>>)
    %dma_start3A_674 = arith.constant 56 : i32
    %dma_start3A_675 = arith.constant 56 : i32
    %dma_start3A_676 = arith.constant 0 : i32
    %dma_start3A_677 = arith.constant 0 : i32
    %dma_start3A_678 = tpu.memref_slice %arg6[%dma_start3A_675, %dma_start3A_676, %dma_start3A_677] : memref<64x128x8xf32, #tpu.memory_space<vmem>> -> memref<1x128x8xf32, #tpu.memory_space<vmem>>
    %dma_start3A_679 = tpu.memref_squeeze %dma_start3A_678 : memref<1x128x8xf32, #tpu.memory_space<vmem>> -> memref<128x8xf32, #tpu.memory_space<vmem>>
    %dma_start3A_680 = arith.constant 0 : i32
    %dma_start3A_681 = tpu.memref_slice %arg5[%dma_start3A_674, %dma_start3A_680] : memref<64x128xi32, #tpu.memory_space<vmem>> -> memref<1x128xi32, #tpu.memory_space<vmem>>
    %dma_start3A_682 = tpu.memref_squeeze %dma_start3A_681 : memref<1x128xi32, #tpu.memory_space<vmem>> -> memref<128xi32, #tpu.memory_space<vmem>>
    %dma_start3A_683 = arith.constant 0 : i32
    %dma_start3A_684 = arith.constant 0 : i32
    %dma_start3A_685 = tpu.memref_slice %arg2[%dma_start3A_683, %dma_start3A_684] : memref<1048576x8xf32, #tpu.memory_space<hbm>> -> memref<1048576x8xf32, #tpu.memory_space<hbm>>
    tpu.enqueue_indirect_dma source(%dma_start3A_685 : memref<1048576x8xf32, #tpu.memory_space<hbm>>) target(%dma_start3A_679 : memref<128x8xf32, #tpu.memory_space<vmem>>) offsets(%dma_start3A_682 : memref<128xi32, #tpu.memory_space<vmem>>) semaphore(%arg7 : memref<!tpu.dma_semaphore, #tpu.memory_space<semaphore_mem>>)
    %dma_start3A_686 = arith.constant 57 : i32
    %dma_start3A_687 = arith.constant 57 : i32
    %dma_start3A_688 = arith.constant 0 : i32
    %dma_start3A_689 = arith.constant 0 : i32
    %dma_start3A_690 = tpu.memref_slice %arg6[%dma_start3A_687, %dma_start3A_688, %dma_start3A_689] : memref<64x128x8xf32, #tpu.memory_space<vmem>> -> memref<1x128x8xf32, #tpu.memory_space<vmem>>
    %dma_start3A_691 = tpu.memref_squeeze %dma_start3A_690 : memref<1x128x8xf32, #tpu.memory_space<vmem>> -> memref<128x8xf32, #tpu.memory_space<vmem>>
    %dma_start3A_692 = arith.constant 0 : i32
    %dma_start3A_693 = tpu.memref_slice %arg5[%dma_start3A_686, %dma_start3A_692] : memref<64x128xi32, #tpu.memory_space<vmem>> -> memref<1x128xi32, #tpu.memory_space<vmem>>
    %dma_start3A_694 = tpu.memref_squeeze %dma_start3A_693 : memref<1x128xi32, #tpu.memory_space<vmem>> -> memref<128xi32, #tpu.memory_space<vmem>>
    %dma_start3A_695 = arith.constant 0 : i32
    %dma_start3A_696 = arith.constant 0 : i32
    %dma_start3A_697 = tpu.memref_slice %arg2[%dma_start3A_695, %dma_start3A_696] : memref<1048576x8xf32, #tpu.memory_space<hbm>> -> memref<1048576x8xf32, #tpu.memory_space<hbm>>
    tpu.enqueue_indirect_dma source(%dma_start3A_697 : memref<1048576x8xf32, #tpu.memory_space<hbm>>) target(%dma_start3A_691 : memref<128x8xf32, #tpu.memory_space<vmem>>) offsets(%dma_start3A_694 : memref<128xi32, #tpu.memory_space<vmem>>) semaphore(%arg7 : memref<!tpu.dma_semaphore, #tpu.memory_space<semaphore_mem>>)
    %dma_start3A_698 = arith.constant 58 : i32
    %dma_start3A_699 = arith.constant 58 : i32
    %dma_start3A_700 = arith.constant 0 : i32
    %dma_start3A_701 = arith.constant 0 : i32
    %dma_start3A_702 = tpu.memref_slice %arg6[%dma_start3A_699, %dma_start3A_700, %dma_start3A_701] : memref<64x128x8xf32, #tpu.memory_space<vmem>> -> memref<1x128x8xf32, #tpu.memory_space<vmem>>
    %dma_start3A_703 = tpu.memref_squeeze %dma_start3A_702 : memref<1x128x8xf32, #tpu.memory_space<vmem>> -> memref<128x8xf32, #tpu.memory_space<vmem>>
    %dma_start3A_704 = arith.constant 0 : i32
    %dma_start3A_705 = tpu.memref_slice %arg5[%dma_start3A_698, %dma_start3A_704] : memref<64x128xi32, #tpu.memory_space<vmem>> -> memref<1x128xi32, #tpu.memory_space<vmem>>
    %dma_start3A_706 = tpu.memref_squeeze %dma_start3A_705 : memref<1x128xi32, #tpu.memory_space<vmem>> -> memref<128xi32, #tpu.memory_space<vmem>>
    %dma_start3A_707 = arith.constant 0 : i32
    %dma_start3A_708 = arith.constant 0 : i32
    %dma_start3A_709 = tpu.memref_slice %arg2[%dma_start3A_707, %dma_start3A_708] : memref<1048576x8xf32, #tpu.memory_space<hbm>> -> memref<1048576x8xf32, #tpu.memory_space<hbm>>
    tpu.enqueue_indirect_dma source(%dma_start3A_709 : memref<1048576x8xf32, #tpu.memory_space<hbm>>) target(%dma_start3A_703 : memref<128x8xf32, #tpu.memory_space<vmem>>) offsets(%dma_start3A_706 : memref<128xi32, #tpu.memory_space<vmem>>) semaphore(%arg7 : memref<!tpu.dma_semaphore, #tpu.memory_space<semaphore_mem>>)
    %dma_start3A_710 = arith.constant 59 : i32
    %dma_start3A_711 = arith.constant 59 : i32
    %dma_start3A_712 = arith.constant 0 : i32
    %dma_start3A_713 = arith.constant 0 : i32
    %dma_start3A_714 = tpu.memref_slice %arg6[%dma_start3A_711, %dma_start3A_712, %dma_start3A_713] : memref<64x128x8xf32, #tpu.memory_space<vmem>> -> memref<1x128x8xf32, #tpu.memory_space<vmem>>
    %dma_start3A_715 = tpu.memref_squeeze %dma_start3A_714 : memref<1x128x8xf32, #tpu.memory_space<vmem>> -> memref<128x8xf32, #tpu.memory_space<vmem>>
    %dma_start3A_716 = arith.constant 0 : i32
    %dma_start3A_717 = tpu.memref_slice %arg5[%dma_start3A_710, %dma_start3A_716] : memref<64x128xi32, #tpu.memory_space<vmem>> -> memref<1x128xi32, #tpu.memory_space<vmem>>
    %dma_start3A_718 = tpu.memref_squeeze %dma_start3A_717 : memref<1x128xi32, #tpu.memory_space<vmem>> -> memref<128xi32, #tpu.memory_space<vmem>>
    %dma_start3A_719 = arith.constant 0 : i32
    %dma_start3A_720 = arith.constant 0 : i32
    %dma_start3A_721 = tpu.memref_slice %arg2[%dma_start3A_719, %dma_start3A_720] : memref<1048576x8xf32, #tpu.memory_space<hbm>> -> memref<1048576x8xf32, #tpu.memory_space<hbm>>
    tpu.enqueue_indirect_dma source(%dma_start3A_721 : memref<1048576x8xf32, #tpu.memory_space<hbm>>) target(%dma_start3A_715 : memref<128x8xf32, #tpu.memory_space<vmem>>) offsets(%dma_start3A_718 : memref<128xi32, #tpu.memory_space<vmem>>) semaphore(%arg7 : memref<!tpu.dma_semaphore, #tpu.memory_space<semaphore_mem>>)
    %dma_start3A_722 = arith.constant 60 : i32
    %dma_start3A_723 = arith.constant 60 : i32
    %dma_start3A_724 = arith.constant 0 : i32
    %dma_start3A_725 = arith.constant 0 : i32
    %dma_start3A_726 = tpu.memref_slice %arg6[%dma_start3A_723, %dma_start3A_724, %dma_start3A_725] : memref<64x128x8xf32, #tpu.memory_space<vmem>> -> memref<1x128x8xf32, #tpu.memory_space<vmem>>
    %dma_start3A_727 = tpu.memref_squeeze %dma_start3A_726 : memref<1x128x8xf32, #tpu.memory_space<vmem>> -> memref<128x8xf32, #tpu.memory_space<vmem>>
    %dma_start3A_728 = arith.constant 0 : i32
    %dma_start3A_729 = tpu.memref_slice %arg5[%dma_start3A_722, %dma_start3A_728] : memref<64x128xi32, #tpu.memory_space<vmem>> -> memref<1x128xi32, #tpu.memory_space<vmem>>
    %dma_start3A_730 = tpu.memref_squeeze %dma_start3A_729 : memref<1x128xi32, #tpu.memory_space<vmem>> -> memref<128xi32, #tpu.memory_space<vmem>>
    %dma_start3A_731 = arith.constant 0 : i32
    %dma_start3A_732 = arith.constant 0 : i32
    %dma_start3A_733 = tpu.memref_slice %arg2[%dma_start3A_731, %dma_start3A_732] : memref<1048576x8xf32, #tpu.memory_space<hbm>> -> memref<1048576x8xf32, #tpu.memory_space<hbm>>
    tpu.enqueue_indirect_dma source(%dma_start3A_733 : memref<1048576x8xf32, #tpu.memory_space<hbm>>) target(%dma_start3A_727 : memref<128x8xf32, #tpu.memory_space<vmem>>) offsets(%dma_start3A_730 : memref<128xi32, #tpu.memory_space<vmem>>) semaphore(%arg7 : memref<!tpu.dma_semaphore, #tpu.memory_space<semaphore_mem>>)
    %dma_start3A_734 = arith.constant 61 : i32
    %dma_start3A_735 = arith.constant 61 : i32
    %dma_start3A_736 = arith.constant 0 : i32
    %dma_start3A_737 = arith.constant 0 : i32
    %dma_start3A_738 = tpu.memref_slice %arg6[%dma_start3A_735, %dma_start3A_736, %dma_start3A_737] : memref<64x128x8xf32, #tpu.memory_space<vmem>> -> memref<1x128x8xf32, #tpu.memory_space<vmem>>
    %dma_start3A_739 = tpu.memref_squeeze %dma_start3A_738 : memref<1x128x8xf32, #tpu.memory_space<vmem>> -> memref<128x8xf32, #tpu.memory_space<vmem>>
    %dma_start3A_740 = arith.constant 0 : i32
    %dma_start3A_741 = tpu.memref_slice %arg5[%dma_start3A_734, %dma_start3A_740] : memref<64x128xi32, #tpu.memory_space<vmem>> -> memref<1x128xi32, #tpu.memory_space<vmem>>
    %dma_start3A_742 = tpu.memref_squeeze %dma_start3A_741 : memref<1x128xi32, #tpu.memory_space<vmem>> -> memref<128xi32, #tpu.memory_space<vmem>>
    %dma_start3A_743 = arith.constant 0 : i32
    %dma_start3A_744 = arith.constant 0 : i32
    %dma_start3A_745 = tpu.memref_slice %arg2[%dma_start3A_743, %dma_start3A_744] : memref<1048576x8xf32, #tpu.memory_space<hbm>> -> memref<1048576x8xf32, #tpu.memory_space<hbm>>
    tpu.enqueue_indirect_dma source(%dma_start3A_745 : memref<1048576x8xf32, #tpu.memory_space<hbm>>) target(%dma_start3A_739 : memref<128x8xf32, #tpu.memory_space<vmem>>) offsets(%dma_start3A_742 : memref<128xi32, #tpu.memory_space<vmem>>) semaphore(%arg7 : memref<!tpu.dma_semaphore, #tpu.memory_space<semaphore_mem>>)
    %dma_start3A_746 = arith.constant 62 : i32
    %dma_start3A_747 = arith.constant 62 : i32
    %dma_start3A_748 = arith.constant 0 : i32
    %dma_start3A_749 = arith.constant 0 : i32
    %dma_start3A_750 = tpu.memref_slice %arg6[%dma_start3A_747, %dma_start3A_748, %dma_start3A_749] : memref<64x128x8xf32, #tpu.memory_space<vmem>> -> memref<1x128x8xf32, #tpu.memory_space<vmem>>
    %dma_start3A_751 = tpu.memref_squeeze %dma_start3A_750 : memref<1x128x8xf32, #tpu.memory_space<vmem>> -> memref<128x8xf32, #tpu.memory_space<vmem>>
    %dma_start3A_752 = arith.constant 0 : i32
    %dma_start3A_753 = tpu.memref_slice %arg5[%dma_start3A_746, %dma_start3A_752] : memref<64x128xi32, #tpu.memory_space<vmem>> -> memref<1x128xi32, #tpu.memory_space<vmem>>
    %dma_start3A_754 = tpu.memref_squeeze %dma_start3A_753 : memref<1x128xi32, #tpu.memory_space<vmem>> -> memref<128xi32, #tpu.memory_space<vmem>>
    %dma_start3A_755 = arith.constant 0 : i32
    %dma_start3A_756 = arith.constant 0 : i32
    %dma_start3A_757 = tpu.memref_slice %arg2[%dma_start3A_755, %dma_start3A_756] : memref<1048576x8xf32, #tpu.memory_space<hbm>> -> memref<1048576x8xf32, #tpu.memory_space<hbm>>
    tpu.enqueue_indirect_dma source(%dma_start3A_757 : memref<1048576x8xf32, #tpu.memory_space<hbm>>) target(%dma_start3A_751 : memref<128x8xf32, #tpu.memory_space<vmem>>) offsets(%dma_start3A_754 : memref<128xi32, #tpu.memory_space<vmem>>) semaphore(%arg7 : memref<!tpu.dma_semaphore, #tpu.memory_space<semaphore_mem>>)
    %dma_start3A_758 = arith.constant 63 : i32
    %dma_start3A_759 = arith.constant 63 : i32
    %dma_start3A_760 = arith.constant 0 : i32
    %dma_start3A_761 = arith.constant 0 : i32
    %dma_start3A_762 = tpu.memref_slice %arg6[%dma_start3A_759, %dma_start3A_760, %dma_start3A_761] : memref<64x128x8xf32, #tpu.memory_space<vmem>> -> memref<1x128x8xf32, #tpu.memory_space<vmem>>
    %dma_start3A_763 = tpu.memref_squeeze %dma_start3A_762 : memref<1x128x8xf32, #tpu.memory_space<vmem>> -> memref<128x8xf32, #tpu.memory_space<vmem>>
    %dma_start3A_764 = arith.constant 0 : i32
    %dma_start3A_765 = tpu.memref_slice %arg5[%dma_start3A_758, %dma_start3A_764] : memref<64x128xi32, #tpu.memory_space<vmem>> -> memref<1x128xi32, #tpu.memory_space<vmem>>
    %dma_start3A_766 = tpu.memref_squeeze %dma_start3A_765 : memref<1x128xi32, #tpu.memory_space<vmem>> -> memref<128xi32, #tpu.memory_space<vmem>>
    %dma_start3A_767 = arith.constant 0 : i32
    %dma_start3A_768 = arith.constant 0 : i32
    %dma_start3A_769 = tpu.memref_slice %arg2[%dma_start3A_767, %dma_start3A_768] : memref<1048576x8xf32, #tpu.memory_space<hbm>> -> memref<1048576x8xf32, #tpu.memory_space<hbm>>
    tpu.enqueue_indirect_dma source(%dma_start3A_769 : memref<1048576x8xf32, #tpu.memory_space<hbm>>) target(%dma_start3A_763 : memref<128x8xf32, #tpu.memory_space<vmem>>) offsets(%dma_start3A_766 : memref<128xi32, #tpu.memory_space<vmem>>) semaphore(%arg7 : memref<!tpu.dma_semaphore, #tpu.memory_space<semaphore_mem>>)
    %dma_wait3A = arith.constant 0 : i32
    %dma_wait3A_770 = arith.constant 0 : i32
    %dma_wait3A_771 = arith.constant 0 : i32
    %dma_wait3A_772 = arith.constant 0 : i32
    %dma_wait3A_773 = tpu.memref_slice %arg6[%dma_wait3A_770, %dma_wait3A_771, %dma_wait3A_772] : memref<64x128x8xf32, #tpu.memory_space<vmem>> -> memref<1x128x8xf32, #tpu.memory_space<vmem>>
    %dma_wait3A_774 = tpu.memref_squeeze %dma_wait3A_773 : memref<1x128x8xf32, #tpu.memory_space<vmem>> -> memref<128x8xf32, #tpu.memory_space<vmem>>
    %dma_wait3A_775 = arith.constant 0 : i32
    %dma_wait3A_776 = tpu.memref_slice %arg5[%dma_wait3A, %dma_wait3A_775] : memref<64x128xi32, #tpu.memory_space<vmem>> -> memref<1x128xi32, #tpu.memory_space<vmem>>
    %dma_wait3A_777 = tpu.memref_squeeze %dma_wait3A_776 : memref<1x128xi32, #tpu.memory_space<vmem>> -> memref<128xi32, #tpu.memory_space<vmem>>
    %dma_wait3A_778 = arith.constant 0 : i32
    %dma_wait3A_779 = arith.constant 0 : i32
    %dma_wait3A_780 = tpu.memref_slice %arg2[%dma_wait3A_778, %dma_wait3A_779] : memref<1048576x8xf32, #tpu.memory_space<hbm>> -> memref<1048576x8xf32, #tpu.memory_space<hbm>>
    tpu.wait_indirect_dma semaphore(%arg7 : memref<!tpu.dma_semaphore, #tpu.memory_space<semaphore_mem>>) src(%dma_wait3A_780 : memref<1048576x8xf32, #tpu.memory_space<hbm>>) dst(%dma_wait3A_774 : memref<128x8xf32, #tpu.memory_space<vmem>>)
    %dma_wait3A_781 = arith.constant 1 : i32
    %dma_wait3A_782 = arith.constant 1 : i32
    %dma_wait3A_783 = arith.constant 0 : i32
    %dma_wait3A_784 = arith.constant 0 : i32
    %dma_wait3A_785 = tpu.memref_slice %arg6[%dma_wait3A_782, %dma_wait3A_783, %dma_wait3A_784] : memref<64x128x8xf32, #tpu.memory_space<vmem>> -> memref<1x128x8xf32, #tpu.memory_space<vmem>>
    %dma_wait3A_786 = tpu.memref_squeeze %dma_wait3A_785 : memref<1x128x8xf32, #tpu.memory_space<vmem>> -> memref<128x8xf32, #tpu.memory_space<vmem>>
    %dma_wait3A_787 = arith.constant 0 : i32
    %dma_wait3A_788 = tpu.memref_slice %arg5[%dma_wait3A_781, %dma_wait3A_787] : memref<64x128xi32, #tpu.memory_space<vmem>> -> memref<1x128xi32, #tpu.memory_space<vmem>>
    %dma_wait3A_789 = tpu.memref_squeeze %dma_wait3A_788 : memref<1x128xi32, #tpu.memory_space<vmem>> -> memref<128xi32, #tpu.memory_space<vmem>>
    %dma_wait3A_790 = arith.constant 0 : i32
    %dma_wait3A_791 = arith.constant 0 : i32
    %dma_wait3A_792 = tpu.memref_slice %arg2[%dma_wait3A_790, %dma_wait3A_791] : memref<1048576x8xf32, #tpu.memory_space<hbm>> -> memref<1048576x8xf32, #tpu.memory_space<hbm>>
    tpu.wait_indirect_dma semaphore(%arg7 : memref<!tpu.dma_semaphore, #tpu.memory_space<semaphore_mem>>) src(%dma_wait3A_792 : memref<1048576x8xf32, #tpu.memory_space<hbm>>) dst(%dma_wait3A_786 : memref<128x8xf32, #tpu.memory_space<vmem>>)
    %dma_wait3A_793 = arith.constant 2 : i32
    %dma_wait3A_794 = arith.constant 2 : i32
    %dma_wait3A_795 = arith.constant 0 : i32
    %dma_wait3A_796 = arith.constant 0 : i32
    %dma_wait3A_797 = tpu.memref_slice %arg6[%dma_wait3A_794, %dma_wait3A_795, %dma_wait3A_796] : memref<64x128x8xf32, #tpu.memory_space<vmem>> -> memref<1x128x8xf32, #tpu.memory_space<vmem>>
    %dma_wait3A_798 = tpu.memref_squeeze %dma_wait3A_797 : memref<1x128x8xf32, #tpu.memory_space<vmem>> -> memref<128x8xf32, #tpu.memory_space<vmem>>
    %dma_wait3A_799 = arith.constant 0 : i32
    %dma_wait3A_800 = tpu.memref_slice %arg5[%dma_wait3A_793, %dma_wait3A_799] : memref<64x128xi32, #tpu.memory_space<vmem>> -> memref<1x128xi32, #tpu.memory_space<vmem>>
    %dma_wait3A_801 = tpu.memref_squeeze %dma_wait3A_800 : memref<1x128xi32, #tpu.memory_space<vmem>> -> memref<128xi32, #tpu.memory_space<vmem>>
    %dma_wait3A_802 = arith.constant 0 : i32
    %dma_wait3A_803 = arith.constant 0 : i32
    %dma_wait3A_804 = tpu.memref_slice %arg2[%dma_wait3A_802, %dma_wait3A_803] : memref<1048576x8xf32, #tpu.memory_space<hbm>> -> memref<1048576x8xf32, #tpu.memory_space<hbm>>
    tpu.wait_indirect_dma semaphore(%arg7 : memref<!tpu.dma_semaphore, #tpu.memory_space<semaphore_mem>>) src(%dma_wait3A_804 : memref<1048576x8xf32, #tpu.memory_space<hbm>>) dst(%dma_wait3A_798 : memref<128x8xf32, #tpu.memory_space<vmem>>)
    %dma_wait3A_805 = arith.constant 3 : i32
    %dma_wait3A_806 = arith.constant 3 : i32
    %dma_wait3A_807 = arith.constant 0 : i32
    %dma_wait3A_808 = arith.constant 0 : i32
    %dma_wait3A_809 = tpu.memref_slice %arg6[%dma_wait3A_806, %dma_wait3A_807, %dma_wait3A_808] : memref<64x128x8xf32, #tpu.memory_space<vmem>> -> memref<1x128x8xf32, #tpu.memory_space<vmem>>
    %dma_wait3A_810 = tpu.memref_squeeze %dma_wait3A_809 : memref<1x128x8xf32, #tpu.memory_space<vmem>> -> memref<128x8xf32, #tpu.memory_space<vmem>>
    %dma_wait3A_811 = arith.constant 0 : i32
    %dma_wait3A_812 = tpu.memref_slice %arg5[%dma_wait3A_805, %dma_wait3A_811] : memref<64x128xi32, #tpu.memory_space<vmem>> -> memref<1x128xi32, #tpu.memory_space<vmem>>
    %dma_wait3A_813 = tpu.memref_squeeze %dma_wait3A_812 : memref<1x128xi32, #tpu.memory_space<vmem>> -> memref<128xi32, #tpu.memory_space<vmem>>
    %dma_wait3A_814 = arith.constant 0 : i32
    %dma_wait3A_815 = arith.constant 0 : i32
    %dma_wait3A_816 = tpu.memref_slice %arg2[%dma_wait3A_814, %dma_wait3A_815] : memref<1048576x8xf32, #tpu.memory_space<hbm>> -> memref<1048576x8xf32, #tpu.memory_space<hbm>>
    tpu.wait_indirect_dma semaphore(%arg7 : memref<!tpu.dma_semaphore, #tpu.memory_space<semaphore_mem>>) src(%dma_wait3A_816 : memref<1048576x8xf32, #tpu.memory_space<hbm>>) dst(%dma_wait3A_810 : memref<128x8xf32, #tpu.memory_space<vmem>>)
    %dma_wait3A_817 = arith.constant 4 : i32
    %dma_wait3A_818 = arith.constant 4 : i32
    %dma_wait3A_819 = arith.constant 0 : i32
    %dma_wait3A_820 = arith.constant 0 : i32
    %dma_wait3A_821 = tpu.memref_slice %arg6[%dma_wait3A_818, %dma_wait3A_819, %dma_wait3A_820] : memref<64x128x8xf32, #tpu.memory_space<vmem>> -> memref<1x128x8xf32, #tpu.memory_space<vmem>>
    %dma_wait3A_822 = tpu.memref_squeeze %dma_wait3A_821 : memref<1x128x8xf32, #tpu.memory_space<vmem>> -> memref<128x8xf32, #tpu.memory_space<vmem>>
    %dma_wait3A_823 = arith.constant 0 : i32
    %dma_wait3A_824 = tpu.memref_slice %arg5[%dma_wait3A_817, %dma_wait3A_823] : memref<64x128xi32, #tpu.memory_space<vmem>> -> memref<1x128xi32, #tpu.memory_space<vmem>>
    %dma_wait3A_825 = tpu.memref_squeeze %dma_wait3A_824 : memref<1x128xi32, #tpu.memory_space<vmem>> -> memref<128xi32, #tpu.memory_space<vmem>>
    %dma_wait3A_826 = arith.constant 0 : i32
    %dma_wait3A_827 = arith.constant 0 : i32
    %dma_wait3A_828 = tpu.memref_slice %arg2[%dma_wait3A_826, %dma_wait3A_827] : memref<1048576x8xf32, #tpu.memory_space<hbm>> -> memref<1048576x8xf32, #tpu.memory_space<hbm>>
    tpu.wait_indirect_dma semaphore(%arg7 : memref<!tpu.dma_semaphore, #tpu.memory_space<semaphore_mem>>) src(%dma_wait3A_828 : memref<1048576x8xf32, #tpu.memory_space<hbm>>) dst(%dma_wait3A_822 : memref<128x8xf32, #tpu.memory_space<vmem>>)
    %dma_wait3A_829 = arith.constant 5 : i32
    %dma_wait3A_830 = arith.constant 5 : i32
    %dma_wait3A_831 = arith.constant 0 : i32
    %dma_wait3A_832 = arith.constant 0 : i32
    %dma_wait3A_833 = tpu.memref_slice %arg6[%dma_wait3A_830, %dma_wait3A_831, %dma_wait3A_832] : memref<64x128x8xf32, #tpu.memory_space<vmem>> -> memref<1x128x8xf32, #tpu.memory_space<vmem>>
    %dma_wait3A_834 = tpu.memref_squeeze %dma_wait3A_833 : memref<1x128x8xf32, #tpu.memory_space<vmem>> -> memref<128x8xf32, #tpu.memory_space<vmem>>
    %dma_wait3A_835 = arith.constant 0 : i32
    %dma_wait3A_836 = tpu.memref_slice %arg5[%dma_wait3A_829, %dma_wait3A_835] : memref<64x128xi32, #tpu.memory_space<vmem>> -> memref<1x128xi32, #tpu.memory_space<vmem>>
    %dma_wait3A_837 = tpu.memref_squeeze %dma_wait3A_836 : memref<1x128xi32, #tpu.memory_space<vmem>> -> memref<128xi32, #tpu.memory_space<vmem>>
    %dma_wait3A_838 = arith.constant 0 : i32
    %dma_wait3A_839 = arith.constant 0 : i32
    %dma_wait3A_840 = tpu.memref_slice %arg2[%dma_wait3A_838, %dma_wait3A_839] : memref<1048576x8xf32, #tpu.memory_space<hbm>> -> memref<1048576x8xf32, #tpu.memory_space<hbm>>
    tpu.wait_indirect_dma semaphore(%arg7 : memref<!tpu.dma_semaphore, #tpu.memory_space<semaphore_mem>>) src(%dma_wait3A_840 : memref<1048576x8xf32, #tpu.memory_space<hbm>>) dst(%dma_wait3A_834 : memref<128x8xf32, #tpu.memory_space<vmem>>)
    %dma_wait3A_841 = arith.constant 6 : i32
    %dma_wait3A_842 = arith.constant 6 : i32
    %dma_wait3A_843 = arith.constant 0 : i32
    %dma_wait3A_844 = arith.constant 0 : i32
    %dma_wait3A_845 = tpu.memref_slice %arg6[%dma_wait3A_842, %dma_wait3A_843, %dma_wait3A_844] : memref<64x128x8xf32, #tpu.memory_space<vmem>> -> memref<1x128x8xf32, #tpu.memory_space<vmem>>
    %dma_wait3A_846 = tpu.memref_squeeze %dma_wait3A_845 : memref<1x128x8xf32, #tpu.memory_space<vmem>> -> memref<128x8xf32, #tpu.memory_space<vmem>>
    %dma_wait3A_847 = arith.constant 0 : i32
    %dma_wait3A_848 = tpu.memref_slice %arg5[%dma_wait3A_841, %dma_wait3A_847] : memref<64x128xi32, #tpu.memory_space<vmem>> -> memref<1x128xi32, #tpu.memory_space<vmem>>
    %dma_wait3A_849 = tpu.memref_squeeze %dma_wait3A_848 : memref<1x128xi32, #tpu.memory_space<vmem>> -> memref<128xi32, #tpu.memory_space<vmem>>
    %dma_wait3A_850 = arith.constant 0 : i32
    %dma_wait3A_851 = arith.constant 0 : i32
    %dma_wait3A_852 = tpu.memref_slice %arg2[%dma_wait3A_850, %dma_wait3A_851] : memref<1048576x8xf32, #tpu.memory_space<hbm>> -> memref<1048576x8xf32, #tpu.memory_space<hbm>>
    tpu.wait_indirect_dma semaphore(%arg7 : memref<!tpu.dma_semaphore, #tpu.memory_space<semaphore_mem>>) src(%dma_wait3A_852 : memref<1048576x8xf32, #tpu.memory_space<hbm>>) dst(%dma_wait3A_846 : memref<128x8xf32, #tpu.memory_space<vmem>>)
    %dma_wait3A_853 = arith.constant 7 : i32
    %dma_wait3A_854 = arith.constant 7 : i32
    %dma_wait3A_855 = arith.constant 0 : i32
    %dma_wait3A_856 = arith.constant 0 : i32
    %dma_wait3A_857 = tpu.memref_slice %arg6[%dma_wait3A_854, %dma_wait3A_855, %dma_wait3A_856] : memref<64x128x8xf32, #tpu.memory_space<vmem>> -> memref<1x128x8xf32, #tpu.memory_space<vmem>>
    %dma_wait3A_858 = tpu.memref_squeeze %dma_wait3A_857 : memref<1x128x8xf32, #tpu.memory_space<vmem>> -> memref<128x8xf32, #tpu.memory_space<vmem>>
    %dma_wait3A_859 = arith.constant 0 : i32
    %dma_wait3A_860 = tpu.memref_slice %arg5[%dma_wait3A_853, %dma_wait3A_859] : memref<64x128xi32, #tpu.memory_space<vmem>> -> memref<1x128xi32, #tpu.memory_space<vmem>>
    %dma_wait3A_861 = tpu.memref_squeeze %dma_wait3A_860 : memref<1x128xi32, #tpu.memory_space<vmem>> -> memref<128xi32, #tpu.memory_space<vmem>>
    %dma_wait3A_862 = arith.constant 0 : i32
    %dma_wait3A_863 = arith.constant 0 : i32
    %dma_wait3A_864 = tpu.memref_slice %arg2[%dma_wait3A_862, %dma_wait3A_863] : memref<1048576x8xf32, #tpu.memory_space<hbm>> -> memref<1048576x8xf32, #tpu.memory_space<hbm>>
    tpu.wait_indirect_dma semaphore(%arg7 : memref<!tpu.dma_semaphore, #tpu.memory_space<semaphore_mem>>) src(%dma_wait3A_864 : memref<1048576x8xf32, #tpu.memory_space<hbm>>) dst(%dma_wait3A_858 : memref<128x8xf32, #tpu.memory_space<vmem>>)
    %dma_wait3A_865 = arith.constant 8 : i32
    %dma_wait3A_866 = arith.constant 8 : i32
    %dma_wait3A_867 = arith.constant 0 : i32
    %dma_wait3A_868 = arith.constant 0 : i32
    %dma_wait3A_869 = tpu.memref_slice %arg6[%dma_wait3A_866, %dma_wait3A_867, %dma_wait3A_868] : memref<64x128x8xf32, #tpu.memory_space<vmem>> -> memref<1x128x8xf32, #tpu.memory_space<vmem>>
    %dma_wait3A_870 = tpu.memref_squeeze %dma_wait3A_869 : memref<1x128x8xf32, #tpu.memory_space<vmem>> -> memref<128x8xf32, #tpu.memory_space<vmem>>
    %dma_wait3A_871 = arith.constant 0 : i32
    %dma_wait3A_872 = tpu.memref_slice %arg5[%dma_wait3A_865, %dma_wait3A_871] : memref<64x128xi32, #tpu.memory_space<vmem>> -> memref<1x128xi32, #tpu.memory_space<vmem>>
    %dma_wait3A_873 = tpu.memref_squeeze %dma_wait3A_872 : memref<1x128xi32, #tpu.memory_space<vmem>> -> memref<128xi32, #tpu.memory_space<vmem>>
    %dma_wait3A_874 = arith.constant 0 : i32
    %dma_wait3A_875 = arith.constant 0 : i32
    %dma_wait3A_876 = tpu.memref_slice %arg2[%dma_wait3A_874, %dma_wait3A_875] : memref<1048576x8xf32, #tpu.memory_space<hbm>> -> memref<1048576x8xf32, #tpu.memory_space<hbm>>
    tpu.wait_indirect_dma semaphore(%arg7 : memref<!tpu.dma_semaphore, #tpu.memory_space<semaphore_mem>>) src(%dma_wait3A_876 : memref<1048576x8xf32, #tpu.memory_space<hbm>>) dst(%dma_wait3A_870 : memref<128x8xf32, #tpu.memory_space<vmem>>)
    %dma_wait3A_877 = arith.constant 9 : i32
    %dma_wait3A_878 = arith.constant 9 : i32
    %dma_wait3A_879 = arith.constant 0 : i32
    %dma_wait3A_880 = arith.constant 0 : i32
    %dma_wait3A_881 = tpu.memref_slice %arg6[%dma_wait3A_878, %dma_wait3A_879, %dma_wait3A_880] : memref<64x128x8xf32, #tpu.memory_space<vmem>> -> memref<1x128x8xf32, #tpu.memory_space<vmem>>
    %dma_wait3A_882 = tpu.memref_squeeze %dma_wait3A_881 : memref<1x128x8xf32, #tpu.memory_space<vmem>> -> memref<128x8xf32, #tpu.memory_space<vmem>>
    %dma_wait3A_883 = arith.constant 0 : i32
    %dma_wait3A_884 = tpu.memref_slice %arg5[%dma_wait3A_877, %dma_wait3A_883] : memref<64x128xi32, #tpu.memory_space<vmem>> -> memref<1x128xi32, #tpu.memory_space<vmem>>
    %dma_wait3A_885 = tpu.memref_squeeze %dma_wait3A_884 : memref<1x128xi32, #tpu.memory_space<vmem>> -> memref<128xi32, #tpu.memory_space<vmem>>
    %dma_wait3A_886 = arith.constant 0 : i32
    %dma_wait3A_887 = arith.constant 0 : i32
    %dma_wait3A_888 = tpu.memref_slice %arg2[%dma_wait3A_886, %dma_wait3A_887] : memref<1048576x8xf32, #tpu.memory_space<hbm>> -> memref<1048576x8xf32, #tpu.memory_space<hbm>>
    tpu.wait_indirect_dma semaphore(%arg7 : memref<!tpu.dma_semaphore, #tpu.memory_space<semaphore_mem>>) src(%dma_wait3A_888 : memref<1048576x8xf32, #tpu.memory_space<hbm>>) dst(%dma_wait3A_882 : memref<128x8xf32, #tpu.memory_space<vmem>>)
    %dma_wait3A_889 = arith.constant 10 : i32
    %dma_wait3A_890 = arith.constant 10 : i32
    %dma_wait3A_891 = arith.constant 0 : i32
    %dma_wait3A_892 = arith.constant 0 : i32
    %dma_wait3A_893 = tpu.memref_slice %arg6[%dma_wait3A_890, %dma_wait3A_891, %dma_wait3A_892] : memref<64x128x8xf32, #tpu.memory_space<vmem>> -> memref<1x128x8xf32, #tpu.memory_space<vmem>>
    %dma_wait3A_894 = tpu.memref_squeeze %dma_wait3A_893 : memref<1x128x8xf32, #tpu.memory_space<vmem>> -> memref<128x8xf32, #tpu.memory_space<vmem>>
    %dma_wait3A_895 = arith.constant 0 : i32
    %dma_wait3A_896 = tpu.memref_slice %arg5[%dma_wait3A_889, %dma_wait3A_895] : memref<64x128xi32, #tpu.memory_space<vmem>> -> memref<1x128xi32, #tpu.memory_space<vmem>>
    %dma_wait3A_897 = tpu.memref_squeeze %dma_wait3A_896 : memref<1x128xi32, #tpu.memory_space<vmem>> -> memref<128xi32, #tpu.memory_space<vmem>>
    %dma_wait3A_898 = arith.constant 0 : i32
    %dma_wait3A_899 = arith.constant 0 : i32
    %dma_wait3A_900 = tpu.memref_slice %arg2[%dma_wait3A_898, %dma_wait3A_899] : memref<1048576x8xf32, #tpu.memory_space<hbm>> -> memref<1048576x8xf32, #tpu.memory_space<hbm>>
    tpu.wait_indirect_dma semaphore(%arg7 : memref<!tpu.dma_semaphore, #tpu.memory_space<semaphore_mem>>) src(%dma_wait3A_900 : memref<1048576x8xf32, #tpu.memory_space<hbm>>) dst(%dma_wait3A_894 : memref<128x8xf32, #tpu.memory_space<vmem>>)
    %dma_wait3A_901 = arith.constant 11 : i32
    %dma_wait3A_902 = arith.constant 11 : i32
    %dma_wait3A_903 = arith.constant 0 : i32
    %dma_wait3A_904 = arith.constant 0 : i32
    %dma_wait3A_905 = tpu.memref_slice %arg6[%dma_wait3A_902, %dma_wait3A_903, %dma_wait3A_904] : memref<64x128x8xf32, #tpu.memory_space<vmem>> -> memref<1x128x8xf32, #tpu.memory_space<vmem>>
    %dma_wait3A_906 = tpu.memref_squeeze %dma_wait3A_905 : memref<1x128x8xf32, #tpu.memory_space<vmem>> -> memref<128x8xf32, #tpu.memory_space<vmem>>
    %dma_wait3A_907 = arith.constant 0 : i32
    %dma_wait3A_908 = tpu.memref_slice %arg5[%dma_wait3A_901, %dma_wait3A_907] : memref<64x128xi32, #tpu.memory_space<vmem>> -> memref<1x128xi32, #tpu.memory_space<vmem>>
    %dma_wait3A_909 = tpu.memref_squeeze %dma_wait3A_908 : memref<1x128xi32, #tpu.memory_space<vmem>> -> memref<128xi32, #tpu.memory_space<vmem>>
    %dma_wait3A_910 = arith.constant 0 : i32
    %dma_wait3A_911 = arith.constant 0 : i32
    %dma_wait3A_912 = tpu.memref_slice %arg2[%dma_wait3A_910, %dma_wait3A_911] : memref<1048576x8xf32, #tpu.memory_space<hbm>> -> memref<1048576x8xf32, #tpu.memory_space<hbm>>
    tpu.wait_indirect_dma semaphore(%arg7 : memref<!tpu.dma_semaphore, #tpu.memory_space<semaphore_mem>>) src(%dma_wait3A_912 : memref<1048576x8xf32, #tpu.memory_space<hbm>>) dst(%dma_wait3A_906 : memref<128x8xf32, #tpu.memory_space<vmem>>)
    %dma_wait3A_913 = arith.constant 12 : i32
    %dma_wait3A_914 = arith.constant 12 : i32
    %dma_wait3A_915 = arith.constant 0 : i32
    %dma_wait3A_916 = arith.constant 0 : i32
    %dma_wait3A_917 = tpu.memref_slice %arg6[%dma_wait3A_914, %dma_wait3A_915, %dma_wait3A_916] : memref<64x128x8xf32, #tpu.memory_space<vmem>> -> memref<1x128x8xf32, #tpu.memory_space<vmem>>
    %dma_wait3A_918 = tpu.memref_squeeze %dma_wait3A_917 : memref<1x128x8xf32, #tpu.memory_space<vmem>> -> memref<128x8xf32, #tpu.memory_space<vmem>>
    %dma_wait3A_919 = arith.constant 0 : i32
    %dma_wait3A_920 = tpu.memref_slice %arg5[%dma_wait3A_913, %dma_wait3A_919] : memref<64x128xi32, #tpu.memory_space<vmem>> -> memref<1x128xi32, #tpu.memory_space<vmem>>
    %dma_wait3A_921 = tpu.memref_squeeze %dma_wait3A_920 : memref<1x128xi32, #tpu.memory_space<vmem>> -> memref<128xi32, #tpu.memory_space<vmem>>
    %dma_wait3A_922 = arith.constant 0 : i32
    %dma_wait3A_923 = arith.constant 0 : i32
    %dma_wait3A_924 = tpu.memref_slice %arg2[%dma_wait3A_922, %dma_wait3A_923] : memref<1048576x8xf32, #tpu.memory_space<hbm>> -> memref<1048576x8xf32, #tpu.memory_space<hbm>>
    tpu.wait_indirect_dma semaphore(%arg7 : memref<!tpu.dma_semaphore, #tpu.memory_space<semaphore_mem>>) src(%dma_wait3A_924 : memref<1048576x8xf32, #tpu.memory_space<hbm>>) dst(%dma_wait3A_918 : memref<128x8xf32, #tpu.memory_space<vmem>>)
    %dma_wait3A_925 = arith.constant 13 : i32
    %dma_wait3A_926 = arith.constant 13 : i32
    %dma_wait3A_927 = arith.constant 0 : i32
    %dma_wait3A_928 = arith.constant 0 : i32
    %dma_wait3A_929 = tpu.memref_slice %arg6[%dma_wait3A_926, %dma_wait3A_927, %dma_wait3A_928] : memref<64x128x8xf32, #tpu.memory_space<vmem>> -> memref<1x128x8xf32, #tpu.memory_space<vmem>>
    %dma_wait3A_930 = tpu.memref_squeeze %dma_wait3A_929 : memref<1x128x8xf32, #tpu.memory_space<vmem>> -> memref<128x8xf32, #tpu.memory_space<vmem>>
    %dma_wait3A_931 = arith.constant 0 : i32
    %dma_wait3A_932 = tpu.memref_slice %arg5[%dma_wait3A_925, %dma_wait3A_931] : memref<64x128xi32, #tpu.memory_space<vmem>> -> memref<1x128xi32, #tpu.memory_space<vmem>>
    %dma_wait3A_933 = tpu.memref_squeeze %dma_wait3A_932 : memref<1x128xi32, #tpu.memory_space<vmem>> -> memref<128xi32, #tpu.memory_space<vmem>>
    %dma_wait3A_934 = arith.constant 0 : i32
    %dma_wait3A_935 = arith.constant 0 : i32
    %dma_wait3A_936 = tpu.memref_slice %arg2[%dma_wait3A_934, %dma_wait3A_935] : memref<1048576x8xf32, #tpu.memory_space<hbm>> -> memref<1048576x8xf32, #tpu.memory_space<hbm>>
    tpu.wait_indirect_dma semaphore(%arg7 : memref<!tpu.dma_semaphore, #tpu.memory_space<semaphore_mem>>) src(%dma_wait3A_936 : memref<1048576x8xf32, #tpu.memory_space<hbm>>) dst(%dma_wait3A_930 : memref<128x8xf32, #tpu.memory_space<vmem>>)
    %dma_wait3A_937 = arith.constant 14 : i32
    %dma_wait3A_938 = arith.constant 14 : i32
    %dma_wait3A_939 = arith.constant 0 : i32
    %dma_wait3A_940 = arith.constant 0 : i32
    %dma_wait3A_941 = tpu.memref_slice %arg6[%dma_wait3A_938, %dma_wait3A_939, %dma_wait3A_940] : memref<64x128x8xf32, #tpu.memory_space<vmem>> -> memref<1x128x8xf32, #tpu.memory_space<vmem>>
    %dma_wait3A_942 = tpu.memref_squeeze %dma_wait3A_941 : memref<1x128x8xf32, #tpu.memory_space<vmem>> -> memref<128x8xf32, #tpu.memory_space<vmem>>
    %dma_wait3A_943 = arith.constant 0 : i32
    %dma_wait3A_944 = tpu.memref_slice %arg5[%dma_wait3A_937, %dma_wait3A_943] : memref<64x128xi32, #tpu.memory_space<vmem>> -> memref<1x128xi32, #tpu.memory_space<vmem>>
    %dma_wait3A_945 = tpu.memref_squeeze %dma_wait3A_944 : memref<1x128xi32, #tpu.memory_space<vmem>> -> memref<128xi32, #tpu.memory_space<vmem>>
    %dma_wait3A_946 = arith.constant 0 : i32
    %dma_wait3A_947 = arith.constant 0 : i32
    %dma_wait3A_948 = tpu.memref_slice %arg2[%dma_wait3A_946, %dma_wait3A_947] : memref<1048576x8xf32, #tpu.memory_space<hbm>> -> memref<1048576x8xf32, #tpu.memory_space<hbm>>
    tpu.wait_indirect_dma semaphore(%arg7 : memref<!tpu.dma_semaphore, #tpu.memory_space<semaphore_mem>>) src(%dma_wait3A_948 : memref<1048576x8xf32, #tpu.memory_space<hbm>>) dst(%dma_wait3A_942 : memref<128x8xf32, #tpu.memory_space<vmem>>)
    %dma_wait3A_949 = arith.constant 15 : i32
    %dma_wait3A_950 = arith.constant 15 : i32
    %dma_wait3A_951 = arith.constant 0 : i32
    %dma_wait3A_952 = arith.constant 0 : i32
    %dma_wait3A_953 = tpu.memref_slice %arg6[%dma_wait3A_950, %dma_wait3A_951, %dma_wait3A_952] : memref<64x128x8xf32, #tpu.memory_space<vmem>> -> memref<1x128x8xf32, #tpu.memory_space<vmem>>
    %dma_wait3A_954 = tpu.memref_squeeze %dma_wait3A_953 : memref<1x128x8xf32, #tpu.memory_space<vmem>> -> memref<128x8xf32, #tpu.memory_space<vmem>>
    %dma_wait3A_955 = arith.constant 0 : i32
    %dma_wait3A_956 = tpu.memref_slice %arg5[%dma_wait3A_949, %dma_wait3A_955] : memref<64x128xi32, #tpu.memory_space<vmem>> -> memref<1x128xi32, #tpu.memory_space<vmem>>
    %dma_wait3A_957 = tpu.memref_squeeze %dma_wait3A_956 : memref<1x128xi32, #tpu.memory_space<vmem>> -> memref<128xi32, #tpu.memory_space<vmem>>
    %dma_wait3A_958 = arith.constant 0 : i32
    %dma_wait3A_959 = arith.constant 0 : i32
    %dma_wait3A_960 = tpu.memref_slice %arg2[%dma_wait3A_958, %dma_wait3A_959] : memref<1048576x8xf32, #tpu.memory_space<hbm>> -> memref<1048576x8xf32, #tpu.memory_space<hbm>>
    tpu.wait_indirect_dma semaphore(%arg7 : memref<!tpu.dma_semaphore, #tpu.memory_space<semaphore_mem>>) src(%dma_wait3A_960 : memref<1048576x8xf32, #tpu.memory_space<hbm>>) dst(%dma_wait3A_954 : memref<128x8xf32, #tpu.memory_space<vmem>>)
    %dma_wait3A_961 = arith.constant 16 : i32
    %dma_wait3A_962 = arith.constant 16 : i32
    %dma_wait3A_963 = arith.constant 0 : i32
    %dma_wait3A_964 = arith.constant 0 : i32
    %dma_wait3A_965 = tpu.memref_slice %arg6[%dma_wait3A_962, %dma_wait3A_963, %dma_wait3A_964] : memref<64x128x8xf32, #tpu.memory_space<vmem>> -> memref<1x128x8xf32, #tpu.memory_space<vmem>>
    %dma_wait3A_966 = tpu.memref_squeeze %dma_wait3A_965 : memref<1x128x8xf32, #tpu.memory_space<vmem>> -> memref<128x8xf32, #tpu.memory_space<vmem>>
    %dma_wait3A_967 = arith.constant 0 : i32
    %dma_wait3A_968 = tpu.memref_slice %arg5[%dma_wait3A_961, %dma_wait3A_967] : memref<64x128xi32, #tpu.memory_space<vmem>> -> memref<1x128xi32, #tpu.memory_space<vmem>>
    %dma_wait3A_969 = tpu.memref_squeeze %dma_wait3A_968 : memref<1x128xi32, #tpu.memory_space<vmem>> -> memref<128xi32, #tpu.memory_space<vmem>>
    %dma_wait3A_970 = arith.constant 0 : i32
    %dma_wait3A_971 = arith.constant 0 : i32
    %dma_wait3A_972 = tpu.memref_slice %arg2[%dma_wait3A_970, %dma_wait3A_971] : memref<1048576x8xf32, #tpu.memory_space<hbm>> -> memref<1048576x8xf32, #tpu.memory_space<hbm>>
    tpu.wait_indirect_dma semaphore(%arg7 : memref<!tpu.dma_semaphore, #tpu.memory_space<semaphore_mem>>) src(%dma_wait3A_972 : memref<1048576x8xf32, #tpu.memory_space<hbm>>) dst(%dma_wait3A_966 : memref<128x8xf32, #tpu.memory_space<vmem>>)
    %dma_wait3A_973 = arith.constant 17 : i32
    %dma_wait3A_974 = arith.constant 17 : i32
    %dma_wait3A_975 = arith.constant 0 : i32
    %dma_wait3A_976 = arith.constant 0 : i32
    %dma_wait3A_977 = tpu.memref_slice %arg6[%dma_wait3A_974, %dma_wait3A_975, %dma_wait3A_976] : memref<64x128x8xf32, #tpu.memory_space<vmem>> -> memref<1x128x8xf32, #tpu.memory_space<vmem>>
    %dma_wait3A_978 = tpu.memref_squeeze %dma_wait3A_977 : memref<1x128x8xf32, #tpu.memory_space<vmem>> -> memref<128x8xf32, #tpu.memory_space<vmem>>
    %dma_wait3A_979 = arith.constant 0 : i32
    %dma_wait3A_980 = tpu.memref_slice %arg5[%dma_wait3A_973, %dma_wait3A_979] : memref<64x128xi32, #tpu.memory_space<vmem>> -> memref<1x128xi32, #tpu.memory_space<vmem>>
    %dma_wait3A_981 = tpu.memref_squeeze %dma_wait3A_980 : memref<1x128xi32, #tpu.memory_space<vmem>> -> memref<128xi32, #tpu.memory_space<vmem>>
    %dma_wait3A_982 = arith.constant 0 : i32
    %dma_wait3A_983 = arith.constant 0 : i32
    %dma_wait3A_984 = tpu.memref_slice %arg2[%dma_wait3A_982, %dma_wait3A_983] : memref<1048576x8xf32, #tpu.memory_space<hbm>> -> memref<1048576x8xf32, #tpu.memory_space<hbm>>
    tpu.wait_indirect_dma semaphore(%arg7 : memref<!tpu.dma_semaphore, #tpu.memory_space<semaphore_mem>>) src(%dma_wait3A_984 : memref<1048576x8xf32, #tpu.memory_space<hbm>>) dst(%dma_wait3A_978 : memref<128x8xf32, #tpu.memory_space<vmem>>)
    %dma_wait3A_985 = arith.constant 18 : i32
    %dma_wait3A_986 = arith.constant 18 : i32
    %dma_wait3A_987 = arith.constant 0 : i32
    %dma_wait3A_988 = arith.constant 0 : i32
    %dma_wait3A_989 = tpu.memref_slice %arg6[%dma_wait3A_986, %dma_wait3A_987, %dma_wait3A_988] : memref<64x128x8xf32, #tpu.memory_space<vmem>> -> memref<1x128x8xf32, #tpu.memory_space<vmem>>
    %dma_wait3A_990 = tpu.memref_squeeze %dma_wait3A_989 : memref<1x128x8xf32, #tpu.memory_space<vmem>> -> memref<128x8xf32, #tpu.memory_space<vmem>>
    %dma_wait3A_991 = arith.constant 0 : i32
    %dma_wait3A_992 = tpu.memref_slice %arg5[%dma_wait3A_985, %dma_wait3A_991] : memref<64x128xi32, #tpu.memory_space<vmem>> -> memref<1x128xi32, #tpu.memory_space<vmem>>
    %dma_wait3A_993 = tpu.memref_squeeze %dma_wait3A_992 : memref<1x128xi32, #tpu.memory_space<vmem>> -> memref<128xi32, #tpu.memory_space<vmem>>
    %dma_wait3A_994 = arith.constant 0 : i32
    %dma_wait3A_995 = arith.constant 0 : i32
    %dma_wait3A_996 = tpu.memref_slice %arg2[%dma_wait3A_994, %dma_wait3A_995] : memref<1048576x8xf32, #tpu.memory_space<hbm>> -> memref<1048576x8xf32, #tpu.memory_space<hbm>>
    tpu.wait_indirect_dma semaphore(%arg7 : memref<!tpu.dma_semaphore, #tpu.memory_space<semaphore_mem>>) src(%dma_wait3A_996 : memref<1048576x8xf32, #tpu.memory_space<hbm>>) dst(%dma_wait3A_990 : memref<128x8xf32, #tpu.memory_space<vmem>>)
    %dma_wait3A_997 = arith.constant 19 : i32
    %dma_wait3A_998 = arith.constant 19 : i32
    %dma_wait3A_999 = arith.constant 0 : i32
    %dma_wait3A_1000 = arith.constant 0 : i32
    %dma_wait3A_1001 = tpu.memref_slice %arg6[%dma_wait3A_998, %dma_wait3A_999, %dma_wait3A_1000] : memref<64x128x8xf32, #tpu.memory_space<vmem>> -> memref<1x128x8xf32, #tpu.memory_space<vmem>>
    %dma_wait3A_1002 = tpu.memref_squeeze %dma_wait3A_1001 : memref<1x128x8xf32, #tpu.memory_space<vmem>> -> memref<128x8xf32, #tpu.memory_space<vmem>>
    %dma_wait3A_1003 = arith.constant 0 : i32
    %dma_wait3A_1004 = tpu.memref_slice %arg5[%dma_wait3A_997, %dma_wait3A_1003] : memref<64x128xi32, #tpu.memory_space<vmem>> -> memref<1x128xi32, #tpu.memory_space<vmem>>
    %dma_wait3A_1005 = tpu.memref_squeeze %dma_wait3A_1004 : memref<1x128xi32, #tpu.memory_space<vmem>> -> memref<128xi32, #tpu.memory_space<vmem>>
    %dma_wait3A_1006 = arith.constant 0 : i32
    %dma_wait3A_1007 = arith.constant 0 : i32
    %dma_wait3A_1008 = tpu.memref_slice %arg2[%dma_wait3A_1006, %dma_wait3A_1007] : memref<1048576x8xf32, #tpu.memory_space<hbm>> -> memref<1048576x8xf32, #tpu.memory_space<hbm>>
    tpu.wait_indirect_dma semaphore(%arg7 : memref<!tpu.dma_semaphore, #tpu.memory_space<semaphore_mem>>) src(%dma_wait3A_1008 : memref<1048576x8xf32, #tpu.memory_space<hbm>>) dst(%dma_wait3A_1002 : memref<128x8xf32, #tpu.memory_space<vmem>>)
    %dma_wait3A_1009 = arith.constant 20 : i32
    %dma_wait3A_1010 = arith.constant 20 : i32
    %dma_wait3A_1011 = arith.constant 0 : i32
    %dma_wait3A_1012 = arith.constant 0 : i32
    %dma_wait3A_1013 = tpu.memref_slice %arg6[%dma_wait3A_1010, %dma_wait3A_1011, %dma_wait3A_1012] : memref<64x128x8xf32, #tpu.memory_space<vmem>> -> memref<1x128x8xf32, #tpu.memory_space<vmem>>
    %dma_wait3A_1014 = tpu.memref_squeeze %dma_wait3A_1013 : memref<1x128x8xf32, #tpu.memory_space<vmem>> -> memref<128x8xf32, #tpu.memory_space<vmem>>
    %dma_wait3A_1015 = arith.constant 0 : i32
    %dma_wait3A_1016 = tpu.memref_slice %arg5[%dma_wait3A_1009, %dma_wait3A_1015] : memref<64x128xi32, #tpu.memory_space<vmem>> -> memref<1x128xi32, #tpu.memory_space<vmem>>
    %dma_wait3A_1017 = tpu.memref_squeeze %dma_wait3A_1016 : memref<1x128xi32, #tpu.memory_space<vmem>> -> memref<128xi32, #tpu.memory_space<vmem>>
    %dma_wait3A_1018 = arith.constant 0 : i32
    %dma_wait3A_1019 = arith.constant 0 : i32
    %dma_wait3A_1020 = tpu.memref_slice %arg2[%dma_wait3A_1018, %dma_wait3A_1019] : memref<1048576x8xf32, #tpu.memory_space<hbm>> -> memref<1048576x8xf32, #tpu.memory_space<hbm>>
    tpu.wait_indirect_dma semaphore(%arg7 : memref<!tpu.dma_semaphore, #tpu.memory_space<semaphore_mem>>) src(%dma_wait3A_1020 : memref<1048576x8xf32, #tpu.memory_space<hbm>>) dst(%dma_wait3A_1014 : memref<128x8xf32, #tpu.memory_space<vmem>>)
    %dma_wait3A_1021 = arith.constant 21 : i32
    %dma_wait3A_1022 = arith.constant 21 : i32
    %dma_wait3A_1023 = arith.constant 0 : i32
    %dma_wait3A_1024 = arith.constant 0 : i32
    %dma_wait3A_1025 = tpu.memref_slice %arg6[%dma_wait3A_1022, %dma_wait3A_1023, %dma_wait3A_1024] : memref<64x128x8xf32, #tpu.memory_space<vmem>> -> memref<1x128x8xf32, #tpu.memory_space<vmem>>
    %dma_wait3A_1026 = tpu.memref_squeeze %dma_wait3A_1025 : memref<1x128x8xf32, #tpu.memory_space<vmem>> -> memref<128x8xf32, #tpu.memory_space<vmem>>
    %dma_wait3A_1027 = arith.constant 0 : i32
    %dma_wait3A_1028 = tpu.memref_slice %arg5[%dma_wait3A_1021, %dma_wait3A_1027] : memref<64x128xi32, #tpu.memory_space<vmem>> -> memref<1x128xi32, #tpu.memory_space<vmem>>
    %dma_wait3A_1029 = tpu.memref_squeeze %dma_wait3A_1028 : memref<1x128xi32, #tpu.memory_space<vmem>> -> memref<128xi32, #tpu.memory_space<vmem>>
    %dma_wait3A_1030 = arith.constant 0 : i32
    %dma_wait3A_1031 = arith.constant 0 : i32
    %dma_wait3A_1032 = tpu.memref_slice %arg2[%dma_wait3A_1030, %dma_wait3A_1031] : memref<1048576x8xf32, #tpu.memory_space<hbm>> -> memref<1048576x8xf32, #tpu.memory_space<hbm>>
    tpu.wait_indirect_dma semaphore(%arg7 : memref<!tpu.dma_semaphore, #tpu.memory_space<semaphore_mem>>) src(%dma_wait3A_1032 : memref<1048576x8xf32, #tpu.memory_space<hbm>>) dst(%dma_wait3A_1026 : memref<128x8xf32, #tpu.memory_space<vmem>>)
    %dma_wait3A_1033 = arith.constant 22 : i32
    %dma_wait3A_1034 = arith.constant 22 : i32
    %dma_wait3A_1035 = arith.constant 0 : i32
    %dma_wait3A_1036 = arith.constant 0 : i32
    %dma_wait3A_1037 = tpu.memref_slice %arg6[%dma_wait3A_1034, %dma_wait3A_1035, %dma_wait3A_1036] : memref<64x128x8xf32, #tpu.memory_space<vmem>> -> memref<1x128x8xf32, #tpu.memory_space<vmem>>
    %dma_wait3A_1038 = tpu.memref_squeeze %dma_wait3A_1037 : memref<1x128x8xf32, #tpu.memory_space<vmem>> -> memref<128x8xf32, #tpu.memory_space<vmem>>
    %dma_wait3A_1039 = arith.constant 0 : i32
    %dma_wait3A_1040 = tpu.memref_slice %arg5[%dma_wait3A_1033, %dma_wait3A_1039] : memref<64x128xi32, #tpu.memory_space<vmem>> -> memref<1x128xi32, #tpu.memory_space<vmem>>
    %dma_wait3A_1041 = tpu.memref_squeeze %dma_wait3A_1040 : memref<1x128xi32, #tpu.memory_space<vmem>> -> memref<128xi32, #tpu.memory_space<vmem>>
    %dma_wait3A_1042 = arith.constant 0 : i32
    %dma_wait3A_1043 = arith.constant 0 : i32
    %dma_wait3A_1044 = tpu.memref_slice %arg2[%dma_wait3A_1042, %dma_wait3A_1043] : memref<1048576x8xf32, #tpu.memory_space<hbm>> -> memref<1048576x8xf32, #tpu.memory_space<hbm>>
    tpu.wait_indirect_dma semaphore(%arg7 : memref<!tpu.dma_semaphore, #tpu.memory_space<semaphore_mem>>) src(%dma_wait3A_1044 : memref<1048576x8xf32, #tpu.memory_space<hbm>>) dst(%dma_wait3A_1038 : memref<128x8xf32, #tpu.memory_space<vmem>>)
    %dma_wait3A_1045 = arith.constant 23 : i32
    %dma_wait3A_1046 = arith.constant 23 : i32
    %dma_wait3A_1047 = arith.constant 0 : i32
    %dma_wait3A_1048 = arith.constant 0 : i32
    %dma_wait3A_1049 = tpu.memref_slice %arg6[%dma_wait3A_1046, %dma_wait3A_1047, %dma_wait3A_1048] : memref<64x128x8xf32, #tpu.memory_space<vmem>> -> memref<1x128x8xf32, #tpu.memory_space<vmem>>
    %dma_wait3A_1050 = tpu.memref_squeeze %dma_wait3A_1049 : memref<1x128x8xf32, #tpu.memory_space<vmem>> -> memref<128x8xf32, #tpu.memory_space<vmem>>
    %dma_wait3A_1051 = arith.constant 0 : i32
    %dma_wait3A_1052 = tpu.memref_slice %arg5[%dma_wait3A_1045, %dma_wait3A_1051] : memref<64x128xi32, #tpu.memory_space<vmem>> -> memref<1x128xi32, #tpu.memory_space<vmem>>
    %dma_wait3A_1053 = tpu.memref_squeeze %dma_wait3A_1052 : memref<1x128xi32, #tpu.memory_space<vmem>> -> memref<128xi32, #tpu.memory_space<vmem>>
    %dma_wait3A_1054 = arith.constant 0 : i32
    %dma_wait3A_1055 = arith.constant 0 : i32
    %dma_wait3A_1056 = tpu.memref_slice %arg2[%dma_wait3A_1054, %dma_wait3A_1055] : memref<1048576x8xf32, #tpu.memory_space<hbm>> -> memref<1048576x8xf32, #tpu.memory_space<hbm>>
    tpu.wait_indirect_dma semaphore(%arg7 : memref<!tpu.dma_semaphore, #tpu.memory_space<semaphore_mem>>) src(%dma_wait3A_1056 : memref<1048576x8xf32, #tpu.memory_space<hbm>>) dst(%dma_wait3A_1050 : memref<128x8xf32, #tpu.memory_space<vmem>>)
    %dma_wait3A_1057 = arith.constant 24 : i32
    %dma_wait3A_1058 = arith.constant 24 : i32
    %dma_wait3A_1059 = arith.constant 0 : i32
    %dma_wait3A_1060 = arith.constant 0 : i32
    %dma_wait3A_1061 = tpu.memref_slice %arg6[%dma_wait3A_1058, %dma_wait3A_1059, %dma_wait3A_1060] : memref<64x128x8xf32, #tpu.memory_space<vmem>> -> memref<1x128x8xf32, #tpu.memory_space<vmem>>
    %dma_wait3A_1062 = tpu.memref_squeeze %dma_wait3A_1061 : memref<1x128x8xf32, #tpu.memory_space<vmem>> -> memref<128x8xf32, #tpu.memory_space<vmem>>
    %dma_wait3A_1063 = arith.constant 0 : i32
    %dma_wait3A_1064 = tpu.memref_slice %arg5[%dma_wait3A_1057, %dma_wait3A_1063] : memref<64x128xi32, #tpu.memory_space<vmem>> -> memref<1x128xi32, #tpu.memory_space<vmem>>
    %dma_wait3A_1065 = tpu.memref_squeeze %dma_wait3A_1064 : memref<1x128xi32, #tpu.memory_space<vmem>> -> memref<128xi32, #tpu.memory_space<vmem>>
    %dma_wait3A_1066 = arith.constant 0 : i32
    %dma_wait3A_1067 = arith.constant 0 : i32
    %dma_wait3A_1068 = tpu.memref_slice %arg2[%dma_wait3A_1066, %dma_wait3A_1067] : memref<1048576x8xf32, #tpu.memory_space<hbm>> -> memref<1048576x8xf32, #tpu.memory_space<hbm>>
    tpu.wait_indirect_dma semaphore(%arg7 : memref<!tpu.dma_semaphore, #tpu.memory_space<semaphore_mem>>) src(%dma_wait3A_1068 : memref<1048576x8xf32, #tpu.memory_space<hbm>>) dst(%dma_wait3A_1062 : memref<128x8xf32, #tpu.memory_space<vmem>>)
    %dma_wait3A_1069 = arith.constant 25 : i32
    %dma_wait3A_1070 = arith.constant 25 : i32
    %dma_wait3A_1071 = arith.constant 0 : i32
    %dma_wait3A_1072 = arith.constant 0 : i32
    %dma_wait3A_1073 = tpu.memref_slice %arg6[%dma_wait3A_1070, %dma_wait3A_1071, %dma_wait3A_1072] : memref<64x128x8xf32, #tpu.memory_space<vmem>> -> memref<1x128x8xf32, #tpu.memory_space<vmem>>
    %dma_wait3A_1074 = tpu.memref_squeeze %dma_wait3A_1073 : memref<1x128x8xf32, #tpu.memory_space<vmem>> -> memref<128x8xf32, #tpu.memory_space<vmem>>
    %dma_wait3A_1075 = arith.constant 0 : i32
    %dma_wait3A_1076 = tpu.memref_slice %arg5[%dma_wait3A_1069, %dma_wait3A_1075] : memref<64x128xi32, #tpu.memory_space<vmem>> -> memref<1x128xi32, #tpu.memory_space<vmem>>
    %dma_wait3A_1077 = tpu.memref_squeeze %dma_wait3A_1076 : memref<1x128xi32, #tpu.memory_space<vmem>> -> memref<128xi32, #tpu.memory_space<vmem>>
    %dma_wait3A_1078 = arith.constant 0 : i32
    %dma_wait3A_1079 = arith.constant 0 : i32
    %dma_wait3A_1080 = tpu.memref_slice %arg2[%dma_wait3A_1078, %dma_wait3A_1079] : memref<1048576x8xf32, #tpu.memory_space<hbm>> -> memref<1048576x8xf32, #tpu.memory_space<hbm>>
    tpu.wait_indirect_dma semaphore(%arg7 : memref<!tpu.dma_semaphore, #tpu.memory_space<semaphore_mem>>) src(%dma_wait3A_1080 : memref<1048576x8xf32, #tpu.memory_space<hbm>>) dst(%dma_wait3A_1074 : memref<128x8xf32, #tpu.memory_space<vmem>>)
    %dma_wait3A_1081 = arith.constant 26 : i32
    %dma_wait3A_1082 = arith.constant 26 : i32
    %dma_wait3A_1083 = arith.constant 0 : i32
    %dma_wait3A_1084 = arith.constant 0 : i32
    %dma_wait3A_1085 = tpu.memref_slice %arg6[%dma_wait3A_1082, %dma_wait3A_1083, %dma_wait3A_1084] : memref<64x128x8xf32, #tpu.memory_space<vmem>> -> memref<1x128x8xf32, #tpu.memory_space<vmem>>
    %dma_wait3A_1086 = tpu.memref_squeeze %dma_wait3A_1085 : memref<1x128x8xf32, #tpu.memory_space<vmem>> -> memref<128x8xf32, #tpu.memory_space<vmem>>
    %dma_wait3A_1087 = arith.constant 0 : i32
    %dma_wait3A_1088 = tpu.memref_slice %arg5[%dma_wait3A_1081, %dma_wait3A_1087] : memref<64x128xi32, #tpu.memory_space<vmem>> -> memref<1x128xi32, #tpu.memory_space<vmem>>
    %dma_wait3A_1089 = tpu.memref_squeeze %dma_wait3A_1088 : memref<1x128xi32, #tpu.memory_space<vmem>> -> memref<128xi32, #tpu.memory_space<vmem>>
    %dma_wait3A_1090 = arith.constant 0 : i32
    %dma_wait3A_1091 = arith.constant 0 : i32
    %dma_wait3A_1092 = tpu.memref_slice %arg2[%dma_wait3A_1090, %dma_wait3A_1091] : memref<1048576x8xf32, #tpu.memory_space<hbm>> -> memref<1048576x8xf32, #tpu.memory_space<hbm>>
    tpu.wait_indirect_dma semaphore(%arg7 : memref<!tpu.dma_semaphore, #tpu.memory_space<semaphore_mem>>) src(%dma_wait3A_1092 : memref<1048576x8xf32, #tpu.memory_space<hbm>>) dst(%dma_wait3A_1086 : memref<128x8xf32, #tpu.memory_space<vmem>>)
    %dma_wait3A_1093 = arith.constant 27 : i32
    %dma_wait3A_1094 = arith.constant 27 : i32
    %dma_wait3A_1095 = arith.constant 0 : i32
    %dma_wait3A_1096 = arith.constant 0 : i32
    %dma_wait3A_1097 = tpu.memref_slice %arg6[%dma_wait3A_1094, %dma_wait3A_1095, %dma_wait3A_1096] : memref<64x128x8xf32, #tpu.memory_space<vmem>> -> memref<1x128x8xf32, #tpu.memory_space<vmem>>
    %dma_wait3A_1098 = tpu.memref_squeeze %dma_wait3A_1097 : memref<1x128x8xf32, #tpu.memory_space<vmem>> -> memref<128x8xf32, #tpu.memory_space<vmem>>
    %dma_wait3A_1099 = arith.constant 0 : i32
    %dma_wait3A_1100 = tpu.memref_slice %arg5[%dma_wait3A_1093, %dma_wait3A_1099] : memref<64x128xi32, #tpu.memory_space<vmem>> -> memref<1x128xi32, #tpu.memory_space<vmem>>
    %dma_wait3A_1101 = tpu.memref_squeeze %dma_wait3A_1100 : memref<1x128xi32, #tpu.memory_space<vmem>> -> memref<128xi32, #tpu.memory_space<vmem>>
    %dma_wait3A_1102 = arith.constant 0 : i32
    %dma_wait3A_1103 = arith.constant 0 : i32
    %dma_wait3A_1104 = tpu.memref_slice %arg2[%dma_wait3A_1102, %dma_wait3A_1103] : memref<1048576x8xf32, #tpu.memory_space<hbm>> -> memref<1048576x8xf32, #tpu.memory_space<hbm>>
    tpu.wait_indirect_dma semaphore(%arg7 : memref<!tpu.dma_semaphore, #tpu.memory_space<semaphore_mem>>) src(%dma_wait3A_1104 : memref<1048576x8xf32, #tpu.memory_space<hbm>>) dst(%dma_wait3A_1098 : memref<128x8xf32, #tpu.memory_space<vmem>>)
    %dma_wait3A_1105 = arith.constant 28 : i32
    %dma_wait3A_1106 = arith.constant 28 : i32
    %dma_wait3A_1107 = arith.constant 0 : i32
    %dma_wait3A_1108 = arith.constant 0 : i32
    %dma_wait3A_1109 = tpu.memref_slice %arg6[%dma_wait3A_1106, %dma_wait3A_1107, %dma_wait3A_1108] : memref<64x128x8xf32, #tpu.memory_space<vmem>> -> memref<1x128x8xf32, #tpu.memory_space<vmem>>
    %dma_wait3A_1110 = tpu.memref_squeeze %dma_wait3A_1109 : memref<1x128x8xf32, #tpu.memory_space<vmem>> -> memref<128x8xf32, #tpu.memory_space<vmem>>
    %dma_wait3A_1111 = arith.constant 0 : i32
    %dma_wait3A_1112 = tpu.memref_slice %arg5[%dma_wait3A_1105, %dma_wait3A_1111] : memref<64x128xi32, #tpu.memory_space<vmem>> -> memref<1x128xi32, #tpu.memory_space<vmem>>
    %dma_wait3A_1113 = tpu.memref_squeeze %dma_wait3A_1112 : memref<1x128xi32, #tpu.memory_space<vmem>> -> memref<128xi32, #tpu.memory_space<vmem>>
    %dma_wait3A_1114 = arith.constant 0 : i32
    %dma_wait3A_1115 = arith.constant 0 : i32
    %dma_wait3A_1116 = tpu.memref_slice %arg2[%dma_wait3A_1114, %dma_wait3A_1115] : memref<1048576x8xf32, #tpu.memory_space<hbm>> -> memref<1048576x8xf32, #tpu.memory_space<hbm>>
    tpu.wait_indirect_dma semaphore(%arg7 : memref<!tpu.dma_semaphore, #tpu.memory_space<semaphore_mem>>) src(%dma_wait3A_1116 : memref<1048576x8xf32, #tpu.memory_space<hbm>>) dst(%dma_wait3A_1110 : memref<128x8xf32, #tpu.memory_space<vmem>>)
    %dma_wait3A_1117 = arith.constant 29 : i32
    %dma_wait3A_1118 = arith.constant 29 : i32
    %dma_wait3A_1119 = arith.constant 0 : i32
    %dma_wait3A_1120 = arith.constant 0 : i32
    %dma_wait3A_1121 = tpu.memref_slice %arg6[%dma_wait3A_1118, %dma_wait3A_1119, %dma_wait3A_1120] : memref<64x128x8xf32, #tpu.memory_space<vmem>> -> memref<1x128x8xf32, #tpu.memory_space<vmem>>
    %dma_wait3A_1122 = tpu.memref_squeeze %dma_wait3A_1121 : memref<1x128x8xf32, #tpu.memory_space<vmem>> -> memref<128x8xf32, #tpu.memory_space<vmem>>
    %dma_wait3A_1123 = arith.constant 0 : i32
    %dma_wait3A_1124 = tpu.memref_slice %arg5[%dma_wait3A_1117, %dma_wait3A_1123] : memref<64x128xi32, #tpu.memory_space<vmem>> -> memref<1x128xi32, #tpu.memory_space<vmem>>
    %dma_wait3A_1125 = tpu.memref_squeeze %dma_wait3A_1124 : memref<1x128xi32, #tpu.memory_space<vmem>> -> memref<128xi32, #tpu.memory_space<vmem>>
    %dma_wait3A_1126 = arith.constant 0 : i32
    %dma_wait3A_1127 = arith.constant 0 : i32
    %dma_wait3A_1128 = tpu.memref_slice %arg2[%dma_wait3A_1126, %dma_wait3A_1127] : memref<1048576x8xf32, #tpu.memory_space<hbm>> -> memref<1048576x8xf32, #tpu.memory_space<hbm>>
    tpu.wait_indirect_dma semaphore(%arg7 : memref<!tpu.dma_semaphore, #tpu.memory_space<semaphore_mem>>) src(%dma_wait3A_1128 : memref<1048576x8xf32, #tpu.memory_space<hbm>>) dst(%dma_wait3A_1122 : memref<128x8xf32, #tpu.memory_space<vmem>>)
    %dma_wait3A_1129 = arith.constant 30 : i32
    %dma_wait3A_1130 = arith.constant 30 : i32
    %dma_wait3A_1131 = arith.constant 0 : i32
    %dma_wait3A_1132 = arith.constant 0 : i32
    %dma_wait3A_1133 = tpu.memref_slice %arg6[%dma_wait3A_1130, %dma_wait3A_1131, %dma_wait3A_1132] : memref<64x128x8xf32, #tpu.memory_space<vmem>> -> memref<1x128x8xf32, #tpu.memory_space<vmem>>
    %dma_wait3A_1134 = tpu.memref_squeeze %dma_wait3A_1133 : memref<1x128x8xf32, #tpu.memory_space<vmem>> -> memref<128x8xf32, #tpu.memory_space<vmem>>
    %dma_wait3A_1135 = arith.constant 0 : i32
    %dma_wait3A_1136 = tpu.memref_slice %arg5[%dma_wait3A_1129, %dma_wait3A_1135] : memref<64x128xi32, #tpu.memory_space<vmem>> -> memref<1x128xi32, #tpu.memory_space<vmem>>
    %dma_wait3A_1137 = tpu.memref_squeeze %dma_wait3A_1136 : memref<1x128xi32, #tpu.memory_space<vmem>> -> memref<128xi32, #tpu.memory_space<vmem>>
    %dma_wait3A_1138 = arith.constant 0 : i32
    %dma_wait3A_1139 = arith.constant 0 : i32
    %dma_wait3A_1140 = tpu.memref_slice %arg2[%dma_wait3A_1138, %dma_wait3A_1139] : memref<1048576x8xf32, #tpu.memory_space<hbm>> -> memref<1048576x8xf32, #tpu.memory_space<hbm>>
    tpu.wait_indirect_dma semaphore(%arg7 : memref<!tpu.dma_semaphore, #tpu.memory_space<semaphore_mem>>) src(%dma_wait3A_1140 : memref<1048576x8xf32, #tpu.memory_space<hbm>>) dst(%dma_wait3A_1134 : memref<128x8xf32, #tpu.memory_space<vmem>>)
    %dma_wait3A_1141 = arith.constant 31 : i32
    %dma_wait3A_1142 = arith.constant 31 : i32
    %dma_wait3A_1143 = arith.constant 0 : i32
    %dma_wait3A_1144 = arith.constant 0 : i32
    %dma_wait3A_1145 = tpu.memref_slice %arg6[%dma_wait3A_1142, %dma_wait3A_1143, %dma_wait3A_1144] : memref<64x128x8xf32, #tpu.memory_space<vmem>> -> memref<1x128x8xf32, #tpu.memory_space<vmem>>
    %dma_wait3A_1146 = tpu.memref_squeeze %dma_wait3A_1145 : memref<1x128x8xf32, #tpu.memory_space<vmem>> -> memref<128x8xf32, #tpu.memory_space<vmem>>
    %dma_wait3A_1147 = arith.constant 0 : i32
    %dma_wait3A_1148 = tpu.memref_slice %arg5[%dma_wait3A_1141, %dma_wait3A_1147] : memref<64x128xi32, #tpu.memory_space<vmem>> -> memref<1x128xi32, #tpu.memory_space<vmem>>
    %dma_wait3A_1149 = tpu.memref_squeeze %dma_wait3A_1148 : memref<1x128xi32, #tpu.memory_space<vmem>> -> memref<128xi32, #tpu.memory_space<vmem>>
    %dma_wait3A_1150 = arith.constant 0 : i32
    %dma_wait3A_1151 = arith.constant 0 : i32
    %dma_wait3A_1152 = tpu.memref_slice %arg2[%dma_wait3A_1150, %dma_wait3A_1151] : memref<1048576x8xf32, #tpu.memory_space<hbm>> -> memref<1048576x8xf32, #tpu.memory_space<hbm>>
    tpu.wait_indirect_dma semaphore(%arg7 : memref<!tpu.dma_semaphore, #tpu.memory_space<semaphore_mem>>) src(%dma_wait3A_1152 : memref<1048576x8xf32, #tpu.memory_space<hbm>>) dst(%dma_wait3A_1146 : memref<128x8xf32, #tpu.memory_space<vmem>>)
    %dma_wait3A_1153 = arith.constant 32 : i32
    %dma_wait3A_1154 = arith.constant 32 : i32
    %dma_wait3A_1155 = arith.constant 0 : i32
    %dma_wait3A_1156 = arith.constant 0 : i32
    %dma_wait3A_1157 = tpu.memref_slice %arg6[%dma_wait3A_1154, %dma_wait3A_1155, %dma_wait3A_1156] : memref<64x128x8xf32, #tpu.memory_space<vmem>> -> memref<1x128x8xf32, #tpu.memory_space<vmem>>
    %dma_wait3A_1158 = tpu.memref_squeeze %dma_wait3A_1157 : memref<1x128x8xf32, #tpu.memory_space<vmem>> -> memref<128x8xf32, #tpu.memory_space<vmem>>
    %dma_wait3A_1159 = arith.constant 0 : i32
    %dma_wait3A_1160 = tpu.memref_slice %arg5[%dma_wait3A_1153, %dma_wait3A_1159] : memref<64x128xi32, #tpu.memory_space<vmem>> -> memref<1x128xi32, #tpu.memory_space<vmem>>
    %dma_wait3A_1161 = tpu.memref_squeeze %dma_wait3A_1160 : memref<1x128xi32, #tpu.memory_space<vmem>> -> memref<128xi32, #tpu.memory_space<vmem>>
    %dma_wait3A_1162 = arith.constant 0 : i32
    %dma_wait3A_1163 = arith.constant 0 : i32
    %dma_wait3A_1164 = tpu.memref_slice %arg2[%dma_wait3A_1162, %dma_wait3A_1163] : memref<1048576x8xf32, #tpu.memory_space<hbm>> -> memref<1048576x8xf32, #tpu.memory_space<hbm>>
    tpu.wait_indirect_dma semaphore(%arg7 : memref<!tpu.dma_semaphore, #tpu.memory_space<semaphore_mem>>) src(%dma_wait3A_1164 : memref<1048576x8xf32, #tpu.memory_space<hbm>>) dst(%dma_wait3A_1158 : memref<128x8xf32, #tpu.memory_space<vmem>>)
    %dma_wait3A_1165 = arith.constant 33 : i32
    %dma_wait3A_1166 = arith.constant 33 : i32
    %dma_wait3A_1167 = arith.constant 0 : i32
    %dma_wait3A_1168 = arith.constant 0 : i32
    %dma_wait3A_1169 = tpu.memref_slice %arg6[%dma_wait3A_1166, %dma_wait3A_1167, %dma_wait3A_1168] : memref<64x128x8xf32, #tpu.memory_space<vmem>> -> memref<1x128x8xf32, #tpu.memory_space<vmem>>
    %dma_wait3A_1170 = tpu.memref_squeeze %dma_wait3A_1169 : memref<1x128x8xf32, #tpu.memory_space<vmem>> -> memref<128x8xf32, #tpu.memory_space<vmem>>
    %dma_wait3A_1171 = arith.constant 0 : i32
    %dma_wait3A_1172 = tpu.memref_slice %arg5[%dma_wait3A_1165, %dma_wait3A_1171] : memref<64x128xi32, #tpu.memory_space<vmem>> -> memref<1x128xi32, #tpu.memory_space<vmem>>
    %dma_wait3A_1173 = tpu.memref_squeeze %dma_wait3A_1172 : memref<1x128xi32, #tpu.memory_space<vmem>> -> memref<128xi32, #tpu.memory_space<vmem>>
    %dma_wait3A_1174 = arith.constant 0 : i32
    %dma_wait3A_1175 = arith.constant 0 : i32
    %dma_wait3A_1176 = tpu.memref_slice %arg2[%dma_wait3A_1174, %dma_wait3A_1175] : memref<1048576x8xf32, #tpu.memory_space<hbm>> -> memref<1048576x8xf32, #tpu.memory_space<hbm>>
    tpu.wait_indirect_dma semaphore(%arg7 : memref<!tpu.dma_semaphore, #tpu.memory_space<semaphore_mem>>) src(%dma_wait3A_1176 : memref<1048576x8xf32, #tpu.memory_space<hbm>>) dst(%dma_wait3A_1170 : memref<128x8xf32, #tpu.memory_space<vmem>>)
    %dma_wait3A_1177 = arith.constant 34 : i32
    %dma_wait3A_1178 = arith.constant 34 : i32
    %dma_wait3A_1179 = arith.constant 0 : i32
    %dma_wait3A_1180 = arith.constant 0 : i32
    %dma_wait3A_1181 = tpu.memref_slice %arg6[%dma_wait3A_1178, %dma_wait3A_1179, %dma_wait3A_1180] : memref<64x128x8xf32, #tpu.memory_space<vmem>> -> memref<1x128x8xf32, #tpu.memory_space<vmem>>
    %dma_wait3A_1182 = tpu.memref_squeeze %dma_wait3A_1181 : memref<1x128x8xf32, #tpu.memory_space<vmem>> -> memref<128x8xf32, #tpu.memory_space<vmem>>
    %dma_wait3A_1183 = arith.constant 0 : i32
    %dma_wait3A_1184 = tpu.memref_slice %arg5[%dma_wait3A_1177, %dma_wait3A_1183] : memref<64x128xi32, #tpu.memory_space<vmem>> -> memref<1x128xi32, #tpu.memory_space<vmem>>
    %dma_wait3A_1185 = tpu.memref_squeeze %dma_wait3A_1184 : memref<1x128xi32, #tpu.memory_space<vmem>> -> memref<128xi32, #tpu.memory_space<vmem>>
    %dma_wait3A_1186 = arith.constant 0 : i32
    %dma_wait3A_1187 = arith.constant 0 : i32
    %dma_wait3A_1188 = tpu.memref_slice %arg2[%dma_wait3A_1186, %dma_wait3A_1187] : memref<1048576x8xf32, #tpu.memory_space<hbm>> -> memref<1048576x8xf32, #tpu.memory_space<hbm>>
    tpu.wait_indirect_dma semaphore(%arg7 : memref<!tpu.dma_semaphore, #tpu.memory_space<semaphore_mem>>) src(%dma_wait3A_1188 : memref<1048576x8xf32, #tpu.memory_space<hbm>>) dst(%dma_wait3A_1182 : memref<128x8xf32, #tpu.memory_space<vmem>>)
    %dma_wait3A_1189 = arith.constant 35 : i32
    %dma_wait3A_1190 = arith.constant 35 : i32
    %dma_wait3A_1191 = arith.constant 0 : i32
    %dma_wait3A_1192 = arith.constant 0 : i32
    %dma_wait3A_1193 = tpu.memref_slice %arg6[%dma_wait3A_1190, %dma_wait3A_1191, %dma_wait3A_1192] : memref<64x128x8xf32, #tpu.memory_space<vmem>> -> memref<1x128x8xf32, #tpu.memory_space<vmem>>
    %dma_wait3A_1194 = tpu.memref_squeeze %dma_wait3A_1193 : memref<1x128x8xf32, #tpu.memory_space<vmem>> -> memref<128x8xf32, #tpu.memory_space<vmem>>
    %dma_wait3A_1195 = arith.constant 0 : i32
    %dma_wait3A_1196 = tpu.memref_slice %arg5[%dma_wait3A_1189, %dma_wait3A_1195] : memref<64x128xi32, #tpu.memory_space<vmem>> -> memref<1x128xi32, #tpu.memory_space<vmem>>
    %dma_wait3A_1197 = tpu.memref_squeeze %dma_wait3A_1196 : memref<1x128xi32, #tpu.memory_space<vmem>> -> memref<128xi32, #tpu.memory_space<vmem>>
    %dma_wait3A_1198 = arith.constant 0 : i32
    %dma_wait3A_1199 = arith.constant 0 : i32
    %dma_wait3A_1200 = tpu.memref_slice %arg2[%dma_wait3A_1198, %dma_wait3A_1199] : memref<1048576x8xf32, #tpu.memory_space<hbm>> -> memref<1048576x8xf32, #tpu.memory_space<hbm>>
    tpu.wait_indirect_dma semaphore(%arg7 : memref<!tpu.dma_semaphore, #tpu.memory_space<semaphore_mem>>) src(%dma_wait3A_1200 : memref<1048576x8xf32, #tpu.memory_space<hbm>>) dst(%dma_wait3A_1194 : memref<128x8xf32, #tpu.memory_space<vmem>>)
    %dma_wait3A_1201 = arith.constant 36 : i32
    %dma_wait3A_1202 = arith.constant 36 : i32
    %dma_wait3A_1203 = arith.constant 0 : i32
    %dma_wait3A_1204 = arith.constant 0 : i32
    %dma_wait3A_1205 = tpu.memref_slice %arg6[%dma_wait3A_1202, %dma_wait3A_1203, %dma_wait3A_1204] : memref<64x128x8xf32, #tpu.memory_space<vmem>> -> memref<1x128x8xf32, #tpu.memory_space<vmem>>
    %dma_wait3A_1206 = tpu.memref_squeeze %dma_wait3A_1205 : memref<1x128x8xf32, #tpu.memory_space<vmem>> -> memref<128x8xf32, #tpu.memory_space<vmem>>
    %dma_wait3A_1207 = arith.constant 0 : i32
    %dma_wait3A_1208 = tpu.memref_slice %arg5[%dma_wait3A_1201, %dma_wait3A_1207] : memref<64x128xi32, #tpu.memory_space<vmem>> -> memref<1x128xi32, #tpu.memory_space<vmem>>
    %dma_wait3A_1209 = tpu.memref_squeeze %dma_wait3A_1208 : memref<1x128xi32, #tpu.memory_space<vmem>> -> memref<128xi32, #tpu.memory_space<vmem>>
    %dma_wait3A_1210 = arith.constant 0 : i32
    %dma_wait3A_1211 = arith.constant 0 : i32
    %dma_wait3A_1212 = tpu.memref_slice %arg2[%dma_wait3A_1210, %dma_wait3A_1211] : memref<1048576x8xf32, #tpu.memory_space<hbm>> -> memref<1048576x8xf32, #tpu.memory_space<hbm>>
    tpu.wait_indirect_dma semaphore(%arg7 : memref<!tpu.dma_semaphore, #tpu.memory_space<semaphore_mem>>) src(%dma_wait3A_1212 : memref<1048576x8xf32, #tpu.memory_space<hbm>>) dst(%dma_wait3A_1206 : memref<128x8xf32, #tpu.memory_space<vmem>>)
    %dma_wait3A_1213 = arith.constant 37 : i32
    %dma_wait3A_1214 = arith.constant 37 : i32
    %dma_wait3A_1215 = arith.constant 0 : i32
    %dma_wait3A_1216 = arith.constant 0 : i32
    %dma_wait3A_1217 = tpu.memref_slice %arg6[%dma_wait3A_1214, %dma_wait3A_1215, %dma_wait3A_1216] : memref<64x128x8xf32, #tpu.memory_space<vmem>> -> memref<1x128x8xf32, #tpu.memory_space<vmem>>
    %dma_wait3A_1218 = tpu.memref_squeeze %dma_wait3A_1217 : memref<1x128x8xf32, #tpu.memory_space<vmem>> -> memref<128x8xf32, #tpu.memory_space<vmem>>
    %dma_wait3A_1219 = arith.constant 0 : i32
    %dma_wait3A_1220 = tpu.memref_slice %arg5[%dma_wait3A_1213, %dma_wait3A_1219] : memref<64x128xi32, #tpu.memory_space<vmem>> -> memref<1x128xi32, #tpu.memory_space<vmem>>
    %dma_wait3A_1221 = tpu.memref_squeeze %dma_wait3A_1220 : memref<1x128xi32, #tpu.memory_space<vmem>> -> memref<128xi32, #tpu.memory_space<vmem>>
    %dma_wait3A_1222 = arith.constant 0 : i32
    %dma_wait3A_1223 = arith.constant 0 : i32
    %dma_wait3A_1224 = tpu.memref_slice %arg2[%dma_wait3A_1222, %dma_wait3A_1223] : memref<1048576x8xf32, #tpu.memory_space<hbm>> -> memref<1048576x8xf32, #tpu.memory_space<hbm>>
    tpu.wait_indirect_dma semaphore(%arg7 : memref<!tpu.dma_semaphore, #tpu.memory_space<semaphore_mem>>) src(%dma_wait3A_1224 : memref<1048576x8xf32, #tpu.memory_space<hbm>>) dst(%dma_wait3A_1218 : memref<128x8xf32, #tpu.memory_space<vmem>>)
    %dma_wait3A_1225 = arith.constant 38 : i32
    %dma_wait3A_1226 = arith.constant 38 : i32
    %dma_wait3A_1227 = arith.constant 0 : i32
    %dma_wait3A_1228 = arith.constant 0 : i32
    %dma_wait3A_1229 = tpu.memref_slice %arg6[%dma_wait3A_1226, %dma_wait3A_1227, %dma_wait3A_1228] : memref<64x128x8xf32, #tpu.memory_space<vmem>> -> memref<1x128x8xf32, #tpu.memory_space<vmem>>
    %dma_wait3A_1230 = tpu.memref_squeeze %dma_wait3A_1229 : memref<1x128x8xf32, #tpu.memory_space<vmem>> -> memref<128x8xf32, #tpu.memory_space<vmem>>
    %dma_wait3A_1231 = arith.constant 0 : i32
    %dma_wait3A_1232 = tpu.memref_slice %arg5[%dma_wait3A_1225, %dma_wait3A_1231] : memref<64x128xi32, #tpu.memory_space<vmem>> -> memref<1x128xi32, #tpu.memory_space<vmem>>
    %dma_wait3A_1233 = tpu.memref_squeeze %dma_wait3A_1232 : memref<1x128xi32, #tpu.memory_space<vmem>> -> memref<128xi32, #tpu.memory_space<vmem>>
    %dma_wait3A_1234 = arith.constant 0 : i32
    %dma_wait3A_1235 = arith.constant 0 : i32
    %dma_wait3A_1236 = tpu.memref_slice %arg2[%dma_wait3A_1234, %dma_wait3A_1235] : memref<1048576x8xf32, #tpu.memory_space<hbm>> -> memref<1048576x8xf32, #tpu.memory_space<hbm>>
    tpu.wait_indirect_dma semaphore(%arg7 : memref<!tpu.dma_semaphore, #tpu.memory_space<semaphore_mem>>) src(%dma_wait3A_1236 : memref<1048576x8xf32, #tpu.memory_space<hbm>>) dst(%dma_wait3A_1230 : memref<128x8xf32, #tpu.memory_space<vmem>>)
    %dma_wait3A_1237 = arith.constant 39 : i32
    %dma_wait3A_1238 = arith.constant 39 : i32
    %dma_wait3A_1239 = arith.constant 0 : i32
    %dma_wait3A_1240 = arith.constant 0 : i32
    %dma_wait3A_1241 = tpu.memref_slice %arg6[%dma_wait3A_1238, %dma_wait3A_1239, %dma_wait3A_1240] : memref<64x128x8xf32, #tpu.memory_space<vmem>> -> memref<1x128x8xf32, #tpu.memory_space<vmem>>
    %dma_wait3A_1242 = tpu.memref_squeeze %dma_wait3A_1241 : memref<1x128x8xf32, #tpu.memory_space<vmem>> -> memref<128x8xf32, #tpu.memory_space<vmem>>
    %dma_wait3A_1243 = arith.constant 0 : i32
    %dma_wait3A_1244 = tpu.memref_slice %arg5[%dma_wait3A_1237, %dma_wait3A_1243] : memref<64x128xi32, #tpu.memory_space<vmem>> -> memref<1x128xi32, #tpu.memory_space<vmem>>
    %dma_wait3A_1245 = tpu.memref_squeeze %dma_wait3A_1244 : memref<1x128xi32, #tpu.memory_space<vmem>> -> memref<128xi32, #tpu.memory_space<vmem>>
    %dma_wait3A_1246 = arith.constant 0 : i32
    %dma_wait3A_1247 = arith.constant 0 : i32
    %dma_wait3A_1248 = tpu.memref_slice %arg2[%dma_wait3A_1246, %dma_wait3A_1247] : memref<1048576x8xf32, #tpu.memory_space<hbm>> -> memref<1048576x8xf32, #tpu.memory_space<hbm>>
    tpu.wait_indirect_dma semaphore(%arg7 : memref<!tpu.dma_semaphore, #tpu.memory_space<semaphore_mem>>) src(%dma_wait3A_1248 : memref<1048576x8xf32, #tpu.memory_space<hbm>>) dst(%dma_wait3A_1242 : memref<128x8xf32, #tpu.memory_space<vmem>>)
    %dma_wait3A_1249 = arith.constant 40 : i32
    %dma_wait3A_1250 = arith.constant 40 : i32
    %dma_wait3A_1251 = arith.constant 0 : i32
    %dma_wait3A_1252 = arith.constant 0 : i32
    %dma_wait3A_1253 = tpu.memref_slice %arg6[%dma_wait3A_1250, %dma_wait3A_1251, %dma_wait3A_1252] : memref<64x128x8xf32, #tpu.memory_space<vmem>> -> memref<1x128x8xf32, #tpu.memory_space<vmem>>
    %dma_wait3A_1254 = tpu.memref_squeeze %dma_wait3A_1253 : memref<1x128x8xf32, #tpu.memory_space<vmem>> -> memref<128x8xf32, #tpu.memory_space<vmem>>
    %dma_wait3A_1255 = arith.constant 0 : i32
    %dma_wait3A_1256 = tpu.memref_slice %arg5[%dma_wait3A_1249, %dma_wait3A_1255] : memref<64x128xi32, #tpu.memory_space<vmem>> -> memref<1x128xi32, #tpu.memory_space<vmem>>
    %dma_wait3A_1257 = tpu.memref_squeeze %dma_wait3A_1256 : memref<1x128xi32, #tpu.memory_space<vmem>> -> memref<128xi32, #tpu.memory_space<vmem>>
    %dma_wait3A_1258 = arith.constant 0 : i32
    %dma_wait3A_1259 = arith.constant 0 : i32
    %dma_wait3A_1260 = tpu.memref_slice %arg2[%dma_wait3A_1258, %dma_wait3A_1259] : memref<1048576x8xf32, #tpu.memory_space<hbm>> -> memref<1048576x8xf32, #tpu.memory_space<hbm>>
    tpu.wait_indirect_dma semaphore(%arg7 : memref<!tpu.dma_semaphore, #tpu.memory_space<semaphore_mem>>) src(%dma_wait3A_1260 : memref<1048576x8xf32, #tpu.memory_space<hbm>>) dst(%dma_wait3A_1254 : memref<128x8xf32, #tpu.memory_space<vmem>>)
    %dma_wait3A_1261 = arith.constant 41 : i32
    %dma_wait3A_1262 = arith.constant 41 : i32
    %dma_wait3A_1263 = arith.constant 0 : i32
    %dma_wait3A_1264 = arith.constant 0 : i32
    %dma_wait3A_1265 = tpu.memref_slice %arg6[%dma_wait3A_1262, %dma_wait3A_1263, %dma_wait3A_1264] : memref<64x128x8xf32, #tpu.memory_space<vmem>> -> memref<1x128x8xf32, #tpu.memory_space<vmem>>
    %dma_wait3A_1266 = tpu.memref_squeeze %dma_wait3A_1265 : memref<1x128x8xf32, #tpu.memory_space<vmem>> -> memref<128x8xf32, #tpu.memory_space<vmem>>
    %dma_wait3A_1267 = arith.constant 0 : i32
    %dma_wait3A_1268 = tpu.memref_slice %arg5[%dma_wait3A_1261, %dma_wait3A_1267] : memref<64x128xi32, #tpu.memory_space<vmem>> -> memref<1x128xi32, #tpu.memory_space<vmem>>
    %dma_wait3A_1269 = tpu.memref_squeeze %dma_wait3A_1268 : memref<1x128xi32, #tpu.memory_space<vmem>> -> memref<128xi32, #tpu.memory_space<vmem>>
    %dma_wait3A_1270 = arith.constant 0 : i32
    %dma_wait3A_1271 = arith.constant 0 : i32
    %dma_wait3A_1272 = tpu.memref_slice %arg2[%dma_wait3A_1270, %dma_wait3A_1271] : memref<1048576x8xf32, #tpu.memory_space<hbm>> -> memref<1048576x8xf32, #tpu.memory_space<hbm>>
    tpu.wait_indirect_dma semaphore(%arg7 : memref<!tpu.dma_semaphore, #tpu.memory_space<semaphore_mem>>) src(%dma_wait3A_1272 : memref<1048576x8xf32, #tpu.memory_space<hbm>>) dst(%dma_wait3A_1266 : memref<128x8xf32, #tpu.memory_space<vmem>>)
    %dma_wait3A_1273 = arith.constant 42 : i32
    %dma_wait3A_1274 = arith.constant 42 : i32
    %dma_wait3A_1275 = arith.constant 0 : i32
    %dma_wait3A_1276 = arith.constant 0 : i32
    %dma_wait3A_1277 = tpu.memref_slice %arg6[%dma_wait3A_1274, %dma_wait3A_1275, %dma_wait3A_1276] : memref<64x128x8xf32, #tpu.memory_space<vmem>> -> memref<1x128x8xf32, #tpu.memory_space<vmem>>
    %dma_wait3A_1278 = tpu.memref_squeeze %dma_wait3A_1277 : memref<1x128x8xf32, #tpu.memory_space<vmem>> -> memref<128x8xf32, #tpu.memory_space<vmem>>
    %dma_wait3A_1279 = arith.constant 0 : i32
    %dma_wait3A_1280 = tpu.memref_slice %arg5[%dma_wait3A_1273, %dma_wait3A_1279] : memref<64x128xi32, #tpu.memory_space<vmem>> -> memref<1x128xi32, #tpu.memory_space<vmem>>
    %dma_wait3A_1281 = tpu.memref_squeeze %dma_wait3A_1280 : memref<1x128xi32, #tpu.memory_space<vmem>> -> memref<128xi32, #tpu.memory_space<vmem>>
    %dma_wait3A_1282 = arith.constant 0 : i32
    %dma_wait3A_1283 = arith.constant 0 : i32
    %dma_wait3A_1284 = tpu.memref_slice %arg2[%dma_wait3A_1282, %dma_wait3A_1283] : memref<1048576x8xf32, #tpu.memory_space<hbm>> -> memref<1048576x8xf32, #tpu.memory_space<hbm>>
    tpu.wait_indirect_dma semaphore(%arg7 : memref<!tpu.dma_semaphore, #tpu.memory_space<semaphore_mem>>) src(%dma_wait3A_1284 : memref<1048576x8xf32, #tpu.memory_space<hbm>>) dst(%dma_wait3A_1278 : memref<128x8xf32, #tpu.memory_space<vmem>>)
    %dma_wait3A_1285 = arith.constant 43 : i32
    %dma_wait3A_1286 = arith.constant 43 : i32
    %dma_wait3A_1287 = arith.constant 0 : i32
    %dma_wait3A_1288 = arith.constant 0 : i32
    %dma_wait3A_1289 = tpu.memref_slice %arg6[%dma_wait3A_1286, %dma_wait3A_1287, %dma_wait3A_1288] : memref<64x128x8xf32, #tpu.memory_space<vmem>> -> memref<1x128x8xf32, #tpu.memory_space<vmem>>
    %dma_wait3A_1290 = tpu.memref_squeeze %dma_wait3A_1289 : memref<1x128x8xf32, #tpu.memory_space<vmem>> -> memref<128x8xf32, #tpu.memory_space<vmem>>
    %dma_wait3A_1291 = arith.constant 0 : i32
    %dma_wait3A_1292 = tpu.memref_slice %arg5[%dma_wait3A_1285, %dma_wait3A_1291] : memref<64x128xi32, #tpu.memory_space<vmem>> -> memref<1x128xi32, #tpu.memory_space<vmem>>
    %dma_wait3A_1293 = tpu.memref_squeeze %dma_wait3A_1292 : memref<1x128xi32, #tpu.memory_space<vmem>> -> memref<128xi32, #tpu.memory_space<vmem>>
    %dma_wait3A_1294 = arith.constant 0 : i32
    %dma_wait3A_1295 = arith.constant 0 : i32
    %dma_wait3A_1296 = tpu.memref_slice %arg2[%dma_wait3A_1294, %dma_wait3A_1295] : memref<1048576x8xf32, #tpu.memory_space<hbm>> -> memref<1048576x8xf32, #tpu.memory_space<hbm>>
    tpu.wait_indirect_dma semaphore(%arg7 : memref<!tpu.dma_semaphore, #tpu.memory_space<semaphore_mem>>) src(%dma_wait3A_1296 : memref<1048576x8xf32, #tpu.memory_space<hbm>>) dst(%dma_wait3A_1290 : memref<128x8xf32, #tpu.memory_space<vmem>>)
    %dma_wait3A_1297 = arith.constant 44 : i32
    %dma_wait3A_1298 = arith.constant 44 : i32
    %dma_wait3A_1299 = arith.constant 0 : i32
    %dma_wait3A_1300 = arith.constant 0 : i32
    %dma_wait3A_1301 = tpu.memref_slice %arg6[%dma_wait3A_1298, %dma_wait3A_1299, %dma_wait3A_1300] : memref<64x128x8xf32, #tpu.memory_space<vmem>> -> memref<1x128x8xf32, #tpu.memory_space<vmem>>
    %dma_wait3A_1302 = tpu.memref_squeeze %dma_wait3A_1301 : memref<1x128x8xf32, #tpu.memory_space<vmem>> -> memref<128x8xf32, #tpu.memory_space<vmem>>
    %dma_wait3A_1303 = arith.constant 0 : i32
    %dma_wait3A_1304 = tpu.memref_slice %arg5[%dma_wait3A_1297, %dma_wait3A_1303] : memref<64x128xi32, #tpu.memory_space<vmem>> -> memref<1x128xi32, #tpu.memory_space<vmem>>
    %dma_wait3A_1305 = tpu.memref_squeeze %dma_wait3A_1304 : memref<1x128xi32, #tpu.memory_space<vmem>> -> memref<128xi32, #tpu.memory_space<vmem>>
    %dma_wait3A_1306 = arith.constant 0 : i32
    %dma_wait3A_1307 = arith.constant 0 : i32
    %dma_wait3A_1308 = tpu.memref_slice %arg2[%dma_wait3A_1306, %dma_wait3A_1307] : memref<1048576x8xf32, #tpu.memory_space<hbm>> -> memref<1048576x8xf32, #tpu.memory_space<hbm>>
    tpu.wait_indirect_dma semaphore(%arg7 : memref<!tpu.dma_semaphore, #tpu.memory_space<semaphore_mem>>) src(%dma_wait3A_1308 : memref<1048576x8xf32, #tpu.memory_space<hbm>>) dst(%dma_wait3A_1302 : memref<128x8xf32, #tpu.memory_space<vmem>>)
    %dma_wait3A_1309 = arith.constant 45 : i32
    %dma_wait3A_1310 = arith.constant 45 : i32
    %dma_wait3A_1311 = arith.constant 0 : i32
    %dma_wait3A_1312 = arith.constant 0 : i32
    %dma_wait3A_1313 = tpu.memref_slice %arg6[%dma_wait3A_1310, %dma_wait3A_1311, %dma_wait3A_1312] : memref<64x128x8xf32, #tpu.memory_space<vmem>> -> memref<1x128x8xf32, #tpu.memory_space<vmem>>
    %dma_wait3A_1314 = tpu.memref_squeeze %dma_wait3A_1313 : memref<1x128x8xf32, #tpu.memory_space<vmem>> -> memref<128x8xf32, #tpu.memory_space<vmem>>
    %dma_wait3A_1315 = arith.constant 0 : i32
    %dma_wait3A_1316 = tpu.memref_slice %arg5[%dma_wait3A_1309, %dma_wait3A_1315] : memref<64x128xi32, #tpu.memory_space<vmem>> -> memref<1x128xi32, #tpu.memory_space<vmem>>
    %dma_wait3A_1317 = tpu.memref_squeeze %dma_wait3A_1316 : memref<1x128xi32, #tpu.memory_space<vmem>> -> memref<128xi32, #tpu.memory_space<vmem>>
    %dma_wait3A_1318 = arith.constant 0 : i32
    %dma_wait3A_1319 = arith.constant 0 : i32
    %dma_wait3A_1320 = tpu.memref_slice %arg2[%dma_wait3A_1318, %dma_wait3A_1319] : memref<1048576x8xf32, #tpu.memory_space<hbm>> -> memref<1048576x8xf32, #tpu.memory_space<hbm>>
    tpu.wait_indirect_dma semaphore(%arg7 : memref<!tpu.dma_semaphore, #tpu.memory_space<semaphore_mem>>) src(%dma_wait3A_1320 : memref<1048576x8xf32, #tpu.memory_space<hbm>>) dst(%dma_wait3A_1314 : memref<128x8xf32, #tpu.memory_space<vmem>>)
    %dma_wait3A_1321 = arith.constant 46 : i32
    %dma_wait3A_1322 = arith.constant 46 : i32
    %dma_wait3A_1323 = arith.constant 0 : i32
    %dma_wait3A_1324 = arith.constant 0 : i32
    %dma_wait3A_1325 = tpu.memref_slice %arg6[%dma_wait3A_1322, %dma_wait3A_1323, %dma_wait3A_1324] : memref<64x128x8xf32, #tpu.memory_space<vmem>> -> memref<1x128x8xf32, #tpu.memory_space<vmem>>
    %dma_wait3A_1326 = tpu.memref_squeeze %dma_wait3A_1325 : memref<1x128x8xf32, #tpu.memory_space<vmem>> -> memref<128x8xf32, #tpu.memory_space<vmem>>
    %dma_wait3A_1327 = arith.constant 0 : i32
    %dma_wait3A_1328 = tpu.memref_slice %arg5[%dma_wait3A_1321, %dma_wait3A_1327] : memref<64x128xi32, #tpu.memory_space<vmem>> -> memref<1x128xi32, #tpu.memory_space<vmem>>
    %dma_wait3A_1329 = tpu.memref_squeeze %dma_wait3A_1328 : memref<1x128xi32, #tpu.memory_space<vmem>> -> memref<128xi32, #tpu.memory_space<vmem>>
    %dma_wait3A_1330 = arith.constant 0 : i32
    %dma_wait3A_1331 = arith.constant 0 : i32
    %dma_wait3A_1332 = tpu.memref_slice %arg2[%dma_wait3A_1330, %dma_wait3A_1331] : memref<1048576x8xf32, #tpu.memory_space<hbm>> -> memref<1048576x8xf32, #tpu.memory_space<hbm>>
    tpu.wait_indirect_dma semaphore(%arg7 : memref<!tpu.dma_semaphore, #tpu.memory_space<semaphore_mem>>) src(%dma_wait3A_1332 : memref<1048576x8xf32, #tpu.memory_space<hbm>>) dst(%dma_wait3A_1326 : memref<128x8xf32, #tpu.memory_space<vmem>>)
    %dma_wait3A_1333 = arith.constant 47 : i32
    %dma_wait3A_1334 = arith.constant 47 : i32
    %dma_wait3A_1335 = arith.constant 0 : i32
    %dma_wait3A_1336 = arith.constant 0 : i32
    %dma_wait3A_1337 = tpu.memref_slice %arg6[%dma_wait3A_1334, %dma_wait3A_1335, %dma_wait3A_1336] : memref<64x128x8xf32, #tpu.memory_space<vmem>> -> memref<1x128x8xf32, #tpu.memory_space<vmem>>
    %dma_wait3A_1338 = tpu.memref_squeeze %dma_wait3A_1337 : memref<1x128x8xf32, #tpu.memory_space<vmem>> -> memref<128x8xf32, #tpu.memory_space<vmem>>
    %dma_wait3A_1339 = arith.constant 0 : i32
    %dma_wait3A_1340 = tpu.memref_slice %arg5[%dma_wait3A_1333, %dma_wait3A_1339] : memref<64x128xi32, #tpu.memory_space<vmem>> -> memref<1x128xi32, #tpu.memory_space<vmem>>
    %dma_wait3A_1341 = tpu.memref_squeeze %dma_wait3A_1340 : memref<1x128xi32, #tpu.memory_space<vmem>> -> memref<128xi32, #tpu.memory_space<vmem>>
    %dma_wait3A_1342 = arith.constant 0 : i32
    %dma_wait3A_1343 = arith.constant 0 : i32
    %dma_wait3A_1344 = tpu.memref_slice %arg2[%dma_wait3A_1342, %dma_wait3A_1343] : memref<1048576x8xf32, #tpu.memory_space<hbm>> -> memref<1048576x8xf32, #tpu.memory_space<hbm>>
    tpu.wait_indirect_dma semaphore(%arg7 : memref<!tpu.dma_semaphore, #tpu.memory_space<semaphore_mem>>) src(%dma_wait3A_1344 : memref<1048576x8xf32, #tpu.memory_space<hbm>>) dst(%dma_wait3A_1338 : memref<128x8xf32, #tpu.memory_space<vmem>>)
    %dma_wait3A_1345 = arith.constant 48 : i32
    %dma_wait3A_1346 = arith.constant 48 : i32
    %dma_wait3A_1347 = arith.constant 0 : i32
    %dma_wait3A_1348 = arith.constant 0 : i32
    %dma_wait3A_1349 = tpu.memref_slice %arg6[%dma_wait3A_1346, %dma_wait3A_1347, %dma_wait3A_1348] : memref<64x128x8xf32, #tpu.memory_space<vmem>> -> memref<1x128x8xf32, #tpu.memory_space<vmem>>
    %dma_wait3A_1350 = tpu.memref_squeeze %dma_wait3A_1349 : memref<1x128x8xf32, #tpu.memory_space<vmem>> -> memref<128x8xf32, #tpu.memory_space<vmem>>
    %dma_wait3A_1351 = arith.constant 0 : i32
    %dma_wait3A_1352 = tpu.memref_slice %arg5[%dma_wait3A_1345, %dma_wait3A_1351] : memref<64x128xi32, #tpu.memory_space<vmem>> -> memref<1x128xi32, #tpu.memory_space<vmem>>
    %dma_wait3A_1353 = tpu.memref_squeeze %dma_wait3A_1352 : memref<1x128xi32, #tpu.memory_space<vmem>> -> memref<128xi32, #tpu.memory_space<vmem>>
    %dma_wait3A_1354 = arith.constant 0 : i32
    %dma_wait3A_1355 = arith.constant 0 : i32
    %dma_wait3A_1356 = tpu.memref_slice %arg2[%dma_wait3A_1354, %dma_wait3A_1355] : memref<1048576x8xf32, #tpu.memory_space<hbm>> -> memref<1048576x8xf32, #tpu.memory_space<hbm>>
    tpu.wait_indirect_dma semaphore(%arg7 : memref<!tpu.dma_semaphore, #tpu.memory_space<semaphore_mem>>) src(%dma_wait3A_1356 : memref<1048576x8xf32, #tpu.memory_space<hbm>>) dst(%dma_wait3A_1350 : memref<128x8xf32, #tpu.memory_space<vmem>>)
    %dma_wait3A_1357 = arith.constant 49 : i32
    %dma_wait3A_1358 = arith.constant 49 : i32
    %dma_wait3A_1359 = arith.constant 0 : i32
    %dma_wait3A_1360 = arith.constant 0 : i32
    %dma_wait3A_1361 = tpu.memref_slice %arg6[%dma_wait3A_1358, %dma_wait3A_1359, %dma_wait3A_1360] : memref<64x128x8xf32, #tpu.memory_space<vmem>> -> memref<1x128x8xf32, #tpu.memory_space<vmem>>
    %dma_wait3A_1362 = tpu.memref_squeeze %dma_wait3A_1361 : memref<1x128x8xf32, #tpu.memory_space<vmem>> -> memref<128x8xf32, #tpu.memory_space<vmem>>
    %dma_wait3A_1363 = arith.constant 0 : i32
    %dma_wait3A_1364 = tpu.memref_slice %arg5[%dma_wait3A_1357, %dma_wait3A_1363] : memref<64x128xi32, #tpu.memory_space<vmem>> -> memref<1x128xi32, #tpu.memory_space<vmem>>
    %dma_wait3A_1365 = tpu.memref_squeeze %dma_wait3A_1364 : memref<1x128xi32, #tpu.memory_space<vmem>> -> memref<128xi32, #tpu.memory_space<vmem>>
    %dma_wait3A_1366 = arith.constant 0 : i32
    %dma_wait3A_1367 = arith.constant 0 : i32
    %dma_wait3A_1368 = tpu.memref_slice %arg2[%dma_wait3A_1366, %dma_wait3A_1367] : memref<1048576x8xf32, #tpu.memory_space<hbm>> -> memref<1048576x8xf32, #tpu.memory_space<hbm>>
    tpu.wait_indirect_dma semaphore(%arg7 : memref<!tpu.dma_semaphore, #tpu.memory_space<semaphore_mem>>) src(%dma_wait3A_1368 : memref<1048576x8xf32, #tpu.memory_space<hbm>>) dst(%dma_wait3A_1362 : memref<128x8xf32, #tpu.memory_space<vmem>>)
    %dma_wait3A_1369 = arith.constant 50 : i32
    %dma_wait3A_1370 = arith.constant 50 : i32
    %dma_wait3A_1371 = arith.constant 0 : i32
    %dma_wait3A_1372 = arith.constant 0 : i32
    %dma_wait3A_1373 = tpu.memref_slice %arg6[%dma_wait3A_1370, %dma_wait3A_1371, %dma_wait3A_1372] : memref<64x128x8xf32, #tpu.memory_space<vmem>> -> memref<1x128x8xf32, #tpu.memory_space<vmem>>
    %dma_wait3A_1374 = tpu.memref_squeeze %dma_wait3A_1373 : memref<1x128x8xf32, #tpu.memory_space<vmem>> -> memref<128x8xf32, #tpu.memory_space<vmem>>
    %dma_wait3A_1375 = arith.constant 0 : i32
    %dma_wait3A_1376 = tpu.memref_slice %arg5[%dma_wait3A_1369, %dma_wait3A_1375] : memref<64x128xi32, #tpu.memory_space<vmem>> -> memref<1x128xi32, #tpu.memory_space<vmem>>
    %dma_wait3A_1377 = tpu.memref_squeeze %dma_wait3A_1376 : memref<1x128xi32, #tpu.memory_space<vmem>> -> memref<128xi32, #tpu.memory_space<vmem>>
    %dma_wait3A_1378 = arith.constant 0 : i32
    %dma_wait3A_1379 = arith.constant 0 : i32
    %dma_wait3A_1380 = tpu.memref_slice %arg2[%dma_wait3A_1378, %dma_wait3A_1379] : memref<1048576x8xf32, #tpu.memory_space<hbm>> -> memref<1048576x8xf32, #tpu.memory_space<hbm>>
    tpu.wait_indirect_dma semaphore(%arg7 : memref<!tpu.dma_semaphore, #tpu.memory_space<semaphore_mem>>) src(%dma_wait3A_1380 : memref<1048576x8xf32, #tpu.memory_space<hbm>>) dst(%dma_wait3A_1374 : memref<128x8xf32, #tpu.memory_space<vmem>>)
    %dma_wait3A_1381 = arith.constant 51 : i32
    %dma_wait3A_1382 = arith.constant 51 : i32
    %dma_wait3A_1383 = arith.constant 0 : i32
    %dma_wait3A_1384 = arith.constant 0 : i32
    %dma_wait3A_1385 = tpu.memref_slice %arg6[%dma_wait3A_1382, %dma_wait3A_1383, %dma_wait3A_1384] : memref<64x128x8xf32, #tpu.memory_space<vmem>> -> memref<1x128x8xf32, #tpu.memory_space<vmem>>
    %dma_wait3A_1386 = tpu.memref_squeeze %dma_wait3A_1385 : memref<1x128x8xf32, #tpu.memory_space<vmem>> -> memref<128x8xf32, #tpu.memory_space<vmem>>
    %dma_wait3A_1387 = arith.constant 0 : i32
    %dma_wait3A_1388 = tpu.memref_slice %arg5[%dma_wait3A_1381, %dma_wait3A_1387] : memref<64x128xi32, #tpu.memory_space<vmem>> -> memref<1x128xi32, #tpu.memory_space<vmem>>
    %dma_wait3A_1389 = tpu.memref_squeeze %dma_wait3A_1388 : memref<1x128xi32, #tpu.memory_space<vmem>> -> memref<128xi32, #tpu.memory_space<vmem>>
    %dma_wait3A_1390 = arith.constant 0 : i32
    %dma_wait3A_1391 = arith.constant 0 : i32
    %dma_wait3A_1392 = tpu.memref_slice %arg2[%dma_wait3A_1390, %dma_wait3A_1391] : memref<1048576x8xf32, #tpu.memory_space<hbm>> -> memref<1048576x8xf32, #tpu.memory_space<hbm>>
    tpu.wait_indirect_dma semaphore(%arg7 : memref<!tpu.dma_semaphore, #tpu.memory_space<semaphore_mem>>) src(%dma_wait3A_1392 : memref<1048576x8xf32, #tpu.memory_space<hbm>>) dst(%dma_wait3A_1386 : memref<128x8xf32, #tpu.memory_space<vmem>>)
    %dma_wait3A_1393 = arith.constant 52 : i32
    %dma_wait3A_1394 = arith.constant 52 : i32
    %dma_wait3A_1395 = arith.constant 0 : i32
    %dma_wait3A_1396 = arith.constant 0 : i32
    %dma_wait3A_1397 = tpu.memref_slice %arg6[%dma_wait3A_1394, %dma_wait3A_1395, %dma_wait3A_1396] : memref<64x128x8xf32, #tpu.memory_space<vmem>> -> memref<1x128x8xf32, #tpu.memory_space<vmem>>
    %dma_wait3A_1398 = tpu.memref_squeeze %dma_wait3A_1397 : memref<1x128x8xf32, #tpu.memory_space<vmem>> -> memref<128x8xf32, #tpu.memory_space<vmem>>
    %dma_wait3A_1399 = arith.constant 0 : i32
    %dma_wait3A_1400 = tpu.memref_slice %arg5[%dma_wait3A_1393, %dma_wait3A_1399] : memref<64x128xi32, #tpu.memory_space<vmem>> -> memref<1x128xi32, #tpu.memory_space<vmem>>
    %dma_wait3A_1401 = tpu.memref_squeeze %dma_wait3A_1400 : memref<1x128xi32, #tpu.memory_space<vmem>> -> memref<128xi32, #tpu.memory_space<vmem>>
    %dma_wait3A_1402 = arith.constant 0 : i32
    %dma_wait3A_1403 = arith.constant 0 : i32
    %dma_wait3A_1404 = tpu.memref_slice %arg2[%dma_wait3A_1402, %dma_wait3A_1403] : memref<1048576x8xf32, #tpu.memory_space<hbm>> -> memref<1048576x8xf32, #tpu.memory_space<hbm>>
    tpu.wait_indirect_dma semaphore(%arg7 : memref<!tpu.dma_semaphore, #tpu.memory_space<semaphore_mem>>) src(%dma_wait3A_1404 : memref<1048576x8xf32, #tpu.memory_space<hbm>>) dst(%dma_wait3A_1398 : memref<128x8xf32, #tpu.memory_space<vmem>>)
    %dma_wait3A_1405 = arith.constant 53 : i32
    %dma_wait3A_1406 = arith.constant 53 : i32
    %dma_wait3A_1407 = arith.constant 0 : i32
    %dma_wait3A_1408 = arith.constant 0 : i32
    %dma_wait3A_1409 = tpu.memref_slice %arg6[%dma_wait3A_1406, %dma_wait3A_1407, %dma_wait3A_1408] : memref<64x128x8xf32, #tpu.memory_space<vmem>> -> memref<1x128x8xf32, #tpu.memory_space<vmem>>
    %dma_wait3A_1410 = tpu.memref_squeeze %dma_wait3A_1409 : memref<1x128x8xf32, #tpu.memory_space<vmem>> -> memref<128x8xf32, #tpu.memory_space<vmem>>
    %dma_wait3A_1411 = arith.constant 0 : i32
    %dma_wait3A_1412 = tpu.memref_slice %arg5[%dma_wait3A_1405, %dma_wait3A_1411] : memref<64x128xi32, #tpu.memory_space<vmem>> -> memref<1x128xi32, #tpu.memory_space<vmem>>
    %dma_wait3A_1413 = tpu.memref_squeeze %dma_wait3A_1412 : memref<1x128xi32, #tpu.memory_space<vmem>> -> memref<128xi32, #tpu.memory_space<vmem>>
    %dma_wait3A_1414 = arith.constant 0 : i32
    %dma_wait3A_1415 = arith.constant 0 : i32
    %dma_wait3A_1416 = tpu.memref_slice %arg2[%dma_wait3A_1414, %dma_wait3A_1415] : memref<1048576x8xf32, #tpu.memory_space<hbm>> -> memref<1048576x8xf32, #tpu.memory_space<hbm>>
    tpu.wait_indirect_dma semaphore(%arg7 : memref<!tpu.dma_semaphore, #tpu.memory_space<semaphore_mem>>) src(%dma_wait3A_1416 : memref<1048576x8xf32, #tpu.memory_space<hbm>>) dst(%dma_wait3A_1410 : memref<128x8xf32, #tpu.memory_space<vmem>>)
    %dma_wait3A_1417 = arith.constant 54 : i32
    %dma_wait3A_1418 = arith.constant 54 : i32
    %dma_wait3A_1419 = arith.constant 0 : i32
    %dma_wait3A_1420 = arith.constant 0 : i32
    %dma_wait3A_1421 = tpu.memref_slice %arg6[%dma_wait3A_1418, %dma_wait3A_1419, %dma_wait3A_1420] : memref<64x128x8xf32, #tpu.memory_space<vmem>> -> memref<1x128x8xf32, #tpu.memory_space<vmem>>
    %dma_wait3A_1422 = tpu.memref_squeeze %dma_wait3A_1421 : memref<1x128x8xf32, #tpu.memory_space<vmem>> -> memref<128x8xf32, #tpu.memory_space<vmem>>
    %dma_wait3A_1423 = arith.constant 0 : i32
    %dma_wait3A_1424 = tpu.memref_slice %arg5[%dma_wait3A_1417, %dma_wait3A_1423] : memref<64x128xi32, #tpu.memory_space<vmem>> -> memref<1x128xi32, #tpu.memory_space<vmem>>
    %dma_wait3A_1425 = tpu.memref_squeeze %dma_wait3A_1424 : memref<1x128xi32, #tpu.memory_space<vmem>> -> memref<128xi32, #tpu.memory_space<vmem>>
    %dma_wait3A_1426 = arith.constant 0 : i32
    %dma_wait3A_1427 = arith.constant 0 : i32
    %dma_wait3A_1428 = tpu.memref_slice %arg2[%dma_wait3A_1426, %dma_wait3A_1427] : memref<1048576x8xf32, #tpu.memory_space<hbm>> -> memref<1048576x8xf32, #tpu.memory_space<hbm>>
    tpu.wait_indirect_dma semaphore(%arg7 : memref<!tpu.dma_semaphore, #tpu.memory_space<semaphore_mem>>) src(%dma_wait3A_1428 : memref<1048576x8xf32, #tpu.memory_space<hbm>>) dst(%dma_wait3A_1422 : memref<128x8xf32, #tpu.memory_space<vmem>>)
    %dma_wait3A_1429 = arith.constant 55 : i32
    %dma_wait3A_1430 = arith.constant 55 : i32
    %dma_wait3A_1431 = arith.constant 0 : i32
    %dma_wait3A_1432 = arith.constant 0 : i32
    %dma_wait3A_1433 = tpu.memref_slice %arg6[%dma_wait3A_1430, %dma_wait3A_1431, %dma_wait3A_1432] : memref<64x128x8xf32, #tpu.memory_space<vmem>> -> memref<1x128x8xf32, #tpu.memory_space<vmem>>
    %dma_wait3A_1434 = tpu.memref_squeeze %dma_wait3A_1433 : memref<1x128x8xf32, #tpu.memory_space<vmem>> -> memref<128x8xf32, #tpu.memory_space<vmem>>
    %dma_wait3A_1435 = arith.constant 0 : i32
    %dma_wait3A_1436 = tpu.memref_slice %arg5[%dma_wait3A_1429, %dma_wait3A_1435] : memref<64x128xi32, #tpu.memory_space<vmem>> -> memref<1x128xi32, #tpu.memory_space<vmem>>
    %dma_wait3A_1437 = tpu.memref_squeeze %dma_wait3A_1436 : memref<1x128xi32, #tpu.memory_space<vmem>> -> memref<128xi32, #tpu.memory_space<vmem>>
    %dma_wait3A_1438 = arith.constant 0 : i32
    %dma_wait3A_1439 = arith.constant 0 : i32
    %dma_wait3A_1440 = tpu.memref_slice %arg2[%dma_wait3A_1438, %dma_wait3A_1439] : memref<1048576x8xf32, #tpu.memory_space<hbm>> -> memref<1048576x8xf32, #tpu.memory_space<hbm>>
    tpu.wait_indirect_dma semaphore(%arg7 : memref<!tpu.dma_semaphore, #tpu.memory_space<semaphore_mem>>) src(%dma_wait3A_1440 : memref<1048576x8xf32, #tpu.memory_space<hbm>>) dst(%dma_wait3A_1434 : memref<128x8xf32, #tpu.memory_space<vmem>>)
    %dma_wait3A_1441 = arith.constant 56 : i32
    %dma_wait3A_1442 = arith.constant 56 : i32
    %dma_wait3A_1443 = arith.constant 0 : i32
    %dma_wait3A_1444 = arith.constant 0 : i32
    %dma_wait3A_1445 = tpu.memref_slice %arg6[%dma_wait3A_1442, %dma_wait3A_1443, %dma_wait3A_1444] : memref<64x128x8xf32, #tpu.memory_space<vmem>> -> memref<1x128x8xf32, #tpu.memory_space<vmem>>
    %dma_wait3A_1446 = tpu.memref_squeeze %dma_wait3A_1445 : memref<1x128x8xf32, #tpu.memory_space<vmem>> -> memref<128x8xf32, #tpu.memory_space<vmem>>
    %dma_wait3A_1447 = arith.constant 0 : i32
    %dma_wait3A_1448 = tpu.memref_slice %arg5[%dma_wait3A_1441, %dma_wait3A_1447] : memref<64x128xi32, #tpu.memory_space<vmem>> -> memref<1x128xi32, #tpu.memory_space<vmem>>
    %dma_wait3A_1449 = tpu.memref_squeeze %dma_wait3A_1448 : memref<1x128xi32, #tpu.memory_space<vmem>> -> memref<128xi32, #tpu.memory_space<vmem>>
    %dma_wait3A_1450 = arith.constant 0 : i32
    %dma_wait3A_1451 = arith.constant 0 : i32
    %dma_wait3A_1452 = tpu.memref_slice %arg2[%dma_wait3A_1450, %dma_wait3A_1451] : memref<1048576x8xf32, #tpu.memory_space<hbm>> -> memref<1048576x8xf32, #tpu.memory_space<hbm>>
    tpu.wait_indirect_dma semaphore(%arg7 : memref<!tpu.dma_semaphore, #tpu.memory_space<semaphore_mem>>) src(%dma_wait3A_1452 : memref<1048576x8xf32, #tpu.memory_space<hbm>>) dst(%dma_wait3A_1446 : memref<128x8xf32, #tpu.memory_space<vmem>>)
    %dma_wait3A_1453 = arith.constant 57 : i32
    %dma_wait3A_1454 = arith.constant 57 : i32
    %dma_wait3A_1455 = arith.constant 0 : i32
    %dma_wait3A_1456 = arith.constant 0 : i32
    %dma_wait3A_1457 = tpu.memref_slice %arg6[%dma_wait3A_1454, %dma_wait3A_1455, %dma_wait3A_1456] : memref<64x128x8xf32, #tpu.memory_space<vmem>> -> memref<1x128x8xf32, #tpu.memory_space<vmem>>
    %dma_wait3A_1458 = tpu.memref_squeeze %dma_wait3A_1457 : memref<1x128x8xf32, #tpu.memory_space<vmem>> -> memref<128x8xf32, #tpu.memory_space<vmem>>
    %dma_wait3A_1459 = arith.constant 0 : i32
    %dma_wait3A_1460 = tpu.memref_slice %arg5[%dma_wait3A_1453, %dma_wait3A_1459] : memref<64x128xi32, #tpu.memory_space<vmem>> -> memref<1x128xi32, #tpu.memory_space<vmem>>
    %dma_wait3A_1461 = tpu.memref_squeeze %dma_wait3A_1460 : memref<1x128xi32, #tpu.memory_space<vmem>> -> memref<128xi32, #tpu.memory_space<vmem>>
    %dma_wait3A_1462 = arith.constant 0 : i32
    %dma_wait3A_1463 = arith.constant 0 : i32
    %dma_wait3A_1464 = tpu.memref_slice %arg2[%dma_wait3A_1462, %dma_wait3A_1463] : memref<1048576x8xf32, #tpu.memory_space<hbm>> -> memref<1048576x8xf32, #tpu.memory_space<hbm>>
    tpu.wait_indirect_dma semaphore(%arg7 : memref<!tpu.dma_semaphore, #tpu.memory_space<semaphore_mem>>) src(%dma_wait3A_1464 : memref<1048576x8xf32, #tpu.memory_space<hbm>>) dst(%dma_wait3A_1458 : memref<128x8xf32, #tpu.memory_space<vmem>>)
    %dma_wait3A_1465 = arith.constant 58 : i32
    %dma_wait3A_1466 = arith.constant 58 : i32
    %dma_wait3A_1467 = arith.constant 0 : i32
    %dma_wait3A_1468 = arith.constant 0 : i32
    %dma_wait3A_1469 = tpu.memref_slice %arg6[%dma_wait3A_1466, %dma_wait3A_1467, %dma_wait3A_1468] : memref<64x128x8xf32, #tpu.memory_space<vmem>> -> memref<1x128x8xf32, #tpu.memory_space<vmem>>
    %dma_wait3A_1470 = tpu.memref_squeeze %dma_wait3A_1469 : memref<1x128x8xf32, #tpu.memory_space<vmem>> -> memref<128x8xf32, #tpu.memory_space<vmem>>
    %dma_wait3A_1471 = arith.constant 0 : i32
    %dma_wait3A_1472 = tpu.memref_slice %arg5[%dma_wait3A_1465, %dma_wait3A_1471] : memref<64x128xi32, #tpu.memory_space<vmem>> -> memref<1x128xi32, #tpu.memory_space<vmem>>
    %dma_wait3A_1473 = tpu.memref_squeeze %dma_wait3A_1472 : memref<1x128xi32, #tpu.memory_space<vmem>> -> memref<128xi32, #tpu.memory_space<vmem>>
    %dma_wait3A_1474 = arith.constant 0 : i32
    %dma_wait3A_1475 = arith.constant 0 : i32
    %dma_wait3A_1476 = tpu.memref_slice %arg2[%dma_wait3A_1474, %dma_wait3A_1475] : memref<1048576x8xf32, #tpu.memory_space<hbm>> -> memref<1048576x8xf32, #tpu.memory_space<hbm>>
    tpu.wait_indirect_dma semaphore(%arg7 : memref<!tpu.dma_semaphore, #tpu.memory_space<semaphore_mem>>) src(%dma_wait3A_1476 : memref<1048576x8xf32, #tpu.memory_space<hbm>>) dst(%dma_wait3A_1470 : memref<128x8xf32, #tpu.memory_space<vmem>>)
    %dma_wait3A_1477 = arith.constant 59 : i32
    %dma_wait3A_1478 = arith.constant 59 : i32
    %dma_wait3A_1479 = arith.constant 0 : i32
    %dma_wait3A_1480 = arith.constant 0 : i32
    %dma_wait3A_1481 = tpu.memref_slice %arg6[%dma_wait3A_1478, %dma_wait3A_1479, %dma_wait3A_1480] : memref<64x128x8xf32, #tpu.memory_space<vmem>> -> memref<1x128x8xf32, #tpu.memory_space<vmem>>
    %dma_wait3A_1482 = tpu.memref_squeeze %dma_wait3A_1481 : memref<1x128x8xf32, #tpu.memory_space<vmem>> -> memref<128x8xf32, #tpu.memory_space<vmem>>
    %dma_wait3A_1483 = arith.constant 0 : i32
    %dma_wait3A_1484 = tpu.memref_slice %arg5[%dma_wait3A_1477, %dma_wait3A_1483] : memref<64x128xi32, #tpu.memory_space<vmem>> -> memref<1x128xi32, #tpu.memory_space<vmem>>
    %dma_wait3A_1485 = tpu.memref_squeeze %dma_wait3A_1484 : memref<1x128xi32, #tpu.memory_space<vmem>> -> memref<128xi32, #tpu.memory_space<vmem>>
    %dma_wait3A_1486 = arith.constant 0 : i32
    %dma_wait3A_1487 = arith.constant 0 : i32
    %dma_wait3A_1488 = tpu.memref_slice %arg2[%dma_wait3A_1486, %dma_wait3A_1487] : memref<1048576x8xf32, #tpu.memory_space<hbm>> -> memref<1048576x8xf32, #tpu.memory_space<hbm>>
    tpu.wait_indirect_dma semaphore(%arg7 : memref<!tpu.dma_semaphore, #tpu.memory_space<semaphore_mem>>) src(%dma_wait3A_1488 : memref<1048576x8xf32, #tpu.memory_space<hbm>>) dst(%dma_wait3A_1482 : memref<128x8xf32, #tpu.memory_space<vmem>>)
    %dma_wait3A_1489 = arith.constant 60 : i32
    %dma_wait3A_1490 = arith.constant 60 : i32
    %dma_wait3A_1491 = arith.constant 0 : i32
    %dma_wait3A_1492 = arith.constant 0 : i32
    %dma_wait3A_1493 = tpu.memref_slice %arg6[%dma_wait3A_1490, %dma_wait3A_1491, %dma_wait3A_1492] : memref<64x128x8xf32, #tpu.memory_space<vmem>> -> memref<1x128x8xf32, #tpu.memory_space<vmem>>
    %dma_wait3A_1494 = tpu.memref_squeeze %dma_wait3A_1493 : memref<1x128x8xf32, #tpu.memory_space<vmem>> -> memref<128x8xf32, #tpu.memory_space<vmem>>
    %dma_wait3A_1495 = arith.constant 0 : i32
    %dma_wait3A_1496 = tpu.memref_slice %arg5[%dma_wait3A_1489, %dma_wait3A_1495] : memref<64x128xi32, #tpu.memory_space<vmem>> -> memref<1x128xi32, #tpu.memory_space<vmem>>
    %dma_wait3A_1497 = tpu.memref_squeeze %dma_wait3A_1496 : memref<1x128xi32, #tpu.memory_space<vmem>> -> memref<128xi32, #tpu.memory_space<vmem>>
    %dma_wait3A_1498 = arith.constant 0 : i32
    %dma_wait3A_1499 = arith.constant 0 : i32
    %dma_wait3A_1500 = tpu.memref_slice %arg2[%dma_wait3A_1498, %dma_wait3A_1499] : memref<1048576x8xf32, #tpu.memory_space<hbm>> -> memref<1048576x8xf32, #tpu.memory_space<hbm>>
    tpu.wait_indirect_dma semaphore(%arg7 : memref<!tpu.dma_semaphore, #tpu.memory_space<semaphore_mem>>) src(%dma_wait3A_1500 : memref<1048576x8xf32, #tpu.memory_space<hbm>>) dst(%dma_wait3A_1494 : memref<128x8xf32, #tpu.memory_space<vmem>>)
    %dma_wait3A_1501 = arith.constant 61 : i32
    %dma_wait3A_1502 = arith.constant 61 : i32
    %dma_wait3A_1503 = arith.constant 0 : i32
    %dma_wait3A_1504 = arith.constant 0 : i32
    %dma_wait3A_1505 = tpu.memref_slice %arg6[%dma_wait3A_1502, %dma_wait3A_1503, %dma_wait3A_1504] : memref<64x128x8xf32, #tpu.memory_space<vmem>> -> memref<1x128x8xf32, #tpu.memory_space<vmem>>
    %dma_wait3A_1506 = tpu.memref_squeeze %dma_wait3A_1505 : memref<1x128x8xf32, #tpu.memory_space<vmem>> -> memref<128x8xf32, #tpu.memory_space<vmem>>
    %dma_wait3A_1507 = arith.constant 0 : i32
    %dma_wait3A_1508 = tpu.memref_slice %arg5[%dma_wait3A_1501, %dma_wait3A_1507] : memref<64x128xi32, #tpu.memory_space<vmem>> -> memref<1x128xi32, #tpu.memory_space<vmem>>
    %dma_wait3A_1509 = tpu.memref_squeeze %dma_wait3A_1508 : memref<1x128xi32, #tpu.memory_space<vmem>> -> memref<128xi32, #tpu.memory_space<vmem>>
    %dma_wait3A_1510 = arith.constant 0 : i32
    %dma_wait3A_1511 = arith.constant 0 : i32
    %dma_wait3A_1512 = tpu.memref_slice %arg2[%dma_wait3A_1510, %dma_wait3A_1511] : memref<1048576x8xf32, #tpu.memory_space<hbm>> -> memref<1048576x8xf32, #tpu.memory_space<hbm>>
    tpu.wait_indirect_dma semaphore(%arg7 : memref<!tpu.dma_semaphore, #tpu.memory_space<semaphore_mem>>) src(%dma_wait3A_1512 : memref<1048576x8xf32, #tpu.memory_space<hbm>>) dst(%dma_wait3A_1506 : memref<128x8xf32, #tpu.memory_space<vmem>>)
    %dma_wait3A_1513 = arith.constant 62 : i32
    %dma_wait3A_1514 = arith.constant 62 : i32
    %dma_wait3A_1515 = arith.constant 0 : i32
    %dma_wait3A_1516 = arith.constant 0 : i32
    %dma_wait3A_1517 = tpu.memref_slice %arg6[%dma_wait3A_1514, %dma_wait3A_1515, %dma_wait3A_1516] : memref<64x128x8xf32, #tpu.memory_space<vmem>> -> memref<1x128x8xf32, #tpu.memory_space<vmem>>
    %dma_wait3A_1518 = tpu.memref_squeeze %dma_wait3A_1517 : memref<1x128x8xf32, #tpu.memory_space<vmem>> -> memref<128x8xf32, #tpu.memory_space<vmem>>
    %dma_wait3A_1519 = arith.constant 0 : i32
    %dma_wait3A_1520 = tpu.memref_slice %arg5[%dma_wait3A_1513, %dma_wait3A_1519] : memref<64x128xi32, #tpu.memory_space<vmem>> -> memref<1x128xi32, #tpu.memory_space<vmem>>
    %dma_wait3A_1521 = tpu.memref_squeeze %dma_wait3A_1520 : memref<1x128xi32, #tpu.memory_space<vmem>> -> memref<128xi32, #tpu.memory_space<vmem>>
    %dma_wait3A_1522 = arith.constant 0 : i32
    %dma_wait3A_1523 = arith.constant 0 : i32
    %dma_wait3A_1524 = tpu.memref_slice %arg2[%dma_wait3A_1522, %dma_wait3A_1523] : memref<1048576x8xf32, #tpu.memory_space<hbm>> -> memref<1048576x8xf32, #tpu.memory_space<hbm>>
    tpu.wait_indirect_dma semaphore(%arg7 : memref<!tpu.dma_semaphore, #tpu.memory_space<semaphore_mem>>) src(%dma_wait3A_1524 : memref<1048576x8xf32, #tpu.memory_space<hbm>>) dst(%dma_wait3A_1518 : memref<128x8xf32, #tpu.memory_space<vmem>>)
    %dma_wait3A_1525 = arith.constant 63 : i32
    %dma_wait3A_1526 = arith.constant 63 : i32
    %dma_wait3A_1527 = arith.constant 0 : i32
    %dma_wait3A_1528 = arith.constant 0 : i32
    %dma_wait3A_1529 = tpu.memref_slice %arg6[%dma_wait3A_1526, %dma_wait3A_1527, %dma_wait3A_1528] : memref<64x128x8xf32, #tpu.memory_space<vmem>> -> memref<1x128x8xf32, #tpu.memory_space<vmem>>
    %dma_wait3A_1530 = tpu.memref_squeeze %dma_wait3A_1529 : memref<1x128x8xf32, #tpu.memory_space<vmem>> -> memref<128x8xf32, #tpu.memory_space<vmem>>
    %dma_wait3A_1531 = arith.constant 0 : i32
    %dma_wait3A_1532 = tpu.memref_slice %arg5[%dma_wait3A_1525, %dma_wait3A_1531] : memref<64x128xi32, #tpu.memory_space<vmem>> -> memref<1x128xi32, #tpu.memory_space<vmem>>
    %dma_wait3A_1533 = tpu.memref_squeeze %dma_wait3A_1532 : memref<1x128xi32, #tpu.memory_space<vmem>> -> memref<128xi32, #tpu.memory_space<vmem>>
    %dma_wait3A_1534 = arith.constant 0 : i32
    %dma_wait3A_1535 = arith.constant 0 : i32
    %dma_wait3A_1536 = tpu.memref_slice %arg2[%dma_wait3A_1534, %dma_wait3A_1535] : memref<1048576x8xf32, #tpu.memory_space<hbm>> -> memref<1048576x8xf32, #tpu.memory_space<hbm>>
    tpu.wait_indirect_dma semaphore(%arg7 : memref<!tpu.dma_semaphore, #tpu.memory_space<semaphore_mem>>) src(%dma_wait3A_1536 : memref<1048576x8xf32, #tpu.memory_space<hbm>>) dst(%dma_wait3A_1530 : memref<128x8xf32, #tpu.memory_space<vmem>>)
    "tpu.region"() ({
      %run_scoped3A = tpu.sem_alloc : memref<!tpu.dma_semaphore, #tpu.memory_space<semaphore_mem>>
      %dma_start3A_1537 = arith.constant 0 : i32
      %dma_start3A_1538 = arith.constant 0 : i32
      %dma_start3A_1539 = tpu.memref_slice %arg4[%mul3A_2, %dma_start3A_1537, %dma_start3A_1538] : memref<2048x128x8xf32, #tpu.memory_space<hbm>> -> memref<64x128x8xf32, #tpu.memory_space<hbm>>
      %dma_start3A_1540 = arith.constant 0 : i32
      %dma_start3A_1541 = arith.constant 0 : i32
      %dma_start3A_1542 = tpu.memref_slice %arg4[%mul3A_2, %dma_start3A_1540, %dma_start3A_1541] : memref<2048x128x8xf32, #tpu.memory_space<hbm>> -> memref<64x128x8xf32, #tpu.memory_space<hbm>>
      tpu.enqueue_dma source(%arg6 : memref<64x128x8xf32, #tpu.memory_space<vmem>>) target(%dma_start3A_1542 : memref<64x128x8xf32, #tpu.memory_space<hbm>>) target_semaphore(%run_scoped3A : memref<!tpu.dma_semaphore, #tpu.memory_space<semaphore_mem>>)
      %dma_wait3A_1543 = arith.constant 0 : i32
      %dma_wait3A_1544 = arith.constant 0 : i32
      %dma_wait3A_1545 = tpu.memref_slice %arg4[%mul3A_2, %dma_wait3A_1543, %dma_wait3A_1544] : memref<2048x128x8xf32, #tpu.memory_space<hbm>> -> memref<64x128x8xf32, #tpu.memory_space<hbm>>
      %dma_wait3A_1546 = arith.constant 0 : i32
      %dma_wait3A_1547 = arith.constant 0 : i32
      %dma_wait3A_1548 = tpu.memref_slice %arg4[%mul3A_2, %dma_wait3A_1546, %dma_wait3A_1547] : memref<2048x128x8xf32, #tpu.memory_space<hbm>> -> memref<64x128x8xf32, #tpu.memory_space<hbm>>
      tpu.wait_dma2 semaphore(%run_scoped3A : memref<!tpu.dma_semaphore, #tpu.memory_space<semaphore_mem>>) src(%arg6 : memref<64x128x8xf32, #tpu.memory_space<vmem>>) dst(%dma_wait3A_1548 : memref<64x128x8xf32, #tpu.memory_space<hbm>>)
      tpu.yield
    }) : () -> ()
    return
  }
}

module attributes {stable_mosaic.version = 14 : i64} {
  func.func @_heads_kernel(%arg0: i32, %arg1: memref<1x256x4096xf32, #tpu.memory_space<vmem>>, %arg2: memref<9x256x256xf32, #tpu.memory_space<vmem>>, %arg3: memref<256x128xf32, #tpu.memory_space<vmem>>, %arg4: memref<8x256xf32, #tpu.memory_space<vmem>>, %arg5: memref<8x128xf32, #tpu.memory_space<vmem>>, %arg6: memref<1x1x4096xf32, #tpu.memory_space<vmem>>, %arg7: memref<1x8x4096xf32, #tpu.memory_space<vmem>>) attributes {dimension_semantics = [#tpu.dimension_semantics<arbitrary>], iteration_bounds = array<i64: 8>, scalar_prefetch = 0 : i64, scratch_operands = 0 : i64, tpu.core_type = #tpu.core_type<tc>, window_params = [{transform_indices = @transform_0, window_bounds = array<i64: 1, 256, 4096>}, {pipeline_mode = #tpu.pipeline_mode<synchronous>, transform_indices = @transform_1, window_bounds = array<i64: 9, 256, 256>}, {pipeline_mode = #tpu.pipeline_mode<synchronous>, transform_indices = @transform_2, window_bounds = array<i64: 256, 128>}, {pipeline_mode = #tpu.pipeline_mode<synchronous>, transform_indices = @transform_3, window_bounds = array<i64: 8, 256>}, {pipeline_mode = #tpu.pipeline_mode<synchronous>, transform_indices = @transform_4, window_bounds = array<i64: 8, 128>}, {transform_indices = @transform_5, window_bounds = array<i64: 1, 1, 4096>}, {transform_indices = @transform_6, window_bounds = array<i64: 1, 8, 4096>}]} {
    %get3A = arith.constant 0 : index
    %get3A_0 = arith.constant 0 : index
    %get3A_1 = arith.constant 0 : index
    %get3A_2 = vector.load %arg1[%get3A, %get3A_0, %get3A_1] : memref<1x256x4096xf32, #tpu.memory_space<vmem>>, vector<1x256x4096xf32>
    %get3A_3 = vector.shape_cast %get3A_2 : vector<1x256x4096xf32> to vector<256x4096xf32>
    %iota3A = tpu.iota {dimensions = array<i32: 1>} : vector<1x4096xi32>
    %jit3A = arith.constant 64 : i32
    %eq3A = arith.constant 0 : i32
    %eq3A_4 = arith.cmpi eq, %jit3A, %eq3A : i32
    %jit3A_5 = arith.constant 1 : i32
    %select_n3A = arith.select %eq3A_4, %jit3A_5, %jit3A : i32
    %rem3A = vector.broadcast %select_n3A : i32 to vector<1x4096xi32>
    %rem3A_6 = arith.remsi %iota3A, %rem3A : vector<1x4096xi32>
    %ne3A = arith.constant 0 : i32
    %ne3A_7 = vector.broadcast %ne3A : i32 to vector<1x4096xi32>
    %ne3A_8 = arith.cmpi ne, %rem3A_6, %ne3A_7 : vector<1x4096xi32>
    %lt3A = arith.constant 0 : i32
    %lt3A_9 = vector.broadcast %lt3A : i32 to vector<1x4096xi32>
    %lt3A_10 = arith.cmpi slt, %rem3A_6, %lt3A_9 : vector<1x4096xi32>
    %lt3A_11 = arith.constant 0 : i32
    %lt3A_12 = arith.cmpi slt, %select_n3A, %lt3A_11 : i32
    %ne3A_13 = vector.broadcast %lt3A_12 : i1 to vector<1x4096xi1>
    %ne3A_14 = vector.broadcast %ne3A_13 : vector<1x4096xi1> to vector<1x4096xi1>
    %ne3A_15 = arith.xori %lt3A_10, %ne3A_14 : vector<1x4096xi1>
    %and3A = arith.andi %ne3A_15, %ne3A_8 : vector<1x4096xi1>
    %add3A = vector.broadcast %select_n3A : i32 to vector<1x4096xi32>
    %add3A_16 = arith.addi %rem3A_6, %add3A : vector<1x4096xi32>
    %select_n3A_17 = arith.select %and3A, %add3A_16, %rem3A_6 : vector<1x4096xi1>, vector<1x4096xi32>
    %le3A = arith.constant 62 : i32
    %le3A_18 = vector.broadcast %le3A : i32 to vector<1x4096xi32>
    %le3A_19 = arith.cmpi sle, %select_n3A_17, %le3A_18 : vector<1x4096xi32>
    %convert_element_type3A = arith.extui %le3A_19 : vector<1x4096xi1> to vector<1x4096xi32>
    %convert_element_type3A_20 = arith.sitofp %convert_element_type3A : vector<1x4096xi32> to vector<1x4096xf32>
    %mul3A = vector.broadcast %convert_element_type3A_20 : vector<1x4096xf32> to vector<256x4096xf32>
    %mul3A_21 = arith.mulf %get3A_3, %mul3A : vector<256x4096xf32>
    %ge3A = arith.constant 1 : i32
    %ge3A_22 = vector.broadcast %ge3A : i32 to vector<1x4096xi32>
    %ge3A_23 = arith.cmpi sge, %select_n3A_17, %ge3A_22 : vector<1x4096xi32>
    %convert_element_type3A_24 = arith.extui %ge3A_23 : vector<1x4096xi1> to vector<1x4096xi32>
    %convert_element_type3A_25 = arith.sitofp %convert_element_type3A_24 : vector<1x4096xi32> to vector<1x4096xf32>
    %mul3A_26 = vector.broadcast %convert_element_type3A_25 : vector<1x4096xf32> to vector<256x4096xf32>
    %mul3A_27 = arith.mulf %get3A_3, %mul3A_26 : vector<256x4096xf32>
    %broadcast_in_dim3A = arith.constant 0.000000e+00 : f32
    %broadcast_in_dim3A_28 = vector.broadcast %broadcast_in_dim3A : f32 to vector<256x4096xf32>
    %broadcast_in_dim3A_29 = arith.constant 0.000000e+00 : f32
    %broadcast_in_dim3A_30 = vector.broadcast %broadcast_in_dim3A_29 : f32 to vector<256x65xf32>
    %slice3A = vector.extract_strided_slice %mul3A_21 {offsets = [0, 0], sizes = [256, 4031], strides = [1, 1]} : vector<256x4096xf32> to vector<256x4031xf32>
    %concatenate3A = tpu.concatenate %broadcast_in_dim3A_30, %slice3A in 1 : vector<256x65xf32>, vector<256x4031xf32> -> vector<256x4096xf32>
    %get3A_31 = arith.constant 0 : index
    %get3A_32 = arith.constant 0 : index
    %get3A_33 = arith.constant 0 : index
    %get3A_34 = vector.load %arg2[%get3A_31, %get3A_32, %get3A_33] : memref<9x256x256xf32, #tpu.memory_space<vmem>>, vector<1x256x256xf32>
    %get3A_35 = vector.shape_cast %get3A_34 : vector<1x256x256xf32> to vector<256x256xf32>
    %dot_general3A = arith.constant dense<0.000000e+00> : vector<256x4096xf32>
    %dot_general3A_36 = tpu.matmul %get3A_35, %concatenate3A, %dot_general3A {dimension_numbers = #tpu.dot_dimension_numbers<[1], [0], [0], [1], [0, 0, 1, 1], [], []>, transpose_lhs_hint = false} : vector<256x256xf32>, vector<256x4096xf32>, vector<256x4096xf32> -> vector<256x4096xf32>
    %add3A_37 = arith.addf %broadcast_in_dim3A_28, %dot_general3A_36 : vector<256x4096xf32>
    %broadcast_in_dim3A_38 = arith.constant 0.000000e+00 : f32
    %broadcast_in_dim3A_39 = vector.broadcast %broadcast_in_dim3A_38 : f32 to vector<256x64xf32>
    %slice3A_40 = vector.extract_strided_slice %get3A_3 {offsets = [0, 0], sizes = [256, 4032], strides = [1, 1]} : vector<256x4096xf32> to vector<256x4032xf32>
    %concatenate3A_41 = tpu.concatenate %broadcast_in_dim3A_39, %slice3A_40 in 1 : vector<256x64xf32>, vector<256x4032xf32> -> vector<256x4096xf32>
    %get3A_42 = arith.constant 1 : index
    %get3A_43 = arith.constant 0 : index
    %get3A_44 = arith.constant 0 : index
    %get3A_45 = vector.load %arg2[%get3A_42, %get3A_43, %get3A_44] : memref<9x256x256xf32, #tpu.memory_space<vmem>>, vector<1x256x256xf32>
    %get3A_46 = vector.shape_cast %get3A_45 : vector<1x256x256xf32> to vector<256x256xf32>
    %dot_general3A_47 = arith.constant dense<0.000000e+00> : vector<256x4096xf32>
    %dot_general3A_48 = tpu.matmul %get3A_46, %concatenate3A_41, %dot_general3A_47 {dimension_numbers = #tpu.dot_dimension_numbers<[1], [0], [0], [1], [0, 0, 1, 1], [], []>, transpose_lhs_hint = false} : vector<256x256xf32>, vector<256x4096xf32>, vector<256x4096xf32> -> vector<256x4096xf32>
    %add3A_49 = arith.addf %add3A_37, %dot_general3A_48 : vector<256x4096xf32>
    %broadcast_in_dim3A_50 = arith.constant 0.000000e+00 : f32
    %broadcast_in_dim3A_51 = vector.broadcast %broadcast_in_dim3A_50 : f32 to vector<256x63xf32>
    %slice3A_52 = vector.extract_strided_slice %mul3A_27 {offsets = [0, 0], sizes = [256, 4033], strides = [1, 1]} : vector<256x4096xf32> to vector<256x4033xf32>
    %concatenate3A_53 = tpu.concatenate %broadcast_in_dim3A_51, %slice3A_52 in 1 : vector<256x63xf32>, vector<256x4033xf32> -> vector<256x4096xf32>
    %get3A_54 = arith.constant 2 : index
    %get3A_55 = arith.constant 0 : index
    %get3A_56 = arith.constant 0 : index
    %get3A_57 = vector.load %arg2[%get3A_54, %get3A_55, %get3A_56] : memref<9x256x256xf32, #tpu.memory_space<vmem>>, vector<1x256x256xf32>
    %get3A_58 = vector.shape_cast %get3A_57 : vector<1x256x256xf32> to vector<256x256xf32>
    %dot_general3A_59 = arith.constant dense<0.000000e+00> : vector<256x4096xf32>
    %dot_general3A_60 = tpu.matmul %get3A_58, %concatenate3A_53, %dot_general3A_59 {dimension_numbers = #tpu.dot_dimension_numbers<[1], [0], [0], [1], [0, 0, 1, 1], [], []>, transpose_lhs_hint = false} : vector<256x256xf32>, vector<256x4096xf32>, vector<256x4096xf32> -> vector<256x4096xf32>
    %add3A_61 = arith.addf %add3A_49, %dot_general3A_60 : vector<256x4096xf32>
    %broadcast_in_dim3A_62 = arith.constant 0.000000e+00 : f32
    %broadcast_in_dim3A_63 = vector.broadcast %broadcast_in_dim3A_62 : f32 to vector<256x1xf32>
    %slice3A_64 = vector.extract_strided_slice %mul3A_21 {offsets = [0, 0], sizes = [256, 4095], strides = [1, 1]} : vector<256x4096xf32> to vector<256x4095xf32>
    %concatenate3A_65 = tpu.concatenate %broadcast_in_dim3A_63, %slice3A_64 in 1 : vector<256x1xf32>, vector<256x4095xf32> -> vector<256x4096xf32>
    %get3A_66 = arith.constant 3 : index
    %get3A_67 = arith.constant 0 : index
    %get3A_68 = arith.constant 0 : index
    %get3A_69 = vector.load %arg2[%get3A_66, %get3A_67, %get3A_68] : memref<9x256x256xf32, #tpu.memory_space<vmem>>, vector<1x256x256xf32>
    %get3A_70 = vector.shape_cast %get3A_69 : vector<1x256x256xf32> to vector<256x256xf32>
    %dot_general3A_71 = arith.constant dense<0.000000e+00> : vector<256x4096xf32>
    %dot_general3A_72 = tpu.matmul %get3A_70, %concatenate3A_65, %dot_general3A_71 {dimension_numbers = #tpu.dot_dimension_numbers<[1], [0], [0], [1], [0, 0, 1, 1], [], []>, transpose_lhs_hint = false} : vector<256x256xf32>, vector<256x4096xf32>, vector<256x4096xf32> -> vector<256x4096xf32>
    %add3A_73 = arith.addf %add3A_61, %dot_general3A_72 : vector<256x4096xf32>
    %get3A_74 = arith.constant 4 : index
    %get3A_75 = arith.constant 0 : index
    %get3A_76 = arith.constant 0 : index
    %get3A_77 = vector.load %arg2[%get3A_74, %get3A_75, %get3A_76] : memref<9x256x256xf32, #tpu.memory_space<vmem>>, vector<1x256x256xf32>
    %get3A_78 = vector.shape_cast %get3A_77 : vector<1x256x256xf32> to vector<256x256xf32>
    %dot_general3A_79 = arith.constant dense<0.000000e+00> : vector<256x4096xf32>
    %dot_general3A_80 = tpu.matmul %get3A_78, %get3A_3, %dot_general3A_79 {dimension_numbers = #tpu.dot_dimension_numbers<[1], [0], [0], [1], [0, 0, 1, 1], [], []>, transpose_lhs_hint = false} : vector<256x256xf32>, vector<256x4096xf32>, vector<256x4096xf32> -> vector<256x4096xf32>
    %add3A_81 = arith.addf %add3A_73, %dot_general3A_80 : vector<256x4096xf32>
    %slice3A_82 = vector.extract_strided_slice %mul3A_27 {offsets = [0, 1], sizes = [256, 4095], strides = [1, 1]} : vector<256x4096xf32> to vector<256x4095xf32>
    %broadcast_in_dim3A_83 = arith.constant 0.000000e+00 : f32
    %broadcast_in_dim3A_84 = vector.broadcast %broadcast_in_dim3A_83 : f32 to vector<256x1xf32>
    %concatenate3A_85 = tpu.concatenate %slice3A_82, %broadcast_in_dim3A_84 in 1 : vector<256x4095xf32>, vector<256x1xf32> -> vector<256x4096xf32>
    %get3A_86 = arith.constant 5 : index
    %get3A_87 = arith.constant 0 : index
    %get3A_88 = arith.constant 0 : index
    %get3A_89 = vector.load %arg2[%get3A_86, %get3A_87, %get3A_88] : memref<9x256x256xf32, #tpu.memory_space<vmem>>, vector<1x256x256xf32>
    %get3A_90 = vector.shape_cast %get3A_89 : vector<1x256x256xf32> to vector<256x256xf32>
    %dot_general3A_91 = arith.constant dense<0.000000e+00> : vector<256x4096xf32>
    %dot_general3A_92 = tpu.matmul %get3A_90, %concatenate3A_85, %dot_general3A_91 {dimension_numbers = #tpu.dot_dimension_numbers<[1], [0], [0], [1], [0, 0, 1, 1], [], []>, transpose_lhs_hint = false} : vector<256x256xf32>, vector<256x4096xf32>, vector<256x4096xf32> -> vector<256x4096xf32>
    %add3A_93 = arith.addf %add3A_81, %dot_general3A_92 : vector<256x4096xf32>
    %slice3A_94 = vector.extract_strided_slice %mul3A_21 {offsets = [0, 63], sizes = [256, 4033], strides = [1, 1]} : vector<256x4096xf32> to vector<256x4033xf32>
    %broadcast_in_dim3A_95 = arith.constant 0.000000e+00 : f32
    %broadcast_in_dim3A_96 = vector.broadcast %broadcast_in_dim3A_95 : f32 to vector<256x63xf32>
    %concatenate3A_97 = tpu.concatenate %slice3A_94, %broadcast_in_dim3A_96 in 1 : vector<256x4033xf32>, vector<256x63xf32> -> vector<256x4096xf32>
    %get3A_98 = arith.constant 6 : index
    %get3A_99 = arith.constant 0 : index
    %get3A_100 = arith.constant 0 : index
    %get3A_101 = vector.load %arg2[%get3A_98, %get3A_99, %get3A_100] : memref<9x256x256xf32, #tpu.memory_space<vmem>>, vector<1x256x256xf32>
    %get3A_102 = vector.shape_cast %get3A_101 : vector<1x256x256xf32> to vector<256x256xf32>
    %dot_general3A_103 = arith.constant dense<0.000000e+00> : vector<256x4096xf32>
    %dot_general3A_104 = tpu.matmul %get3A_102, %concatenate3A_97, %dot_general3A_103 {dimension_numbers = #tpu.dot_dimension_numbers<[1], [0], [0], [1], [0, 0, 1, 1], [], []>, transpose_lhs_hint = false} : vector<256x256xf32>, vector<256x4096xf32>, vector<256x4096xf32> -> vector<256x4096xf32>
    %add3A_105 = arith.addf %add3A_93, %dot_general3A_104 : vector<256x4096xf32>
    %slice3A_106 = vector.extract_strided_slice %get3A_3 {offsets = [0, 64], sizes = [256, 4032], strides = [1, 1]} : vector<256x4096xf32> to vector<256x4032xf32>
    %broadcast_in_dim3A_107 = arith.constant 0.000000e+00 : f32
    %broadcast_in_dim3A_108 = vector.broadcast %broadcast_in_dim3A_107 : f32 to vector<256x64xf32>
    %concatenate3A_109 = tpu.concatenate %slice3A_106, %broadcast_in_dim3A_108 in 1 : vector<256x4032xf32>, vector<256x64xf32> -> vector<256x4096xf32>
    %get3A_110 = arith.constant 7 : index
    %get3A_111 = arith.constant 0 : index
    %get3A_112 = arith.constant 0 : index
    %get3A_113 = vector.load %arg2[%get3A_110, %get3A_111, %get3A_112] : memref<9x256x256xf32, #tpu.memory_space<vmem>>, vector<1x256x256xf32>
    %get3A_114 = vector.shape_cast %get3A_113 : vector<1x256x256xf32> to vector<256x256xf32>
    %dot_general3A_115 = arith.constant dense<0.000000e+00> : vector<256x4096xf32>
    %dot_general3A_116 = tpu.matmul %get3A_114, %concatenate3A_109, %dot_general3A_115 {dimension_numbers = #tpu.dot_dimension_numbers<[1], [0], [0], [1], [0, 0, 1, 1], [], []>, transpose_lhs_hint = false} : vector<256x256xf32>, vector<256x4096xf32>, vector<256x4096xf32> -> vector<256x4096xf32>
    %add3A_117 = arith.addf %add3A_105, %dot_general3A_116 : vector<256x4096xf32>
    %slice3A_118 = vector.extract_strided_slice %mul3A_27 {offsets = [0, 65], sizes = [256, 4031], strides = [1, 1]} : vector<256x4096xf32> to vector<256x4031xf32>
    %broadcast_in_dim3A_119 = arith.constant 0.000000e+00 : f32
    %broadcast_in_dim3A_120 = vector.broadcast %broadcast_in_dim3A_119 : f32 to vector<256x65xf32>
    %concatenate3A_121 = tpu.concatenate %slice3A_118, %broadcast_in_dim3A_120 in 1 : vector<256x4031xf32>, vector<256x65xf32> -> vector<256x4096xf32>
    %get3A_122 = arith.constant 8 : index
    %get3A_123 = arith.constant 0 : index
    %get3A_124 = arith.constant 0 : index
    %get3A_125 = vector.load %arg2[%get3A_122, %get3A_123, %get3A_124] : memref<9x256x256xf32, #tpu.memory_space<vmem>>, vector<1x256x256xf32>
    %get3A_126 = vector.shape_cast %get3A_125 : vector<1x256x256xf32> to vector<256x256xf32>
    %dot_general3A_127 = arith.constant dense<0.000000e+00> : vector<256x4096xf32>
    %dot_general3A_128 = tpu.matmul %get3A_126, %concatenate3A_121, %dot_general3A_127 {dimension_numbers = #tpu.dot_dimension_numbers<[1], [0], [0], [1], [0, 0, 1, 1], [], []>, transpose_lhs_hint = false} : vector<256x256xf32>, vector<256x4096xf32>, vector<256x4096xf32> -> vector<256x4096xf32>
    %add3A_129 = arith.addf %add3A_117, %dot_general3A_128 : vector<256x4096xf32>
    %get3A_130 = arith.constant 0 : index
    %get3A_131 = arith.constant 0 : index
    %get3A_132 = vector.load %arg3[%get3A_130, %get3A_131] : memref<256x128xf32, #tpu.memory_space<vmem>>, vector<256x1xf32>
    %add3A_133 = vector.broadcast %get3A_132 : vector<256x1xf32> to vector<256x4096xf32>
    %add3A_134 = arith.addf %add3A_129, %add3A_133 : vector<256x4096xf32>
    %max3A = arith.constant 0.000000e+00 : f32
    %max3A_135 = vector.broadcast %max3A : f32 to vector<256x4096xf32>
    %max3A_136 = arith.maximumf %add3A_134, %max3A_135 : vector<256x4096xf32>
    %get3A_137 = arith.constant 0 : index
    %get3A_138 = arith.constant 0 : index
    %get3A_139 = vector.load %arg4[%get3A_137, %get3A_138] : memref<8x256xf32, #tpu.memory_space<vmem>>, vector<8x256xf32>
    %dot_general3A_140 = arith.constant dense<0.000000e+00> : vector<8x4096xf32>
    %dot_general3A_141 = tpu.matmul %get3A_139, %max3A_136, %dot_general3A_140 {dimension_numbers = #tpu.dot_dimension_numbers<[1], [0], [0], [1], [0, 0, 1, 1], [], []>, transpose_lhs_hint = false} : vector<8x256xf32>, vector<256x4096xf32>, vector<8x4096xf32> -> vector<8x4096xf32>
    %get3A_142 = arith.constant 0 : index
    %get3A_143 = arith.constant 0 : index
    %get3A_144 = vector.load %arg5[%get3A_142, %get3A_143] : memref<8x128xf32, #tpu.memory_space<vmem>>, vector<8x1xf32>
    %add3A_145 = vector.broadcast %get3A_144 : vector<8x1xf32> to vector<8x4096xf32>
    %add3A_146 = arith.addf %dot_general3A_141, %add3A_145 : vector<8x4096xf32>
    %slice3A_147 = vector.extract_strided_slice %add3A_146 {offsets = [0, 0], sizes = [1, 4096], strides = [1, 1]} : vector<8x4096xf32> to vector<1x4096xf32>
    %logistic3A = arith.negf %slice3A_147 : vector<1x4096xf32>
    %logistic3A_148 = math.exp %logistic3A : vector<1x4096xf32>
    %logistic3A_149 = arith.constant 1.000000e+00 : f32
    %logistic3A_150 = vector.broadcast %logistic3A_149 : f32 to vector<1x4096xf32>
    %logistic3A_151 = arith.addf %logistic3A_150, %logistic3A_148 : vector<1x4096xf32>
    %logistic3A_152 = arith.divf %logistic3A_150, %logistic3A_151 : vector<1x4096xf32>
    %swap3A = arith.constant 0 : index
    %swap3A_153 = arith.constant 0 : index
    %swap3A_154 = arith.constant 0 : index
    %swap3A_155 = vector.load %arg6[%swap3A, %swap3A_153, %swap3A_154] : memref<1x1x4096xf32, #tpu.memory_space<vmem>>, vector<1x1x4096xf32>
    %swap3A_156 = vector.shape_cast %swap3A_155 : vector<1x1x4096xf32> to vector<1x4096xf32>
    %swap3A_157 = vector.shape_cast %logistic3A_152 : vector<1x4096xf32> to vector<1x1x4096xf32>
    tpu.vector_store %arg6[%swap3A, %swap3A_153, %swap3A_154], %swap3A_157 {strides = array<i32>} : memref<1x1x4096xf32, #tpu.memory_space<vmem>>, vector<1x1x4096xf32>,
    %swap3A_158 = arith.constant 0 : index
    %swap3A_159 = arith.constant 0 : index
    %swap3A_160 = arith.constant 0 : index
    %swap3A_161 = vector.load %arg7[%swap3A_158, %swap3A_159, %swap3A_160] : memref<1x8x4096xf32, #tpu.memory_space<vmem>>, vector<1x8x4096xf32>
    %swap3A_162 = vector.shape_cast %swap3A_161 : vector<1x8x4096xf32> to vector<8x4096xf32>
    %swap3A_163 = vector.shape_cast %add3A_146 : vector<8x4096xf32> to vector<1x8x4096xf32>
    tpu.vector_store %arg7[%swap3A_158, %swap3A_159, %swap3A_160], %swap3A_163 {strides = array<i32>} : memref<1x8x4096xf32, #tpu.memory_space<vmem>>, vector<1x8x4096xf32>,
    return
  }
  func.func @transform_0(%arg0: i32) -> (i32, i32, i32) {
    %c0_i32 = arith.constant 0 : i32
    %c0_i32_0 = arith.constant 0 : i32
    %c0_i32_1 = arith.constant 0 : i32
    return %arg0, %c0_i32, %c0_i32_0 : i32, i32, i32
  }
  func.func @transform_1(%arg0: i32) -> (i32, i32, i32) {
    %c0_i32 = arith.constant 0 : i32
    %c0_i32_0 = arith.constant 0 : i32
    %c0_i32_1 = arith.constant 0 : i32
    %c0_i32_2 = arith.constant 0 : i32
    return %c0_i32, %c0_i32_0, %c0_i32_1 : i32, i32, i32
  }
  func.func @transform_2(%arg0: i32) -> (i32, i32) {
    %c0_i32 = arith.constant 0 : i32
    %c0_i32_0 = arith.constant 0 : i32
    %c0_i32_1 = arith.constant 0 : i32
    return %c0_i32, %c0_i32_0 : i32, i32
  }
  func.func @transform_3(%arg0: i32) -> (i32, i32) {
    %c0_i32 = arith.constant 0 : i32
    %c0_i32_0 = arith.constant 0 : i32
    %c0_i32_1 = arith.constant 0 : i32
    return %c0_i32, %c0_i32_0 : i32, i32
  }
  func.func @transform_4(%arg0: i32) -> (i32, i32) {
    %c0_i32 = arith.constant 0 : i32
    %c0_i32_0 = arith.constant 0 : i32
    %c0_i32_1 = arith.constant 0 : i32
    return %c0_i32, %c0_i32_0 : i32, i32
  }
  func.func @transform_5(%arg0: i32) -> (i32, i32, i32) {
    %c0_i32 = arith.constant 0 : i32
    %c0_i32_0 = arith.constant 0 : i32
    %c0_i32_1 = arith.constant 0 : i32
    return %arg0, %c0_i32, %c0_i32_0 : i32, i32, i32
  }
  func.func @transform_6(%arg0: i32) -> (i32, i32, i32) {
    %c0_i32 = arith.constant 0 : i32
    %c0_i32_0 = arith.constant 0 : i32
    %c0_i32_1 = arith.constant 0 : i32
    return %arg0, %c0_i32, %c0_i32_0 : i32, i32, i32
  }
}

module attributes {stable_mosaic.version = 14 : i64} {
  func.func @_topk_decode_kernel(%arg0: i32, %arg1: memref<8x1x4096xf32, #tpu.memory_space<vmem>>, %arg2: memref<1x8x4096xf32, #tpu.memory_space<vmem>>, %arg3: memref<8x128xf32, #tpu.memory_space<vmem>>, %arg4: memref<1x256x128xi32, #tpu.memory_space<vmem>>, %arg5: memref<1x1x1024xf32, #tpu.memory_space<vmem>>, %arg6: memref<1x8x128xf32, #tpu.memory_space<vmem>>, %arg7: memref<1x8x128xi32, #tpu.memory_space<vmem>>, %arg8: memref<8x128xi32, #tpu.memory_space<vmem>>) attributes {dimension_semantics = [#tpu.dimension_semantics<arbitrary>], iteration_bounds = array<i64: 8>, scalar_prefetch = 0 : i64, scratch_operands = 1 : i64, tpu.core_type = #tpu.core_type<tc>, window_params = [{pipeline_mode = #tpu.pipeline_mode<synchronous>, transform_indices = @transform_0, window_bounds = array<i64: 8, 1, 4096>}, {transform_indices = @transform_1, window_bounds = array<i64: 1, 8, 4096>}, {pipeline_mode = #tpu.pipeline_mode<synchronous>, transform_indices = @transform_2, window_bounds = array<i64: 8, 128>}, {transform_indices = @transform_3, window_bounds = array<i64: 1, 256, 128>}, {transform_indices = @transform_4, window_bounds = array<i64: 1, 1, 1024>}, {transform_indices = @transform_5, window_bounds = array<i64: 1, 8, 128>}, {transform_indices = @transform_6, window_bounds = array<i64: 1, 8, 128>}]} {
    %eq3A = arith.constant 0 : i32
    %eq3A_0 = arith.cmpi eq, %arg0, %eq3A : i32
    %convert_element_type3A = arith.extui %eq3A_0 : i1 to i32
    %cond3A = arith.constant 0 : i32
    %cond3A_1 = arith.cmpi ne, %convert_element_type3A, %cond3A : i32
    scf.if %cond3A_1 {
      %get3A_237 = arith.constant 0 : index
      %get3A_238 = arith.constant 0 : index
      %get3A_239 = arith.constant 0 : index
      %get3A_240 = vector.load %arg1[%get3A_237, %get3A_238, %get3A_239] : memref<8x1x4096xf32, #tpu.memory_space<vmem>>, vector<8x1x4096xf32>
      %get3A_241 = vector.shape_cast %get3A_240 : vector<8x1x4096xf32> to vector<8x4096xf32>
      %iota3A_242 = tpu.iota {dimensions = array<i32: 1>} : vector<1x4096xi32>
      %iota3A_243 = tpu.iota {dimensions = array<i32: 1>} : vector<1x128xi32>
      %broadcast_in_dim3A_244 = arith.constant 0.000000e+00 : f32
      %broadcast_in_dim3A_245 = vector.broadcast %broadcast_in_dim3A_244 : f32 to vector<8x128xf32>
      %broadcast_in_dim3A_246 = arith.constant -1 : i32
      %broadcast_in_dim3A_247 = vector.broadcast %broadcast_in_dim3A_246 : i32 to vector<8x128xi32>
      %scan3A = arith.constant 0 : i32
      %scan3A_248 = arith.constant 100 : i32
      %scan3A_249 = arith.addi %scan3A, %scan3A_248 : i32
      %scan3A_250 = arith.constant 1 : i32
      %scan3A_251:3 = scf.for %scan3A_259 = %scan3A to %scan3A_249 step %scan3A_250 iter_args(%scan3A_260 = %get3A_241, %scan3A_261 = %broadcast_in_dim3A_245, %scan3A_262 = %broadcast_in_dim3A_247) -> (vector<8x4096xf32>, vector<8x128xf32>, vector<8x128xi32>)  : i32 {
        %reduce_max3A = arith.constant dense<0xFF800000> : vector<8xf32>
        %reduce_max3A_263 = vector.multi_reduction <maximumf>, %scan3A_260, %reduce_max3A [1] : vector<8x4096xf32> to vector<8xf32>
        %broadcast_in_dim3A_264 = vector.shape_cast %reduce_max3A_263 : vector<8xf32> to vector<8x1xf32>
        %eq3A_265 = vector.broadcast %broadcast_in_dim3A_264 : vector<8x1xf32> to vector<8x4096xf32>
        %eq3A_266 = arith.cmpf oeq, %scan3A_260, %eq3A_265 : vector<8x4096xf32>
        %jit3A_267 = arith.constant 4096 : i32
        %broadcast_in_dim3A_268 = vector.shape_cast %iota3A_242 : vector<1x4096xi32> to vector<1x4096xi32>
        %broadcast_in_dim3A_269 = vector.broadcast %broadcast_in_dim3A_268 : vector<1x4096xi32> to vector<8x4096xi32>
        %broadcast_in_dim3A_270 = vector.broadcast %jit3A_267 : i32 to vector<8x4096xi32>
        %select_n3A_271 = arith.select %eq3A_266, %broadcast_in_dim3A_269, %broadcast_in_dim3A_270 : vector<8x4096xi1>, vector<8x4096xi32>
        %reduce_min3A = arith.constant dense<2147483647> : vector<8xi32>
        %reduce_min3A_272 = vector.multi_reduction <minsi>, %select_n3A_271, %reduce_min3A [1] : vector<8x4096xi32> to vector<8xi32>
        %broadcast_in_dim3A_273 = vector.shape_cast %reduce_min3A_272 : vector<8xi32> to vector<8x1xi32>
        %eq3A_274 = vector.broadcast %scan3A_259 : i32 to vector<1x128xi32>
        %eq3A_275 = arith.cmpi eq, %iota3A_243, %eq3A_274 : vector<1x128xi32>
        %broadcast_in_dim3A_276 = vector.shape_cast %eq3A_275 : vector<1x128xi1> to vector<1x128xi1>
        %broadcast_in_dim3A_277 = vector.broadcast %broadcast_in_dim3A_276 : vector<1x128xi1> to vector<8x128xi1>
        %broadcast_in_dim3A_278 = vector.shape_cast %broadcast_in_dim3A_264 : vector<8x1xf32> to vector<8x1xf32>
        %broadcast_in_dim3A_279 = vector.broadcast %broadcast_in_dim3A_278 : vector<8x1xf32> to vector<8x128xf32>
        %select_n3A_280 = arith.select %broadcast_in_dim3A_277, %broadcast_in_dim3A_279, %scan3A_261 : vector<8x128xi1>, vector<8x128xf32>
        %eq3A_281 = vector.broadcast %scan3A_259 : i32 to vector<1x128xi32>
        %eq3A_282 = arith.cmpi eq, %iota3A_243, %eq3A_281 : vector<1x128xi32>
        %broadcast_in_dim3A_283 = vector.shape_cast %eq3A_282 : vector<1x128xi1> to vector<1x128xi1>
        %broadcast_in_dim3A_284 = vector.broadcast %broadcast_in_dim3A_283 : vector<1x128xi1> to vector<8x128xi1>
        %broadcast_in_dim3A_285 = vector.shape_cast %broadcast_in_dim3A_273 : vector<8x1xi32> to vector<8x1xi32>
        %broadcast_in_dim3A_286 = vector.broadcast %broadcast_in_dim3A_285 : vector<8x1xi32> to vector<8x128xi32>
        %select_n3A_287 = arith.select %broadcast_in_dim3A_284, %broadcast_in_dim3A_286, %scan3A_262 : vector<8x128xi1>, vector<8x128xi32>
        %eq3A_288 = vector.broadcast %iota3A_242 : vector<1x4096xi32> to vector<8x4096xi32>
        %eq3A_289 = vector.broadcast %broadcast_in_dim3A_273 : vector<8x1xi32> to vector<8x4096xi32>
        %eq3A_290 = arith.cmpi eq, %eq3A_288, %eq3A_289 : vector<8x4096xi32>
        %jit3A_291 = arith.constant -1.000000e+00 : f32
        %broadcast_in_dim3A_292 = vector.broadcast %jit3A_291 : f32 to vector<8x4096xf32>
        %select_n3A_293 = arith.select %eq3A_290, %broadcast_in_dim3A_292, %scan3A_260 : vector<8x4096xi1>, vector<8x4096xf32>
        scf.yield %select_n3A_293, %select_n3A_280, %select_n3A_287 : vector<8x4096xf32>, vector<8x128xf32>, vector<8x128xi32>
      }
      %scan3A_252 = arith.constant 100 : i32
      %swap3A_253 = arith.constant 0 : index
      %swap3A_254 = arith.constant 0 : index
      %swap3A_255 = vector.load %arg3[%swap3A_253, %swap3A_254] : memref<8x128xf32, #tpu.memory_space<vmem>>, vector<8x128xf32>
      tpu.vector_store %arg3[%swap3A_253, %swap3A_254], %scan3A_251#1 {strides = array<i32>} : memref<8x128xf32, #tpu.memory_space<vmem>>, vector<8x128xf32>,
      %swap3A_256 = arith.constant 0 : index
      %swap3A_257 = arith.constant 0 : index
      %swap3A_258 = vector.load %arg8[%swap3A_256, %swap3A_257] : memref<8x128xi32, #tpu.memory_space<vmem>>, vector<8x128xi32>
      tpu.vector_store %arg8[%swap3A_256, %swap3A_257], %scan3A_251#2 {strides = array<i32>} : memref<8x128xi32, #tpu.memory_space<vmem>>, vector<8x128xi32>,
    } else {
    }
    %get3A = arith.index_cast %arg0 : i32 to index
    %get3A_2 = arith.constant 0 : index
    %get3A_3 = vector.load %arg8[%get3A, %get3A_2] : memref<8x128xi32, #tpu.memory_space<vmem>>, vector<1x128xi32>
    %iota3A = tpu.iota {dimensions = array<i32: 0>} : vector<4096x1xi32>
    %eq3A_4 = vector.broadcast %iota3A : vector<4096x1xi32> to vector<4096x128xi32>
    %eq3A_5 = vector.broadcast %get3A_3 : vector<1x128xi32> to vector<4096x128xi32>
    %eq3A_6 = arith.cmpi eq, %eq3A_4, %eq3A_5 : vector<4096x128xi32>
    %convert_element_type3A_7 = arith.extui %eq3A_6 : vector<4096x128xi1> to vector<4096x128xi32>
    %convert_element_type3A_8 = arith.sitofp %convert_element_type3A_7 : vector<4096x128xi32> to vector<4096x128xf32>
    %iota3A_9 = tpu.iota {dimensions = array<i32: 0>} : vector<256x1xi32>
    %max3A = arith.constant 0 : i32
    %max3A_10 = vector.broadcast %max3A : i32 to vector<1x128xi32>
    %max3A_11 = arith.maxsi %get3A_3, %max3A_10 : vector<1x128xi32>
    %shift_right_arithmetic3A = arith.constant 3 : i32
    %shift_right_arithmetic3A_12 = vector.broadcast %shift_right_arithmetic3A : i32 to vector<1x128xi32>
    %shift_right_arithmetic3A_13 = arith.shrsi %max3A_11, %shift_right_arithmetic3A_12 : vector<1x128xi32>
    %mul3A = arith.constant 131072 : i32
    %mul3A_14 = arith.muli %arg0, %mul3A : i32
    %add3A = vector.broadcast %mul3A_14 : i32 to vector<1x128xi32>
    %add3A_15 = arith.addi %shift_right_arithmetic3A_13, %add3A : vector<1x128xi32>
    %mul3A_16 = arith.constant 512 : i32
    %mul3A_17 = vector.broadcast %mul3A_16 : i32 to vector<256x1xi32>
    %mul3A_18 = arith.muli %iota3A_9, %mul3A_17 : vector<256x1xi32>
    %add3A_19 = vector.broadcast %add3A_15 : vector<1x128xi32> to vector<256x128xi32>
    %add3A_20 = vector.broadcast %mul3A_18 : vector<256x1xi32> to vector<256x128xi32>
    %add3A_21 = arith.addi %add3A_19, %add3A_20 : vector<256x128xi32>
    %swap3A = arith.constant 0 : index
    %swap3A_22 = arith.constant 0 : index
    %swap3A_23 = arith.constant 0 : index
    %swap3A_24 = vector.load %arg4[%swap3A, %swap3A_22, %swap3A_23] : memref<1x256x128xi32, #tpu.memory_space<vmem>>, vector<1x256x128xi32>
    %swap3A_25 = vector.shape_cast %swap3A_24 : vector<1x256x128xi32> to vector<256x128xi32>
    %swap3A_26 = vector.shape_cast %add3A_21 : vector<256x128xi32> to vector<1x256x128xi32>
    tpu.vector_store %arg4[%swap3A, %swap3A_22, %swap3A_23], %swap3A_26 {strides = array<i32>} : memref<1x256x128xi32, #tpu.memory_space<vmem>>, vector<1x256x128xi32>,
    %iota3A_27 = tpu.iota {dimensions = array<i32: 1>} : vector<1x1024xi32>
    %iota3A_28 = tpu.iota {dimensions = array<i32: 0>} : vector<128x1xi32>
    %shift_right_arithmetic3A_29 = arith.constant 3 : i32
    %shift_right_arithmetic3A_30 = vector.broadcast %shift_right_arithmetic3A_29 : i32 to vector<1x1024xi32>
    %shift_right_arithmetic3A_31 = arith.shrsi %iota3A_27, %shift_right_arithmetic3A_30 : vector<1x1024xi32>
    %eq3A_32 = vector.broadcast %shift_right_arithmetic3A_31 : vector<1x1024xi32> to vector<128x1024xi32>
    %eq3A_33 = vector.broadcast %iota3A_28 : vector<128x1xi32> to vector<128x1024xi32>
    %eq3A_34 = arith.cmpi eq, %eq3A_32, %eq3A_33 : vector<128x1024xi32>
    %convert_element_type3A_35 = arith.extui %eq3A_34 : vector<128x1024xi1> to vector<128x1024xi32>
    %convert_element_type3A_36 = arith.sitofp %convert_element_type3A_35 : vector<128x1024xi32> to vector<128x1024xf32>
    %jit3A = arith.constant 8 : i32
    %eq3A_37 = arith.constant 0 : i32
    %eq3A_38 = arith.cmpi eq, %jit3A, %eq3A_37 : i32
    %jit3A_39 = arith.constant 1 : i32
    %select_n3A = arith.select %eq3A_38, %jit3A_39, %jit3A : i32
    %rem3A = vector.broadcast %select_n3A : i32 to vector<1x128xi32>
    %rem3A_40 = arith.remsi %get3A_3, %rem3A : vector<1x128xi32>
    %ne3A = arith.constant 0 : i32
    %ne3A_41 = vector.broadcast %ne3A : i32 to vector<1x128xi32>
    %ne3A_42 = arith.cmpi ne, %rem3A_40, %ne3A_41 : vector<1x128xi32>
    %lt3A = arith.constant 0 : i32
    %lt3A_43 = vector.broadcast %lt3A : i32 to vector<1x128xi32>
    %lt3A_44 = arith.cmpi slt, %rem3A_40, %lt3A_43 : vector<1x128xi32>
    %lt3A_45 = arith.constant 0 : i32
    %lt3A_46 = arith.cmpi slt, %select_n3A, %lt3A_45 : i32
    %ne3A_47 = vector.broadcast %lt3A_46 : i1 to vector<1x128xi1>
    %ne3A_48 = vector.broadcast %ne3A_47 : vector<1x128xi1> to vector<1x128xi1>
    %ne3A_49 = arith.xori %lt3A_44, %ne3A_48 : vector<1x128xi1>
    %and3A = arith.andi %ne3A_49, %ne3A_42 : vector<1x128xi1>
    %add3A_50 = vector.broadcast %select_n3A : i32 to vector<1x128xi32>
    %add3A_51 = arith.addi %rem3A_40, %add3A_50 : vector<1x128xi32>
    %select_n3A_52 = arith.select %and3A, %add3A_51, %rem3A_40 : vector<1x128xi1>, vector<1x128xi32>
    %convert_element_type3A_53 = arith.sitofp %select_n3A_52 : vector<1x128xi32> to vector<1x128xf32>
    %dot_general3A = arith.constant dense<0.000000e+00> : vector<1x1024xf32>
    %dot_general3A_54 = tpu.matmul %convert_element_type3A_53, %convert_element_type3A_36, %dot_general3A {dimension_numbers = #tpu.dot_dimension_numbers<[1], [0], [0], [1], [0, 0, 1, 1], [], []>, transpose_lhs_hint = false} : vector<1x128xf32>, vector<128x1024xf32>, vector<1x1024xf32> -> vector<1x1024xf32>
    %jit3A_55 = arith.constant 8 : i32
    %eq3A_56 = arith.constant 0 : i32
    %eq3A_57 = arith.cmpi eq, %jit3A_55, %eq3A_56 : i32
    %jit3A_58 = arith.constant 1 : i32
    %select_n3A_59 = arith.select %eq3A_57, %jit3A_58, %jit3A_55 : i32
    %rem3A_60 = vector.broadcast %select_n3A_59 : i32 to vector<1x1024xi32>
    %rem3A_61 = arith.remsi %iota3A_27, %rem3A_60 : vector<1x1024xi32>
    %ne3A_62 = arith.constant 0 : i32
    %ne3A_63 = vector.broadcast %ne3A_62 : i32 to vector<1x1024xi32>
    %ne3A_64 = arith.cmpi ne, %rem3A_61, %ne3A_63 : vector<1x1024xi32>
    %lt3A_65 = arith.constant 0 : i32
    %lt3A_66 = vector.broadcast %lt3A_65 : i32 to vector<1x1024xi32>
    %lt3A_67 = arith.cmpi slt, %rem3A_61, %lt3A_66 : vector<1x1024xi32>
    %lt3A_68 = arith.constant 0 : i32
    %lt3A_69 = arith.cmpi slt, %select_n3A_59, %lt3A_68 : i32
    %ne3A_70 = vector.broadcast %lt3A_69 : i1 to vector<1x1024xi1>
    %ne3A_71 = vector.broadcast %ne3A_70 : vector<1x1024xi1> to vector<1x1024xi1>
    %ne3A_72 = arith.xori %lt3A_67, %ne3A_71 : vector<1x1024xi1>
    %and3A_73 = arith.andi %ne3A_72, %ne3A_64 : vector<1x1024xi1>
    %add3A_74 = vector.broadcast %select_n3A_59 : i32 to vector<1x1024xi32>
    %add3A_75 = arith.addi %rem3A_61, %add3A_74 : vector<1x1024xi32>
    %select_n3A_76 = arith.select %and3A_73, %add3A_75, %rem3A_61 : vector<1x1024xi1>, vector<1x1024xi32>
    %convert_element_type3A_77 = arith.sitofp %select_n3A_76 : vector<1x1024xi32> to vector<1x1024xf32>
    %eq3A_78 = arith.cmpf oeq, %dot_general3A_54, %convert_element_type3A_77 : vector<1x1024xf32>
    %convert_element_type3A_79 = arith.extui %eq3A_78 : vector<1x1024xi1> to vector<1x1024xi32>
    %convert_element_type3A_80 = arith.sitofp %convert_element_type3A_79 : vector<1x1024xi32> to vector<1x1024xf32>
    %swap3A_81 = arith.constant 0 : index
    %swap3A_82 = arith.constant 0 : index
    %swap3A_83 = arith.constant 0 : index
    %swap3A_84 = vector.load %arg5[%swap3A_81, %swap3A_82, %swap3A_83] : memref<1x1x1024xf32, #tpu.memory_space<vmem>>, vector<1x1x1024xf32>
    %swap3A_85 = vector.shape_cast %swap3A_84 : vector<1x1x1024xf32> to vector<1x1024xf32>
    %swap3A_86 = vector.shape_cast %convert_element_type3A_80 : vector<1x1024xf32> to vector<1x1x1024xf32>
    tpu.vector_store %arg5[%swap3A_81, %swap3A_82, %swap3A_83], %swap3A_86 {strides = array<i32>} : memref<1x1x1024xf32, #tpu.memory_space<vmem>>, vector<1x1x1024xf32>,
    %get3A_87 = arith.constant 0 : index
    %get3A_88 = arith.constant 0 : index
    %get3A_89 = arith.constant 0 : index
    %get3A_90 = vector.load %arg2[%get3A_87, %get3A_88, %get3A_89] : memref<1x8x4096xf32, #tpu.memory_space<vmem>>, vector<1x8x4096xf32>
    %get3A_91 = vector.shape_cast %get3A_90 : vector<1x8x4096xf32> to vector<8x4096xf32>
    %dot_general3A_92 = arith.constant dense<0.000000e+00> : vector<8x128xf32>
    %dot_general3A_93 = tpu.matmul %get3A_91, %convert_element_type3A_8, %dot_general3A_92 {dimension_numbers = #tpu.dot_dimension_numbers<[1], [0], [0], [1], [0, 0, 1, 1], [], []>, transpose_lhs_hint = false} : vector<8x4096xf32>, vector<4096x128xf32>, vector<8x128xf32> -> vector<8x128xf32>
    %jit3A_94 = arith.constant 64 : i32
    %eq3A_95 = arith.constant 0 : i32
    %eq3A_96 = arith.cmpi eq, %jit3A_94, %eq3A_95 : i32
    %jit3A_97 = arith.constant 1 : i32
    %select_n3A_98 = arith.select %eq3A_96, %jit3A_97, %jit3A_94 : i32
    %rem3A_99 = vector.broadcast %select_n3A_98 : i32 to vector<1x128xi32>
    %rem3A_100 = arith.remsi %get3A_3, %rem3A_99 : vector<1x128xi32>
    %ne3A_101 = arith.constant 0 : i32
    %ne3A_102 = vector.broadcast %ne3A_101 : i32 to vector<1x128xi32>
    %ne3A_103 = arith.cmpi ne, %rem3A_100, %ne3A_102 : vector<1x128xi32>
    %lt3A_104 = arith.constant 0 : i32
    %lt3A_105 = vector.broadcast %lt3A_104 : i32 to vector<1x128xi32>
    %lt3A_106 = arith.cmpi slt, %rem3A_100, %lt3A_105 : vector<1x128xi32>
    %lt3A_107 = arith.constant 0 : i32
    %lt3A_108 = arith.cmpi slt, %select_n3A_98, %lt3A_107 : i32
    %ne3A_109 = vector.broadcast %lt3A_108 : i1 to vector<1x128xi1>
    %ne3A_110 = vector.broadcast %ne3A_109 : vector<1x128xi1> to vector<1x128xi1>
    %ne3A_111 = arith.xori %lt3A_106, %ne3A_110 : vector<1x128xi1>
    %and3A_112 = arith.andi %ne3A_111, %ne3A_103 : vector<1x128xi1>
    %add3A_113 = vector.broadcast %select_n3A_98 : i32 to vector<1x128xi32>
    %add3A_114 = arith.addi %rem3A_100, %add3A_113 : vector<1x128xi32>
    %select_n3A_115 = arith.select %and3A_112, %add3A_114, %rem3A_100 : vector<1x128xi1>, vector<1x128xi32>
    %jit3A_116 = arith.constant 64 : i32
    %div3A = vector.broadcast %jit3A_116 : i32 to vector<1x128xi32>
    %div3A_117 = arith.divsi %get3A_3, %div3A : vector<1x128xi32>
    %sign3A = arith.constant 0 : i32
    %sign3A_118 = vector.broadcast %sign3A : i32 to vector<1x128xi32>
    %sign3A_119 = arith.cmpi sgt, %get3A_3, %sign3A_118 : vector<1x128xi32>
    %sign3A_120 = arith.extui %sign3A_119 : vector<1x128xi1> to vector<1x128xi32>
    %sign3A_121 = arith.constant 0 : i32
    %sign3A_122 = vector.broadcast %sign3A_121 : i32 to vector<1x128xi32>
    %sign3A_123 = arith.cmpi slt, %get3A_3, %sign3A_122 : vector<1x128xi32>
    %sign3A_124 = arith.extui %sign3A_123 : vector<1x128xi1> to vector<1x128xi32>
    %sign3A_125 = arith.subi %sign3A_120, %sign3A_124 : vector<1x128xi32>
    %sign3A_126 = arith.constant 0 : i32
    %sign3A_127 = arith.cmpi sgt, %jit3A_116, %sign3A_126 : i32
    %sign3A_128 = arith.extui %sign3A_127 : i1 to i32
    %sign3A_129 = arith.constant 0 : i32
    %sign3A_130 = arith.cmpi slt, %jit3A_116, %sign3A_129 : i32
    %sign3A_131 = arith.extui %sign3A_130 : i1 to i32
    %sign3A_132 = arith.subi %sign3A_128, %sign3A_131 : i32
    %ne3A_133 = vector.broadcast %sign3A_132 : i32 to vector<1x128xi32>
    %ne3A_134 = arith.cmpi ne, %sign3A_125, %ne3A_133 : vector<1x128xi32>
    %rem3A_135 = vector.broadcast %jit3A_116 : i32 to vector<1x128xi32>
    %rem3A_136 = arith.remsi %get3A_3, %rem3A_135 : vector<1x128xi32>
    %ne3A_137 = arith.constant 0 : i32
    %ne3A_138 = vector.broadcast %ne3A_137 : i32 to vector<1x128xi32>
    %ne3A_139 = arith.cmpi ne, %rem3A_136, %ne3A_138 : vector<1x128xi32>
    %and3A_140 = arith.andi %ne3A_134, %ne3A_139 : vector<1x128xi1>
    %sub3A = arith.constant 1 : i32
    %sub3A_141 = vector.broadcast %sub3A : i32 to vector<1x128xi32>
    %sub3A_142 = arith.subi %div3A_117, %sub3A_141 : vector<1x128xi32>
    %select_n3A_143 = arith.select %and3A_140, %sub3A_142, %div3A_117 : vector<1x128xi1>, vector<1x128xi32>
    %slice3A = vector.extract_strided_slice %dot_general3A_93 {offsets = [1, 0], sizes = [1, 128], strides = [1, 1]} : vector<8x128xf32> to vector<1x128xf32>
    %slice3A_144 = vector.extract_strided_slice %dot_general3A_93 {offsets = [2, 0], sizes = [1, 128], strides = [1, 1]} : vector<8x128xf32> to vector<1x128xf32>
    %slice3A_145 = vector.extract_strided_slice %dot_general3A_93 {offsets = [3, 0], sizes = [1, 128], strides = [1, 1]} : vector<8x128xf32> to vector<1x128xf32>
    %slice3A_146 = vector.extract_strided_slice %dot_general3A_93 {offsets = [4, 0], sizes = [1, 128], strides = [1, 1]} : vector<8x128xf32> to vector<1x128xf32>
    %convert_element_type3A_147 = arith.sitofp %select_n3A_115 : vector<1x128xi32> to vector<1x128xf32>
    %mul3A_148 = arith.constant 8.000000e+00 : f32
    %mul3A_149 = vector.broadcast %mul3A_148 : f32 to vector<1x128xf32>
    %mul3A_150 = arith.mulf %convert_element_type3A_147, %mul3A_149 : vector<1x128xf32>
    %mul3A_151 = arith.constant 8.000000e+00 : f32
    %mul3A_152 = vector.broadcast %mul3A_151 : f32 to vector<1x128xf32>
    %mul3A_153 = arith.mulf %slice3A, %mul3A_152 : vector<1x128xf32>
    %add3A_154 = arith.addf %mul3A_150, %mul3A_153 : vector<1x128xf32>
    %convert_element_type3A_155 = arith.sitofp %select_n3A_143 : vector<1x128xi32> to vector<1x128xf32>
    %mul3A_156 = arith.constant 8.000000e+00 : f32
    %mul3A_157 = vector.broadcast %mul3A_156 : f32 to vector<1x128xf32>
    %mul3A_158 = arith.mulf %convert_element_type3A_155, %mul3A_157 : vector<1x128xf32>
    %mul3A_159 = arith.constant 8.000000e+00 : f32
    %mul3A_160 = vector.broadcast %mul3A_159 : f32 to vector<1x128xf32>
    %mul3A_161 = arith.mulf %slice3A_144, %mul3A_160 : vector<1x128xf32>
    %add3A_162 = arith.addf %mul3A_158, %mul3A_161 : vector<1x128xf32>
    %exp3A = math.exp %slice3A_145 : vector<1x128xf32>
    %mul3A_163 = arith.constant 8.000000e+00 : f32
    %mul3A_164 = vector.broadcast %mul3A_163 : f32 to vector<1x128xf32>
    %mul3A_165 = arith.mulf %exp3A, %mul3A_164 : vector<1x128xf32>
    %exp3A_166 = math.exp %slice3A_146 : vector<1x128xf32>
    %mul3A_167 = arith.constant 8.000000e+00 : f32
    %mul3A_168 = vector.broadcast %mul3A_167 : f32 to vector<1x128xf32>
    %mul3A_169 = arith.mulf %exp3A_166, %mul3A_168 : vector<1x128xf32>
    %mul3A_170 = arith.constant 5.000000e-01 : f32
    %mul3A_171 = vector.broadcast %mul3A_170 : f32 to vector<1x128xf32>
    %mul3A_172 = arith.mulf %mul3A_165, %mul3A_171 : vector<1x128xf32>
    %sub3A_173 = arith.subf %add3A_154, %mul3A_172 : vector<1x128xf32>
    %swap3A_174 = arith.constant 0 : index
    %swap3A_175 = arith.constant 0 : index
    %swap3A_176 = arith.constant 0 : index
    %swap3A_177 = vector.load %arg6[%swap3A_174, %swap3A_175, %swap3A_176] : memref<1x8x128xf32, #tpu.memory_space<vmem>>, vector<1x1x128xf32>
    %swap3A_178 = vector.shape_cast %swap3A_177 : vector<1x1x128xf32> to vector<1x128xf32>
    %swap3A_179 = vector.shape_cast %sub3A_173 : vector<1x128xf32> to vector<1x1x128xf32>
    tpu.vector_store %arg6[%swap3A_174, %swap3A_175, %swap3A_176], %swap3A_179 {strides = array<i32>} : memref<1x8x128xf32, #tpu.memory_space<vmem>>, vector<1x1x128xf32>,
    %mul3A_180 = arith.constant 5.000000e-01 : f32
    %mul3A_181 = vector.broadcast %mul3A_180 : f32 to vector<1x128xf32>
    %mul3A_182 = arith.mulf %mul3A_169, %mul3A_181 : vector<1x128xf32>
    %sub3A_183 = arith.subf %add3A_162, %mul3A_182 : vector<1x128xf32>
    %swap3A_184 = arith.constant 0 : index
    %swap3A_185 = arith.constant 1 : index
    %swap3A_186 = arith.constant 0 : index
    %swap3A_187 = vector.load %arg6[%swap3A_184, %swap3A_185, %swap3A_186] : memref<1x8x128xf32, #tpu.memory_space<vmem>>, vector<1x1x128xf32>
    %swap3A_188 = vector.shape_cast %swap3A_187 : vector<1x1x128xf32> to vector<1x128xf32>
    %swap3A_189 = vector.shape_cast %sub3A_183 : vector<1x128xf32> to vector<1x1x128xf32>
    tpu.vector_store %arg6[%swap3A_184, %swap3A_185, %swap3A_186], %swap3A_189 {strides = array<i32>} : memref<1x8x128xf32, #tpu.memory_space<vmem>>, vector<1x1x128xf32>,
    %mul3A_190 = arith.constant 5.000000e-01 : f32
    %mul3A_191 = vector.broadcast %mul3A_190 : f32 to vector<1x128xf32>
    %mul3A_192 = arith.mulf %mul3A_165, %mul3A_191 : vector<1x128xf32>
    %add3A_193 = arith.addf %add3A_154, %mul3A_192 : vector<1x128xf32>
    %swap3A_194 = arith.constant 0 : index
    %swap3A_195 = arith.constant 2 : index
    %swap3A_196 = arith.constant 0 : index
    %swap3A_197 = vector.load %arg6[%swap3A_194, %swap3A_195, %swap3A_196] : memref<1x8x128xf32, #tpu.memory_space<vmem>>, vector<1x1x128xf32>
    %swap3A_198 = vector.shape_cast %swap3A_197 : vector<1x1x128xf32> to vector<1x128xf32>
    %swap3A_199 = vector.shape_cast %add3A_193 : vector<1x128xf32> to vector<1x1x128xf32>
    tpu.vector_store %arg6[%swap3A_194, %swap3A_195, %swap3A_196], %swap3A_199 {strides = array<i32>} : memref<1x8x128xf32, #tpu.memory_space<vmem>>, vector<1x1x128xf32>,
    %mul3A_200 = arith.constant 5.000000e-01 : f32
    %mul3A_201 = vector.broadcast %mul3A_200 : f32 to vector<1x128xf32>
    %mul3A_202 = arith.mulf %mul3A_169, %mul3A_201 : vector<1x128xf32>
    %add3A_203 = arith.addf %add3A_162, %mul3A_202 : vector<1x128xf32>
    %swap3A_204 = arith.constant 0 : index
    %swap3A_205 = arith.constant 3 : index
    %swap3A_206 = arith.constant 0 : index
    %swap3A_207 = vector.load %arg6[%swap3A_204, %swap3A_205, %swap3A_206] : memref<1x8x128xf32, #tpu.memory_space<vmem>>, vector<1x1x128xf32>
    %swap3A_208 = vector.shape_cast %swap3A_207 : vector<1x1x128xf32> to vector<1x128xf32>
    %swap3A_209 = vector.shape_cast %add3A_203 : vector<1x128xf32> to vector<1x1x128xf32>
    tpu.vector_store %arg6[%swap3A_204, %swap3A_205, %swap3A_206], %swap3A_209 {strides = array<i32>} : memref<1x8x128xf32, #tpu.memory_space<vmem>>, vector<1x1x128xf32>,
    %broadcast_in_dim3A = arith.constant 0.000000e+00 : f32
    %broadcast_in_dim3A_210 = vector.broadcast %broadcast_in_dim3A : f32 to vector<4x128xf32>
    %swap3A_211 = arith.constant 0 : index
    %swap3A_212 = arith.constant 4 : index
    %swap3A_213 = arith.constant 0 : index
    %swap3A_214 = vector.load %arg6[%swap3A_211, %swap3A_212, %swap3A_213] : memref<1x8x128xf32, #tpu.memory_space<vmem>>, vector<1x4x128xf32>
    %swap3A_215 = vector.shape_cast %swap3A_214 : vector<1x4x128xf32> to vector<4x128xf32>
    %swap3A_216 = vector.shape_cast %broadcast_in_dim3A_210 : vector<4x128xf32> to vector<1x4x128xf32>
    tpu.vector_store %arg6[%swap3A_211, %swap3A_212, %swap3A_213], %swap3A_216 {strides = array<i32>} : memref<1x8x128xf32, #tpu.memory_space<vmem>>, vector<1x4x128xf32>,
    %swap3A_217 = arith.constant 0 : index
    %swap3A_218 = arith.constant 0 : index
    %swap3A_219 = arith.constant 0 : index
    %swap3A_220 = vector.load %arg7[%swap3A_217, %swap3A_218, %swap3A_219] : memref<1x8x128xi32, #tpu.memory_space<vmem>>, vector<1x1x128xi32>
    %swap3A_221 = vector.shape_cast %swap3A_220 : vector<1x1x128xi32> to vector<1x128xi32>
    %swap3A_222 = vector.shape_cast %select_n3A_115 : vector<1x128xi32> to vector<1x1x128xi32>
    tpu.vector_store %arg7[%swap3A_217, %swap3A_218, %swap3A_219], %swap3A_222 {strides = array<i32>} : memref<1x8x128xi32, #tpu.memory_space<vmem>>, vector<1x1x128xi32>,
    %swap3A_223 = arith.constant 0 : index
    %swap3A_224 = arith.constant 1 : index
    %swap3A_225 = arith.constant 0 : index
    %swap3A_226 = vector.load %arg7[%swap3A_223, %swap3A_224, %swap3A_225] : memref<1x8x128xi32, #tpu.memory_space<vmem>>, vector<1x1x128xi32>
    %swap3A_227 = vector.shape_cast %swap3A_226 : vector<1x1x128xi32> to vector<1x128xi32>
    %swap3A_228 = vector.shape_cast %select_n3A_143 : vector<1x128xi32> to vector<1x1x128xi32>
    tpu.vector_store %arg7[%swap3A_223, %swap3A_224, %swap3A_225], %swap3A_228 {strides = array<i32>} : memref<1x8x128xi32, #tpu.memory_space<vmem>>, vector<1x1x128xi32>,
    %broadcast_in_dim3A_229 = arith.constant 0 : i32
    %broadcast_in_dim3A_230 = vector.broadcast %broadcast_in_dim3A_229 : i32 to vector<6x128xi32>
    %swap3A_231 = arith.constant 0 : index
    %swap3A_232 = arith.constant 2 : index
    %swap3A_233 = arith.constant 0 : index
    %swap3A_234 = vector.load %arg7[%swap3A_231, %swap3A_232, %swap3A_233] : memref<1x8x128xi32, #tpu.memory_space<vmem>>, vector<1x6x128xi32>
    %swap3A_235 = vector.shape_cast %swap3A_234 : vector<1x6x128xi32> to vector<6x128xi32>
    %swap3A_236 = vector.shape_cast %broadcast_in_dim3A_230 : vector<6x128xi32> to vector<1x6x128xi32>
    tpu.vector_store %arg7[%swap3A_231, %swap3A_232, %swap3A_233], %swap3A_236 {strides = array<i32>} : memref<1x8x128xi32, #tpu.memory_space<vmem>>, vector<1x6x128xi32>,
    return
  }
  func.func @transform_0(%arg0: i32) -> (i32, i32, i32) {
    %c0_i32 = arith.constant 0 : i32
    %c0_i32_0 = arith.constant 0 : i32
    %c0_i32_1 = arith.constant 0 : i32
    %c0_i32_2 = arith.constant 0 : i32
    return %c0_i32, %c0_i32_0, %c0_i32_1 : i32, i32, i32
  }
  func.func @transform_1(%arg0: i32) -> (i32, i32, i32) {
    %c0_i32 = arith.constant 0 : i32
    %c0_i32_0 = arith.constant 0 : i32
    %c0_i32_1 = arith.constant 0 : i32
    return %arg0, %c0_i32, %c0_i32_0 : i32, i32, i32
  }
  func.func @transform_2(%arg0: i32) -> (i32, i32) {
    %c0_i32 = arith.constant 0 : i32
    %c0_i32_0 = arith.constant 0 : i32
    %c0_i32_1 = arith.constant 0 : i32
    return %c0_i32, %c0_i32_0 : i32, i32
  }
  func.func @transform_3(%arg0: i32) -> (i32, i32, i32) {
    %c0_i32 = arith.constant 0 : i32
    %c0_i32_0 = arith.constant 0 : i32
    %c0_i32_1 = arith.constant 0 : i32
    return %arg0, %c0_i32, %c0_i32_0 : i32, i32, i32
  }
  func.func @transform_4(%arg0: i32) -> (i32, i32, i32) {
    %c0_i32 = arith.constant 0 : i32
    %c0_i32_0 = arith.constant 0 : i32
    %c0_i32_1 = arith.constant 0 : i32
    return %arg0, %c0_i32, %c0_i32_0 : i32, i32, i32
  }
  func.func @transform_5(%arg0: i32) -> (i32, i32, i32) {
    %c0_i32 = arith.constant 0 : i32
    %c0_i32_0 = arith.constant 0 : i32
    %c0_i32_1 = arith.constant 0 : i32
    return %arg0, %c0_i32, %c0_i32_0 : i32, i32, i32
  }
  func.func @transform_6(%arg0: i32) -> (i32, i32, i32) {
    %c0_i32 = arith.constant 0 : i32
    %c0_i32_0 = arith.constant 0 : i32
    %c0_i32_1 = arith.constant 0 : i32
    return %arg0, %c0_i32, %c0_i32_0 : i32, i32, i32
  }
}

module attributes {stable_mosaic.version = 14 : i64} {
  func.func @_select_kernel(%arg0: i32, %arg1: memref<1x256x1024xf32, #tpu.memory_space<vmem>>, %arg2: memref<1x1x1024xf32, #tpu.memory_space<vmem>>, %arg3: memref<1x256x128xf32, #tpu.memory_space<vmem>>) attributes {dimension_semantics = [#tpu.dimension_semantics<arbitrary>], iteration_bounds = array<i64: 8>, scalar_prefetch = 0 : i64, scratch_operands = 0 : i64, tpu.core_type = #tpu.core_type<tc>, window_params = [{transform_indices = @transform_0, window_bounds = array<i64: 1, 256, 1024>}, {transform_indices = @transform_1, window_bounds = array<i64: 1, 1, 1024>}, {transform_indices = @transform_2, window_bounds = array<i64: 1, 256, 128>}]} {
    %get3A = arith.constant 0 : index
    %get3A_0 = arith.constant 0 : index
    %get3A_1 = arith.constant 0 : index
    %get3A_2 = vector.load %arg1[%get3A, %get3A_0, %get3A_1] : memref<1x256x1024xf32, #tpu.memory_space<vmem>>, vector<1x256x1024xf32>
    %get3A_3 = vector.shape_cast %get3A_2 : vector<1x256x1024xf32> to vector<256x1024xf32>
    %get3A_4 = arith.constant 0 : index
    %get3A_5 = arith.constant 0 : index
    %get3A_6 = arith.constant 0 : index
    %get3A_7 = vector.load %arg2[%get3A_4, %get3A_5, %get3A_6] : memref<1x1x1024xf32, #tpu.memory_space<vmem>>, vector<1x1x1024xf32>
    %get3A_8 = vector.shape_cast %get3A_7 : vector<1x1x1024xf32> to vector<1x1024xf32>
    %mul3A = vector.broadcast %get3A_8 : vector<1x1024xf32> to vector<256x1024xf32>
    %mul3A_9 = arith.mulf %get3A_3, %mul3A : vector<256x1024xf32>
    %iota3A = tpu.iota {dimensions = array<i32: 0>} : vector<1024x1xi32>
    %iota3A_10 = tpu.iota {dimensions = array<i32: 1>} : vector<1x128xi32>
    %shift_right_arithmetic3A = arith.constant 3 : i32
    %shift_right_arithmetic3A_11 = vector.broadcast %shift_right_arithmetic3A : i32 to vector<1024x1xi32>
    %shift_right_arithmetic3A_12 = arith.shrsi %iota3A, %shift_right_arithmetic3A_11 : vector<1024x1xi32>
    %eq3A = vector.broadcast %shift_right_arithmetic3A_12 : vector<1024x1xi32> to vector<1024x128xi32>
    %eq3A_13 = vector.broadcast %iota3A_10 : vector<1x128xi32> to vector<1024x128xi32>
    %eq3A_14 = arith.cmpi eq, %eq3A, %eq3A_13 : vector<1024x128xi32>
    %convert_element_type3A = arith.extui %eq3A_14 : vector<1024x128xi1> to vector<1024x128xi32>
    %convert_element_type3A_15 = arith.sitofp %convert_element_type3A : vector<1024x128xi32> to vector<1024x128xf32>
    %dot_general3A = arith.constant dense<0.000000e+00> : vector<256x128xf32>
    %dot_general3A_16 = tpu.matmul %mul3A_9, %convert_element_type3A_15, %dot_general3A {dimension_numbers = #tpu.dot_dimension_numbers<[1], [0], [0], [1], [0, 0, 1, 1], [], []>, transpose_lhs_hint = false} : vector<256x1024xf32>, vector<1024x128xf32>, vector<256x128xf32> -> vector<256x128xf32>
    %swap3A = arith.constant 0 : index
    %swap3A_17 = arith.constant 0 : index
    %swap3A_18 = arith.constant 0 : index
    %swap3A_19 = vector.load %arg3[%swap3A, %swap3A_17, %swap3A_18] : memref<1x256x128xf32, #tpu.memory_space<vmem>>, vector<1x256x128xf32>
    %swap3A_20 = vector.shape_cast %swap3A_19 : vector<1x256x128xf32> to vector<256x128xf32>
    %swap3A_21 = vector.shape_cast %dot_general3A_16 : vector<256x128xf32> to vector<1x256x128xf32>
    tpu.vector_store %arg3[%swap3A, %swap3A_17, %swap3A_18], %swap3A_21 {strides = array<i32>} : memref<1x256x128xf32, #tpu.memory_space<vmem>>, vector<1x256x128xf32>,
    return
  }
  func.func @transform_0(%arg0: i32) -> (i32, i32, i32) {
    %c0_i32 = arith.constant 0 : i32
    %c0_i32_0 = arith.constant 0 : i32
    %c0_i32_1 = arith.constant 0 : i32
    return %arg0, %c0_i32, %c0_i32_0 : i32, i32, i32
  }
  func.func @transform_1(%arg0: i32) -> (i32, i32, i32) {
    %c0_i32 = arith.constant 0 : i32
    %c0_i32_0 = arith.constant 0 : i32
    %c0_i32_1 = arith.constant 0 : i32
    return %arg0, %c0_i32, %c0_i32_0 : i32, i32, i32
  }
  func.func @transform_2(%arg0: i32) -> (i32, i32, i32) {
    %c0_i32 = arith.constant 0 : i32
    %c0_i32_0 = arith.constant 0 : i32
    %c0_i32_1 = arith.constant 0 : i32
    return %arg0, %c0_i32, %c0_i32_0 : i32, i32, i32
  }
}

</mosaic_0001>

<sc_bundles>
// kernel: kernel.6.cloned.1.call-start
scs
__scs_entry_jumppad:
0x0: {  	(pc) =	sbr.rel $0x88, $3  }
0x1: {  	(tag) =	ssettag $0x0;
	lr =	simm.s32 $0x1  }
0x2: {  	[smem:$0x3F98] =	sst lr;
	_ =	strace $0xD0000000  }
0x3: {  	_ = 	snop  }
0x4: {  	_ = 	snop  }
0x5: {  	_ = 	snop  }
0x6: {  	_ = 	snop  }
0x7: {  	_ = 	snop  }
__scs_overlays_trampoline_lowered:
0x8: {  	[smem:$0x3FA7] =	sst s0  }
0x9: {  	[smem:$0x3FA8] =	sst s1  }
0xa: {  	[smem:$0x3FA9] =	sst s2  }
0xb: {  	[smem:$0x3FAA] =	sst s3  }
0xc: {  	[smem:$0x3FAB] =	sst s4  }
0xd: {  	[smem:$0x3FAC] =	sst s5  }
0xe: {  	[smem:$0x3FAD] =	sst s6  }
0xf: {  	[smem:$0x3FAE] =	sst s7  }
0x10: {  	[smem:$0x3FAF] =	sst s8  }
0x11: {  	[smem:$0x3FB0] =	sst s9;
	s0 =	simm.s32 @!p0 $0x0  }
0x12: {  	s1 =	sld [smem:$0x3F96];
	s0 =	simm.s32 @p0 $0x1  }
0x13: {  	[smem:$0x3FB1] =	sst s0;
	s0 =	simm.s32 @!p1 $0x0  }
0x14: {  	s2 =	sld [smem:$0x3F95];
	s0 =	simm.s32 @p1 $0x1  }
0x15: {  	[smem:$0x3FB2] =	sst s0;
	s0 =	simm.s32 @!p2 $0x0  }
0x16: {  	s3 =	sld [smem:$0x3FDB];
	s0 =	simm.s32 @p2 $0x1  }
0x17: {  	s4 =	simm.s32 $0x1BF5;
	[smem:$0x3FB4] =	sst s0  }
0x18: {  	s0 =	sld [smem:$0x3F97];
	_ =	swait.ge [sflag:s4], $0x0  }
0x19: {  	s7 =	sld [smem:$0x3F98]  }
0x1a: {  	s8 =	sadd.s32 $0xFFFFE003, lr  }
0x1b: {  	s9 =	sadd.s32 $0xFFFFFEF7, lr;
	s5 =	simm.s32 $0xFFFFFFFF;
	p2 =	slt.u32 s8, $0xFFFFF086  }
0x1c: {  	p1 =	slt.u32 s9, $0xF7A;
	s5 =	simm.s32 @!p2 $0x0  }
0x1d: {  	s5 =	simm.s32 @p1 $0x1;
	p0 =	seq.s32 s7, s2  }
0x1e: {  	s7 =	smul.u32 @!p0 $0xF7A, s2;
	p2 =	seq.s32 @!p0 s5, $0x0  }
0x1f: {  	s9 =	smul.u32 $0xF7A, s1;
	s8 =	simm.s32 @!p0 $0x1BF5;
	p2 =	por !p2, p0  }
0x20: {  	[sflag:s8] =	ssyncset.s32 @!p0 $0xFFFFF086;
	s6 =	sadd.s32 @!p0 s3, s7;
	s7 =	simm.s32 @!p0 $0x108  }
0x21: {  	s3 =	sadd.s32 s3, s9;
	s6 =	sadd.s32 @!p0 $0x88, s6;
	s7 =	simm.s32 @p2 $0x1082  }
0x22: {  	[simem:s7], [sflag:s8] =	dma.local @!p0 [hbm:s6], $0xF7A  }
0x23: {  	s9 =	sor.u32 $0xD0000000, s2;
	s6 =	simm.s32 $0x108;
	_ =	swait.ge @!p0 [sflag:s8], $0x0  }
0x24: {  	s3 =	sadd.s32 $0x88, s3;
	s6 =	simm.s32 @!p1 $0x1082;
	[sflag:s4] =	ssyncset.s32 $0xFFFFF086  }
0x25: {  	[simem:s6], [sflag:s4] =	dma.local [hbm:s3], $0xF7A  }
0x26: {  	[smem:$0x3F98] =	sst s1;
	(tag) =	ssettag s2;
	_ =	strace s9  }
0x27: {  	s1 =	sld [smem:$0x3FA8]  }
0x28: {  	s2 =	sld [smem:$0x3FA9]  }
0x29: {  	s4 =	sld [smem:$0x3FAB]  }
0x2a: {  	p0 =	seq.s32 s5, $0x0;
	s5 =	sld [smem:$0x3FAC]  }
0x2b: {  	s6 =	sld [smem:$0x3FAD]  }
0x2c: {  	s7 =	sld [smem:$0x3FAE]  }
0x2d: {  	s3 =	simm.s32 $0x108;
	s8 =	sld [smem:$0x3FAF]  }
0x2e: {  	s3 =	simm.s32 @!p0 $0x1082;
	s9 =	sld [smem:$0x3FB0]  }
0x2f: {  	lr =	sadd.s32 s0, s3;
	s0 =	sld [smem:$0x3FA7]  }
0x30: {  	s3 =	sld [smem:$0x3FAA]  }
0x31: {  	[smem:$0x3FB3] =	sst s10  }
0x32: {  	s10 =	sld [smem:$0x3FB1];
	_ =	sdelay $0x3  }
0x33: {  	p0 =	seq.s32 s10, $0x1;
	s10 =	sld [smem:$0x3FB3];
	_ =	sdelay $0x3  }
0x34: {  	[smem:$0x3FB3] =	sst s10  }
0x35: {  	s10 =	sld [smem:$0x3FB2];
	_ =	sdelay $0x3  }
0x36: {  	p1 =	seq.s32 s10, $0x1;
	s10 =	sld [smem:$0x3FB3];
	_ =	sdelay $0x3  }
0x37: {  	[smem:$0x3FB3] =	sst s10  }
0x38: {  	s10 =	sld [smem:$0x3FB4]  }
0x39: {  	_ = 	snop;
	(pc) =	sbr.ind lr, $3  }
0x3a: {  	_ = 	snop  }
0x3b: {  	_ = 	snop  }
0x3c: {  	p2 =	seq.s32 s10, $0x1;
	s10 =	sld [smem:$0x3FB3]  }
0x3d: {  	_ =	shalt  }
0x3e: {  	_ =	shalt  }
0x3f: {  	_ =	shalt  }
0x40: {  	_ =	shalt  }
0x41: {  	_ =	shalt  }
0x42: {  	_ =	shalt  }
0x43: {  	_ =	shalt  }
0x44: {  	_ =	shalt  }
0x45: {  	_ =	shalt  }
0x46: {  	_ =	shalt  }
0x47: {  	_ =	shalt  }
0x48: {  	_ =	shalt  }
0x49: {  	_ =	shalt  }
0x4a: {  	_ =	shalt  }
0x4b: {  	_ =	shalt  }
0x4c: {  	_ =	shalt  }
0x4d: {  	_ =	shalt  }
0x4e: {  	_ =	shalt  }
0x4f: {  	_ =	shalt  }
0x50: {  	_ =	shalt  }
0x51: {  	_ =	shalt  }
0x52: {  	_ =	shalt  }
0x53: {  	_ =	shalt  }
0x54: {  	_ =	shalt  }
0x55: {  	_ =	shalt  }
0x56: {  	_ =	shalt  }
0x57: {  	_ =	shalt  }
0x58: {  	_ =	shalt  }
0x59: {  	_ =	shalt  }
0x5a: {  	_ =	shalt  }
0x5b: {  	_ =	shalt  }
0x5c: {  	_ =	shalt  }
0x5d: {  	_ =	shalt  }
0x5e: {  	_ =	shalt  }
0x5f: {  	_ =	shalt  }
0x60: {  	_ =	shalt  }
0x61: {  	_ =	shalt  }
0x62: {  	_ =	shalt  }
0x63: {  	_ =	shalt  }
0x64: {  	_ =	shalt  }
0x65: {  	_ =	shalt  }
0x66: {  	_ =	shalt  }
0x67: {  	_ =	shalt  }
0x68: {  	_ =	shalt  }
0x69: {  	_ =	shalt  }
0x6a: {  	_ =	shalt  }
0x6b: {  	_ =	shalt  }
0x6c: {  	_ =	shalt  }
0x6d: {  	_ =	shalt  }
0x6e: {  	_ =	shalt  }
0x6f: {  	_ =	shalt  }
0x70: {  	_ =	shalt  }
0x71: {  	_ =	shalt  }
0x72: {  	_ =	shalt  }
0x73: {  	_ =	shalt  }
0x74: {  	_ =	shalt  }
0x75: {  	_ =	shalt  }
0x76: {  	_ =	shalt  }
0x77: {  	_ =	shalt  }
0x78: {  	_ =	shalt  }
0x79: {  	_ =	shalt  }
0x7a: {  	_ =	shalt  }
0x7b: {  	_ =	shalt  }
0x7c: {  	_ =	shalt  }
0x7d: {  	_ =	shalt  }
0x7e: {  	_ =	shalt  }
0x7f: {  	_ =	shalt  }
0x80: {  	_ =	shalt  }
0x81: {  	_ =	shalt  }
0x82: {  	_ =	shalt  }
0x83: {  	_ =	shalt  }
0x84: {  	_ =	shalt  }
0x85: {  	_ =	shalt  }
0x86: {  	_ =	shalt  }
0x87: {  	_ =	shalt  }
.Lfunc_end0:
.L_simem_size_0:
called_computation_lowered:
.L_overlay_start_0:
0x88: {  	s2 =	sld [smem:$0x3FD9]  }
0x89: {  	s3 =	sld [smem:$0x3FFE];
	_ =	sdelay $0x1  }
0x8a: {  	s1 =	srdreg.scid  }
0x8b: {  	s0 =	sand.u32 $0x1, s1  }
0x8c: {  	s16 =	sshll.u32 s0, $0xA;
	s2 =	sadd.s32 s3, s2  }
0x8d: {  	s2 =	sadd.s32 s2, s16  }
0x8e: {  	[smem:$0x3FBF] =	sst s2  }
0x8f: {  	_ = 	snop  }
0x90: {  	(tm) =	ssettm $0x1  }
0x91: {  	s17 =	sld [smem:$0x3FFB];
	_ =	sdelay $0x3  }
0x92: {  	_ =	strace s17  }
0x93: {  	s2 =	sld [smem:$0x3FFC];
	_ =	sdelay $0x3  }
0x94: {  	_ =	strace s2  }
0x95: {  	s2 =	sld [smem:$0x3FFD];
	_ =	sdelay $0x3  }
0x96: {  	_ =	strace s2  }
0x97: {  	_ =	strace $0x8FFFFFFF  }
0x98: {  	s18 =	sld [smem:$0x3FDB];
	_ =	sdelay $0x1  }
0x99: {  	s19 =	simm.s32 $_scs_section_size  }
0x9a: {  	s4 =	simm.s32 $_size__tile_overlayer_lowered;
	s5 =	simm.s32 $_tile_overlayer_lowered  }
0x9b: {  	s22 =	simm.s32 $0x1BFF;
	s21 =	sshll.u32 s5, $0x1;
	s2 =	sadd.s32 s19, s18  }
0x9c: {  	s6 =	simm.s32 $0x0;
	s20 =	sshll.u32 s4, $0x1;
	s4 =	sadd.s32 s21, s2  }
0x9d: {  	[timem:s6], [sflag:s22] =	dma.local [hbm:s4], s20  }
0x9e: {  	_ =	swait.ge [sflag:s22], s20  }
0x9f: {  	s3 =	ssub.s32 $0x0, s20;
	[sflag:s22] =	ssyncset.done $0x0  }
0xa0: {  	[sflag:s22] =	ssyncadd.s32 s3;
	_ =	sdelay $0x1  }
0xa1: {  	s23 =	simm.s32 $0x1B8B  }
0xa2: {  	_ =	swait.ge [sflag:s23], $0x1  }
0xa3: {  	[sflag:s23] =	ssyncset.done $0x0  }
0xa4: {  	s25 =	simm.s32 $0x1B8E;
	s24 =	sld [smem:$0x3FFE];
	[sflag:s23] =	ssyncadd.s32 $0xFFFFFFFF  }
0xa5: {  	s26 =	simm.s32 $execute0_lowered;
	[smem:$0x3FD2] =	sst s25  }
0xa6: {  	s4 =	sshll.u32 s26, $0x1;
	_ =	strace $0x80000046;
	[dreg:$0x1] =	wrdreg $0xFFFFFFFF  }
0xa7: {  	s28 =	simm.s32 $_size_execute0_lowered;
	s2 =	sadd.s32 s2, s4;
	[dreg:$0x0] =	wrdreg $0x0  }
0xa8: {  	s4 =	sshll.u32 s28, $0x1;
	[dreg:$0x2] =	wrdreg s2  }
0xa9: {  	[dreg:$0x3] =	wrdreg s4  }
0xaa: {  	[dreg:$0x4] =	wrdreg $0xC0  }
0xab: {  	_ =	task [dreg:s6], $0x5FFFF  }
0xac: {  	[dreg:$0x1] =	wrdreg $0xFFFFFFFF  }
0xad: {  	[dreg:$0x0] =	wrdreg $0x60  }
0xae: {  	[dreg:$0x2] =	wrdreg s24  }
0xaf: {  	[dreg:$0x3] =	wrdreg $0x9  }
0xb0: {  	_ =	task.clear_ibuf [dreg:s6], $0x4FFFF;
	_ =	strace $0x90000046  }
0xb1: {  	s29 =	simm.s32 $0x9;
	_ =	strace $0x80000048  }
0xb2: {  	_ =	swait.ge [sflag:s29], $0x1  }
0xb3: {  	[sflag:s29] =	ssyncadd.s32 $0xFFFFFFFF  }
0xb4: {  	_ =	strace $0x90000048  }
0xb5: {  	_ =	sfence  }
0xb6: {  	s30 =	sld [smem:$0x0];
	_ =	sdelay $0x2  }
0xb7: {  	s31 =	sshll.u32 s1, $0xD;
	s1 =	sshrl.u32 s1, $0x2  }
0xb8: {  	s3 =	sand.u32 $0x4000, s31;
	s1 =	sadd.s32 s1, s30  }
0xb9: {  	s0 =	sor.u32 s3, s0;
	s1 =	sshll.u32 s1, $0x11  }
0xba: {  	s0 =	sor.u32 s1, s0  }
0xbb: {  	s0 =	sadd.s32 $0x8F2B, s0  }
0xbc: {  	[sflag:s0] =	ssyncadd.remote.s32 $0x1  }
0xbd: {  	_ =	sfence.sel $0xFFFF  }
0xbe: {  	[dreg:$0x0] =	wrdreg $0xFFFFFFFF;
	(pc) =	sbr.abs _section_cstart, $3  }
0xbf: {  	[dreg:$0x1] =	wrdreg $0xFFFFFFFF  }
0xc0: {  	_ =	task.clear_ibuf [dreg:s6], $0x2FFFF;
	_ =	strace $0x9FFFFFFF  }
0xc1: {  	(tm) =	ssettm $0x7FFFFFFF  }
tec
execute0_lowered:
.L_overlay_start_1:
0x0: {  	(tag) =	ssettag $0x1  }
0x1: {  	s1 =	srdreg.scid  }
0x2: {  	s0 =	stileid.u32;
	s1 =	sand.u32 $0x1, s1  }
0x3: {  	s2 =	sshll.u32 s0, $0x7;
	s4 =	sshll.u32 s1, $0x6  }
0x4: {  	s3 =	rddreg [dreg:$0x0];
	s4 =	sor.u32 s4, s2;
	s2 =	simm.s32 $0x0  }
0x5: {  	s16 =	simm.s32 $0x2400;
	[smem:$0x7FF] =	sst s2  }
0x6: {  	s17 =	simm.s32 $0x100;
	_ =	strace $0x80000047;
	[dreg:$0x4] =	wrdreg s16  }
0x7: {  	s18 =	simm.s32 $0x2800;
	[dreg:$0x5] =	wrdreg s17  }
0x8: {  	s19 =	simm.s32 $0x180;
	[dreg:$0x6] =	wrdreg s18  }
0x9: {  	s20 =	simm.s32 $0x2C00;
	[dreg:$0x7] =	wrdreg s19  }
0xa: {  	s21 =	simm.s32 $0x200;
	[dreg:$0x8] =	wrdreg s20  }
0xb: {  	s22 =	simm.s32 $0x3000;
	[dreg:$0x9] =	wrdreg s21  }
0xc: {  	s23 =	simm.s32 $0x280;
	[dreg:$0xa] =	wrdreg s22  }
0xd: {  	s24 =	simm.s32 $0x3400;
	[dreg:$0xb] =	wrdreg s23  }
0xe: {  	s25 =	simm.s32 $0x300;
	[dreg:$0xc] =	wrdreg s24  }
0xf: {  	s26 =	simm.s32 $0x3800;
	[dreg:$0xd] =	wrdreg s25  }
0x10: {  	s0 =	simm.s32 $0x380;
	[dreg:$0xe] =	wrdreg s26  }
0x11: {  	s6 =	simm.s32 $0x400;
	[dreg:$0xf] =	wrdreg s0  }
0x12: {  	s7 =	simm.s32 $0x4000;
	[dreg:$0x11] =	wrdreg s6  }
0x13: {  	s8 =	simm.s32 $0x480;
	[dreg:$0x12] =	wrdreg s7  }
0x14: {  	s9 =	simm.s32 $0x4400;
	[dreg:$0x13] =	wrdreg s8  }
0x15: {  	s10 =	simm.s32 $0x500;
	[dreg:$0x14] =	wrdreg s9  }
0x16: {  	s11 =	simm.s32 $0x4800;
	[dreg:$0x15] =	wrdreg s10  }
0x17: {  	s12 =	simm.s32 $0x580;
	[dreg:$0x16] =	wrdreg s11  }
0x18: {  	s13 =	simm.s32 $0x4C00;
	[dreg:$0x17] =	wrdreg s12  }
0x19: {  	s14 =	simm.s32 $0x600;
	[dreg:$0x18] =	wrdreg s13  }
0x1a: {  	s15 =	simm.s32 $0x5000;
	[dreg:$0x19] =	wrdreg s14  }
0x1b: {  	[dreg:$0x1a] =	wrdreg s15;
	s16 =	simm.s32 $0x680  }
0x1c: {  	s17 =	simm.s32 $0x5400;
	[dreg:$0x1b] =	wrdreg s16  }
0x1d: {  	s18 =	simm.s32 $0x700;
	[dreg:$0x1c] =	wrdreg s17  }
0x1e: {  	s19 =	simm.s32 $0x5800;
	[dreg:$0x1d] =	wrdreg s18  }
0x1f: {  	s20 =	simm.s32 $0x780;
	[dreg:$0x1e] =	wrdreg s19  }
0x20: {  	s21 =	simm.s32 $0x5C00;
	[dreg:$0x1f] =	wrdreg s20  }
0x21: {  	s22 =	simm.s32 $0x800;
	[smem:$0x7B4] =	sst s21  }
0x22: {  	s23 =	simm.s32 $0x6000;
	[smem:$0x7B5] =	sst s22  }
0x23: {  	s24 =	simm.s32 $0x880;
	[smem:$0x7B6] =	sst s23  }
0x24: {  	s25 =	simm.s32 $0x6400;
	[smem:$0x7B7] =	sst s24  }
0x25: {  	s26 =	simm.s32 $0x900;
	[smem:$0x7B8] =	sst s25  }
0x26: {  	s0 =	simm.s32 $0x6800;
	[smem:$0x7B9] =	sst s26  }
0x27: {  	s6 =	simm.s32 $0x6C00;
	[smem:$0x7BA] =	sst s0  }
0x28: {  	s7 =	simm.s32 $0xA00;
	[smem:$0x7BC] =	sst s6  }
0x29: {  	s8 =	simm.s32 $0x7000;
	[smem:$0x7BD] =	sst s7  }
0x2a: {  	s9 =	simm.s32 $0xA80;
	[smem:$0x7BE] =	sst s8  }
0x2b: {  	s10 =	simm.s32 $0x7400;
	[smem:$0x7BF] =	sst s9  }
0x2c: {  	s11 =	simm.s32 $0xB00;
	[smem:$0x7C0] =	sst s10  }
0x2d: {  	s12 =	simm.s32 $0x7800;
	[smem:$0x7C1] =	sst s11  }
0x2e: {  	s5 =	sshll.u32 s4, $0x4;
	s13 =	simm.s32 $0xB80;
	[smem:$0x7C2] =	sst s12  }
0x2f: {  	s4 =	sshll.u32 s4, $0x7;
	s14 =	simm.s32 $0x7C00;
	[smem:$0x7C3] =	sst s13  }
0x30: {  	s5 =	sadd.s32 s5, s3;
	s15 =	simm.s32 $0xC00;
	[smem:$0x7C4] =	sst s14  }
0x31: {  	s4 =	sadd.s32 s4, s3;
	s5 =	sadd.s32 $0x1600, s5;
	[smem:$0x7C5] =	sst s15  }
0x32: {  	s4 =	sadd.s32 $0x9600, s4;
	[dreg:$0x2] =	wrdreg s5  }
0x33: {  	s16 =	simm.s32 $0x8000;
	[dreg:$0x3] =	wrdreg s4  }
0x34: {  	s17 =	simm.s32 $0xC80;
	[smem:$0x7C6] =	sst s16  }
0x35: {  	s18 =	simm.s32 $0x8400;
	[smem:$0x7C7] =	sst s17  }
0x36: {  	s19 =	simm.s32 $0xD00;
	[smem:$0x7C8] =	sst s18  }
0x37: {  	s20 =	simm.s32 $0x8800;
	[smem:$0x7C9] =	sst s19  }
0x38: {  	s21 =	simm.s32 $0xD80;
	[smem:$0x7CA] =	sst s20  }
0x39: {  	s22 =	simm.s32 $0x8C00;
	[smem:$0x7CB] =	sst s21  }
0x3a: {  	s23 =	simm.s32 $0xE00;
	[smem:$0x7CC] =	sst s22  }
0x3b: {  	s24 =	simm.s32 $0x9000;
	[smem:$0x7CD] =	sst s23  }
0x3c: {  	s25 =	simm.s32 $0xE80;
	[smem:$0x7CE] =	sst s24  }
0x3d: {  	s26 =	simm.s32 $0x9400;
	[smem:$0x7CF] =	sst s25  }
0x3e: {  	s0 =	simm.s32 $0xF00;
	[smem:$0x7D0] =	sst s26  }
0x3f: {  	s6 =	simm.s32 $0xF80;
	[smem:$0x7D1] =	sst s0  }
0x40: {  	s7 =	simm.s32 $0x9C00;
	[smem:$0x7D3] =	sst s6  }
0x41: {  	s8 =	simm.s32 $0x1000;
	[smem:$0x7D4] =	sst s7  }
0x42: {  	s9 =	simm.s32 $0xA000;
	[smem:$0x7D5] =	sst s8  }
0x43: {  	s10 =	simm.s32 $0x1080;
	[smem:$0x7D6] =	sst s9  }
0x44: {  	s11 =	simm.s32 $0xA400;
	[smem:$0x7D7] =	sst s10  }
0x45: {  	s12 =	simm.s32 $0x1100;
	[smem:$0x7D8] =	sst s11  }
0x46: {  	s13 =	simm.s32 $0xA800;
	[smem:$0x7D9] =	sst s12  }
0x47: {  	s14 =	simm.s32 $0x1180;
	[smem:$0x7DA] =	sst s13  }
0x48: {  	s15 =	simm.s32 $0xAC00;
	[smem:$0x7DB] =	sst s14  }
0x49: {  	s5 =	simm.s32 $0x3C00;
	[smem:$0x7DC] =	sst s15  }
0x4a: {  	s16 =	simm.s32 $0x1200;
	[dreg:$0x10] =	wrdreg s5  }
0x4b: {  	s17 =	simm.s32 $0xB000;
	[smem:$0x7DD] =	sst s16  }
0x4c: {  	s18 =	simm.s32 $0x1280;
	[smem:$0x7DE] =	sst s17  }
0x4d: {  	s19 =	simm.s32 $0xB400;
	[smem:$0x7DF] =	sst s18  }
0x4e: {  	s20 =	simm.s32 $0x1300;
	[smem:$0x7E0] =	sst s19  }
0x4f: {  	s21 =	simm.s32 $0xB800;
	[smem:$0x7E1] =	sst s20  }
0x50: {  	s22 =	simm.s32 $0x1380;
	[smem:$0x7E2] =	sst s21  }
0x51: {  	s23 =	simm.s32 $0xBC00;
	[smem:$0x7E3] =	sst s22  }
0x52: {  	s24 =	simm.s32 $0x1400;
	[smem:$0x7E4] =	sst s23  }
0x53: {  	s25 =	simm.s32 $0xC000;
	[smem:$0x7E5] =	sst s24  }
0x54: {  	s26 =	simm.s32 $0x1480;
	[smem:$0x7E6] =	sst s25  }
0x55: {  	s0 =	simm.s32 $0xC400;
	[smem:$0x7E7] =	sst s26  }
0x56: {  	s6 =	simm.s32 $0xC800;
	[smem:$0x7E8] =	sst s0  }
0x57: {  	s7 =	simm.s32 $0x1580;
	[smem:$0x7EA] =	sst s6  }
0x58: {  	s8 =	simm.s32 $0xCC00;
	[smem:$0x7EB] =	sst s7  }
0x59: {  	s9 =	simm.s32 $0x1600;
	[smem:$0x7EC] =	sst s8  }
0x5a: {  	s10 =	simm.s32 $0xD000;
	[smem:$0x7ED] =	sst s9  }
0x5b: {  	s28 =	simm.s32 $0x1F00;
	s11 =	simm.s32 $0x1680;
	[smem:$0x7EE] =	sst s10  }
0x5c: {  	s29 =	simm.s32 $0x11800;
	s12 =	simm.s32 $0xD400;
	[smem:$0x7EF] =	sst s11  }
0x5d: {  	s30 =	simm.s32 $0x1F80;
	s13 =	simm.s32 $0x1700;
	[smem:$0x7F0] =	sst s12  }
0x5e: {  	s31 =	simm.s32 $0x11C00;
	s14 =	simm.s32 $0xD800;
	[smem:$0x7F1] =	sst s13  }
0x5f: {  	s1 =	ssub.s32 $0x2, s1;
	s15 =	simm.s32 $0x1780;
	[smem:$0x7F2] =	sst s14  }
0x60: {  	s3 =	sadd.s32 $0x301600, s3;
	s5 =	simm.s32 $0x980;
	[smem:$0x7F3] =	sst s15  }
0x61: {  	s16 =	simm.s32 $0xDC00;
	s17 =	simm.s32 $0x1800;
	[smem:$0x7BB] =	sst s5  }
0x62: {  	s18 =	simm.s32 $0xE000;
	s19 =	simm.s32 $0x1880;
	[smem:$0x7F4] =	sst s16  }
0x63: {  	s20 =	simm.s32 $0xE400;
	s21 =	simm.s32 $0x1900;
	[smem:$0x7F5] =	sst s17  }
0x64: {  	s22 =	sshrl.u32 s1, $0x1;
	s23 =	simm.s32 $0xE800;
	[smem:$0x7F6] =	sst s18  }
0x65: {  	s24 =	simm.s32 $0x1980;
	s25 =	simm.s32 $0xEC00;
	[smem:$0x7F7] =	sst s19  }
0x66: {  	s26 =	simm.s32 $0x1A00;
	s6 =	simm.s32 $0x80;
	[smem:$0x7F8] =	sst s20  }
0x67: {  	s7 =	simm.s32 $0x2000;
	s11 =	simm.s32 $0x1B00;
	[smem:$0x7F9] =	sst s21  }
0x68: {  	s12 =	simm.s32 $0xF800;
	s13 =	simm.s32 $0x1B80;
	[smem:$0x7FA] =	sst s23  }
0x69: {  	s14 =	simm.s32 $0xFC00;
	s15 =	simm.s32 $0x1C00;
	[smem:$0x7FB] =	sst s24  }
0x6a: {  	s5 =	simm.s32 $0x9800;
	s1 =	ssub.s32 s1, s22;
	[smem:$0x7FC] =	sst s25  }
0x6b: {  	[smem:$0x7FD] =	sst s26;
	s16 =	simm.s32 $0x10000;
	s17 =	simm.s32 $0x1C80  }
0x6c: {  	s18 =	simm.s32 $0x10400;
	s19 =	simm.s32 $0x1D00;
	s20 =	simm.s32 $0x10800  }
0x6d: {  	s21 =	simm.s32 $0x1D80;
	s22 =	simm.s32 $0x10C00;
	s23 =	simm.s32 $0x1E00  }
0x6e: {  	s24 =	simm.s32 $0x11000;
	s25 =	simm.s32 $0x1E80;
	s26 =	simm.s32 $0x11400  }
0x6f: {  	[smem:$0x7D2] =	sst s5;
	s5 =	simm.s32 $0x1500;
	s4 =	smax.u32 s1, $0x1  }
0x70: {  	s1 =	simm.s32 $0x1;
	[smem:$0x7E9] =	sst s5;
	s5 =	simm.s32 $0x2  }
.LBB2_1:
0x71: {  	s0 =	rddreg [dreg:$0x2]  }
0x72: {  	[tilespmem:s2], [sflag:$0x2] =	stream.linear.gather [hbm4b:s0+s2], $0x2000, $0x38;
	[tilespmem:$0x12000] =	vst v63  }
0x73: {  	_ =	swait.ge [sflag:s5], $0x2000  }
0x74: {  	s10 =	rddreg [dreg:$0x4]  }
0x75: {  	[sflag:s5] =	ssyncset.done $0x0;
	s0 =	rddreg [dreg:$0x5]  }
0x76: {  	s8 =	rddreg [dreg:$0x6];
	[sflag:s5] =	ssyncadd.s32 $0xFFFFE000  }
0x77: {  	[tilespmem:s7], [sflag:$0x1] =	stream.indirect.gather [hbm4b:s3+s6], $0x8, s2, s6, $0xb8;
	[tilespmem:$0x12000] =	vst v63  }
0x78: {  	s9 =	rddreg [dreg:$0x7]  }
0x79: {  	[tilespmem:s10], [sflag:$0x1] =	stream.indirect.gather [hbm4b:s3+s6], $0x8, s6, s6, $0xb8;
	[tilespmem:$0x12000] =	vst v63  }
0x7a: {  	s10 =	rddreg [dreg:$0x8]  }
0x7b: {  	[tilespmem:s8], [sflag:$0x1] =	stream.indirect.gather [hbm4b:s3+s6], $0x8, s0, s6, $0xb8;
	[tilespmem:$0x12000] =	vst v63  }
0x7c: {  	s0 =	rddreg [dreg:$0x9]  }
0x7d: {  	s8 =	rddreg [dreg:$0xa]  }
0x7e: {  	[tilespmem:s10], [sflag:$0x1] =	stream.indirect.gather [hbm4b:s3+s6], $0x8, s9, s6, $0xb8;
	[tilespmem:$0x12000] =	vst v63  }
0x7f: {  	s9 =	rddreg [dreg:$0xb]  }
0x80: {  	s10 =	rddreg [dreg:$0xc]  }
0x81: {  	[tilespmem:s8], [sflag:$0x1] =	stream.indirect.gather [hbm4b:s3+s6], $0x8, s0, s6, $0xb8;
	[tilespmem:$0x12000] =	vst v63  }
0x82: {  	s0 =	rddreg [dreg:$0xd]  }
0x83: {  	s8 =	rddreg [dreg:$0xe]  }
0x84: {  	[tilespmem:s10], [sflag:$0x1] =	stream.indirect.gather [hbm4b:s3+s6], $0x8, s9, s6, $0xb8;
	[tilespmem:$0x12000] =	vst v63  }
0x85: {  	s9 =	rddreg [dreg:$0xf]  }
0x86: {  	s10 =	rddreg [dreg:$0x10]  }
0x87: {  	[tilespmem:s8], [sflag:$0x1] =	stream.indirect.gather [hbm4b:s3+s6], $0x8, s0, s6, $0xb8;
	[tilespmem:$0x12000] =	vst v63  }
0x88: {  	s0 =	rddreg [dreg:$0x11]  }
0x89: {  	s8 =	rddreg [dreg:$0x12]  }
0x8a: {  	[tilespmem:s10], [sflag:$0x1] =	stream.indirect.gather [hbm4b:s3+s6], $0x8, s9, s6, $0xb8;
	[tilespmem:$0x12000] =	vst v63  }
0x8b: {  	s9 =	rddreg [dreg:$0x13]  }
0x8c: {  	s10 =	rddreg [dreg:$0x14]  }
0x8d: {  	[tilespmem:s8], [sflag:$0x1] =	stream.indirect.gather [hbm4b:s3+s6], $0x8, s0, s6, $0xb8;
	[tilespmem:$0x12000] =	vst v63  }
0x8e: {  	s0 =	rddreg [dreg:$0x15]  }
0x8f: {  	s8 =	rddreg [dreg:$0x16]  }
0x90: {  	[tilespmem:s10], [sflag:$0x1] =	stream.indirect.gather [hbm4b:s3+s6], $0x8, s9, s6, $0xb8;
	[tilespmem:$0x12000] =	vst v63  }
0x91: {  	s9 =	rddreg [dreg:$0x17]  }
0x92: {  	s10 =	rddreg [dreg:$0x18]  }
0x93: {  	[tilespmem:s8], [sflag:$0x1] =	stream.indirect.gather [hbm4b:s3+s6], $0x8, s0, s6, $0xb8;
	[tilespmem:$0x12000] =	vst v63  }
0x94: {  	s0 =	rddreg [dreg:$0x19]  }
0x95: {  	s8 =	rddreg [dreg:$0x1a]  }
0x96: {  	[tilespmem:s10], [sflag:$0x1] =	stream.indirect.gather [hbm4b:s3+s6], $0x8, s9, s6, $0xb8;
	[tilespmem:$0x12000] =	vst v63  }
0x97: {  	s9 =	rddreg [dreg:$0x1b]  }
0x98: {  	s10 =	rddreg [dreg:$0x1c]  }
0x99: {  	[tilespmem:s8], [sflag:$0x1] =	stream.indirect.gather [hbm4b:s3+s6], $0x8, s0, s6, $0xb8;
	[tilespmem:$0x12000] =	vst v63  }
0x9a: {  	s0 =	rddreg [dreg:$0x1d]  }
0x9b: {  	s8 =	rddreg [dreg:$0x1e]  }
0x9c: {  	[tilespmem:s10], [sflag:$0x1] =	stream.indirect.gather [hbm4b:s3+s6], $0x8, s9, s6, $0xb8;
	[tilespmem:$0x12000] =	vst v63  }
0x9d: {  	s9 =	rddreg [dreg:$0x1f]  }
0x9e: {  	s10 =	sld [smem:$0x7B4]  }
0x9f: {  	[tilespmem:s8], [sflag:$0x1] =	stream.indirect.gather [hbm4b:s3+s6], $0x8, s0, s6, $0xb8;
	[tilespmem:$0x12000] =	vst v63  }
0xa0: {  	s0 =	sld [smem:$0x7B5]  }
0xa1: {  	s8 =	sld [smem:$0x7B6]  }
0xa2: {  	[tilespmem:s10], [sflag:$0x1] =	stream.indirect.gather [hbm4b:s3+s6], $0x8, s9, s6, $0xb8;
	[tilespmem:$0x12000] =	vst v63  }
0xa3: {  	s9 =	sld [smem:$0x7B7]  }
0xa4: {  	s10 =	sld [smem:$0x7B8]  }
0xa5: {  	[tilespmem:s8], [sflag:$0x1] =	stream.indirect.gather [hbm4b:s3+s6], $0x8, s0, s6, $0xb8;
	[tilespmem:$0x12000] =	vst v63  }
0xa6: {  	s0 =	sld [smem:$0x7B9]  }
0xa7: {  	s8 =	sld [smem:$0x7BA]  }
0xa8: {  	[tilespmem:s10], [sflag:$0x1] =	stream.indirect.gather [hbm4b:s3+s6], $0x8, s9, s6, $0xb8;
	[tilespmem:$0x12000] =	vst v63  }
0xa9: {  	s9 =	sld [smem:$0x7BB]  }
0xaa: {  	s10 =	sld [smem:$0x7BC]  }
0xab: {  	[tilespmem:s8], [sflag:$0x1] =	stream.indirect.gather [hbm4b:s3+s6], $0x8, s0, s6, $0xb8;
	[tilespmem:$0x12000] =	vst v63  }
0xac: {  	s0 =	sld [smem:$0x7BD]  }
0xad: {  	s8 =	sld [smem:$0x7BE]  }
0xae: {  	[tilespmem:s10], [sflag:$0x1] =	stream.indirect.gather [hbm4b:s3+s6], $0x8, s9, s6, $0xb8;
	[tilespmem:$0x12000] =	vst v63  }
0xaf: {  	s9 =	sld [smem:$0x7BF]  }
0xb0: {  	s10 =	sld [smem:$0x7C0]  }
0xb1: {  	[tilespmem:s8], [sflag:$0x1] =	stream.indirect.gather [hbm4b:s3+s6], $0x8, s0, s6, $0xb8;
	[tilespmem:$0x12000] =	vst v63  }
0xb2: {  	s0 =	sld [smem:$0x7C1]  }
0xb3: {  	s8 =	sld [smem:$0x7C2]  }
0xb4: {  	[tilespmem:s10], [sflag:$0x1] =	stream.indirect.gather [hbm4b:s3+s6], $0x8, s9, s6, $0xb8;
	[tilespmem:$0x12000] =	vst v63  }
0xb5: {  	s9 =	sld [smem:$0x7C3]  }
0xb6: {  	s10 =	sld [smem:$0x7C4]  }
0xb7: {  	[tilespmem:s8], [sflag:$0x1] =	stream.indirect.gather [hbm4b:s3+s6], $0x8, s0, s6, $0xb8;
	[tilespmem:$0x12000] =	vst v63  }
0xb8: {  	s0 =	sld [smem:$0x7C5]  }
0xb9: {  	s8 =	sld [smem:$0x7C6]  }
0xba: {  	[tilespmem:s10], [sflag:$0x1] =	stream.indirect.gather [hbm4b:s3+s6], $0x8, s9, s6, $0xb8;
	[tilespmem:$0x12000] =	vst v63  }
0xbb: {  	s9 =	sld [smem:$0x7C7]  }
0xbc: {  	s10 =	sld [smem:$0x7C8]  }
0xbd: {  	[tilespmem:s8], [sflag:$0x1] =	stream.indirect.gather [hbm4b:s3+s6], $0x8, s0, s6, $0xb8;
	[tilespmem:$0x12000] =	vst v63  }
0xbe: {  	s0 =	sld [smem:$0x7C9]  }
0xbf: {  	s8 =	sld [smem:$0x7CA]  }
0xc0: {  	[tilespmem:s10], [sflag:$0x1] =	stream.indirect.gather [hbm4b:s3+s6], $0x8, s9, s6, $0xb8;
	[tilespmem:$0x12000] =	vst v63  }
0xc1: {  	s9 =	sld [smem:$0x7CB]  }
0xc2: {  	s10 =	sld [smem:$0x7CC]  }
0xc3: {  	[tilespmem:s8], [sflag:$0x1] =	stream.indirect.gather [hbm4b:s3+s6], $0x8, s0, s6, $0xb8;
	[tilespmem:$0x12000] =	vst v63  }
0xc4: {  	s0 =	sld [smem:$0x7CD]  }
0xc5: {  	s8 =	sld [smem:$0x7CE]  }
0xc6: {  	[tilespmem:s10], [sflag:$0x1] =	stream.indirect.gather [hbm4b:s3+s6], $0x8, s9, s6, $0xb8;
	[tilespmem:$0x12000] =	vst v63  }
0xc7: {  	s9 =	sld [smem:$0x7CF]  }
0xc8: {  	s10 =	sld [smem:$0x7D0]  }
0xc9: {  	[tilespmem:s8], [sflag:$0x1] =	stream.indirect.gather [hbm4b:s3+s6], $0x8, s0, s6, $0xb8;
	[tilespmem:$0x12000] =	vst v63  }
0xca: {  	s0 =	sld [smem:$0x7D1]  }
0xcb: {  	s8 =	sld [smem:$0x7D2]  }
0xcc: {  	[tilespmem:s10], [sflag:$0x1] =	stream.indirect.gather [hbm4b:s3+s6], $0x8, s9, s6, $0xb8;
	[tilespmem:$0x12000] =	vst v63  }
0xcd: {  	s9 =	sld [smem:$0x7D3]  }
0xce: {  	s10 =	sld [smem:$0x7D4]  }
0xcf: {  	[tilespmem:s8], [sflag:$0x1] =	stream.indirect.gather [hbm4b:s3+s6], $0x8, s0, s6, $0xb8;
	[tilespmem:$0x12000] =	vst v63  }
0xd0: {  	s0 =	sld [smem:$0x7D5]  }
0xd1: {  	s8 =	sld [smem:$0x7D6]  }
0xd2: {  	[tilespmem:s10], [sflag:$0x1] =	stream.indirect.gather [hbm4b:s3+s6], $0x8, s9, s6, $0xb8;
	[tilespmem:$0x12000] =	vst v63  }
0xd3: {  	s9 =	sld [smem:$0x7D7]  }
0xd4: {  	s10 =	sld [smem:$0x7D8]  }
0xd5: {  	[tilespmem:s8], [sflag:$0x1] =	stream.indirect.gather [hbm4b:s3+s6], $0x8, s0, s6, $0xb8;
	[tilespmem:$0x12000] =	vst v63  }
0xd6: {  	s0 =	sld [smem:$0x7D9]  }
0xd7: {  	s8 =	sld [smem:$0x7DA]  }
0xd8: {  	[tilespmem:s10], [sflag:$0x1] =	stream.indirect.gather [hbm4b:s3+s6], $0x8, s9, s6, $0xb8;
	[tilespmem:$0x12000] =	vst v63  }
0xd9: {  	s9 =	sld [smem:$0x7DB]  }
0xda: {  	s10 =	sld [smem:$0x7DC]  }
0xdb: {  	[tilespmem:s8], [sflag:$0x1] =	stream.indirect.gather [hbm4b:s3+s6], $0x8, s0, s6, $0xb8;
	[tilespmem:$0x12000] =	vst v63  }
0xdc: {  	s0 =	sld [smem:$0x7DD]  }
0xdd: {  	s8 =	sld [smem:$0x7DE]  }
0xde: {  	[tilespmem:s10], [sflag:$0x1] =	stream.indirect.gather [hbm4b:s3+s6], $0x8, s9, s6, $0xb8;
	[tilespmem:$0x12000] =	vst v63  }
0xdf: {  	s9 =	sld [smem:$0x7DF]  }
0xe0: {  	s10 =	sld [smem:$0x7E0]  }
0xe1: {  	[tilespmem:s8], [sflag:$0x1] =	stream.indirect.gather [hbm4b:s3+s6], $0x8, s0, s6, $0xb8;
	[tilespmem:$0x12000] =	vst v63  }
0xe2: {  	s0 =	sld [smem:$0x7E1]  }
0xe3: {  	s8 =	sld [smem:$0x7E2]  }
0xe4: {  	[tilespmem:s10], [sflag:$0x1] =	stream.indirect.gather [hbm4b:s3+s6], $0x8, s9, s6, $0xb8;
	[tilespmem:$0x12000] =	vst v63  }
0xe5: {  	s9 =	sld [smem:$0x7E3]  }
0xe6: {  	s10 =	sld [smem:$0x7E4]  }
0xe7: {  	[tilespmem:s8], [sflag:$0x1] =	stream.indirect.gather [hbm4b:s3+s6], $0x8, s0, s6, $0xb8;
	[tilespmem:$0x12000] =	vst v63  }
0xe8: {  	s0 =	sld [smem:$0x7E5]  }
0xe9: {  	s8 =	sld [smem:$0x7E6]  }
0xea: {  	[tilespmem:s10], [sflag:$0x1] =	stream.indirect.gather [hbm4b:s3+s6], $0x8, s9, s6, $0xb8;
	[tilespmem:$0x12000] =	vst v63  }
0xeb: {  	s9 =	sld [smem:$0x7E7]  }
0xec: {  	s10 =	sld [smem:$0x7E8]  }
0xed: {  	[tilespmem:s8], [sflag:$0x1] =	stream.indirect.gather [hbm4b:s3+s6], $0x8, s0, s6, $0xb8;
	[tilespmem:$0x12000] =	vst v63  }
0xee: {  	s0 =	sld [smem:$0x7E9]  }
0xef: {  	s8 =	sld [smem:$0x7EA]  }
0xf0: {  	[tilespmem:s10], [sflag:$0x1] =	stream.indirect.gather [hbm4b:s3+s6], $0x8, s9, s6, $0xb8;
	[tilespmem:$0x12000] =	vst v63  }
0xf1: {  	s9 =	sld [smem:$0x7EB]  }
0xf2: {  	s10 =	sld [smem:$0x7EC]  }
0xf3: {  	[tilespmem:s8], [sflag:$0x1] =	stream.indirect.gather [hbm4b:s3+s6], $0x8, s0, s6, $0xb8;
	[tilespmem:$0x12000] =	vst v63  }
0xf4: {  	s0 =	sld [smem:$0x7ED]  }
0xf5: {  	s8 =	sld [smem:$0x7EE]  }
0xf6: {  	[tilespmem:s10], [sflag:$0x1] =	stream.indirect.gather [hbm4b:s3+s6], $0x8, s9, s6, $0xb8;
	[tilespmem:$0x12000] =	vst v63  }
0xf7: {  	s9 =	sld [smem:$0x7EF]  }
0xf8: {  	s10 =	sld [smem:$0x7F0]  }
0xf9: {  	[tilespmem:s8], [sflag:$0x1] =	stream.indirect.gather [hbm4b:s3+s6], $0x8, s0, s6, $0xb8;
	[tilespmem:$0x12000] =	vst v63  }
0xfa: {  	s0 =	sld [smem:$0x7F1]  }
0xfb: {  	s8 =	sld [smem:$0x7F2]  }
0xfc: {  	[tilespmem:s10], [sflag:$0x1] =	stream.indirect.gather [hbm4b:s3+s6], $0x8, s9, s6, $0xb8;
	[tilespmem:$0x12000] =	vst v63  }
0xfd: {  	s9 =	sld [smem:$0x7F3]  }
0xfe: {  	s10 =	sld [smem:$0x7F4]  }
0xff: {  	[tilespmem:s8], [sflag:$0x1] =	stream.indirect.gather [hbm4b:s3+s6], $0x8, s0, s6, $0xb8;
	[tilespmem:$0x12000] =	vst v63  }
0x100: {  	s0 =	sld [smem:$0x7F5]  }
0x101: {  	s8 =	sld [smem:$0x7F6]  }
0x102: {  	[tilespmem:s10], [sflag:$0x1] =	stream.indirect.gather [hbm4b:s3+s6], $0x8, s9, s6, $0xb8;
	[tilespmem:$0x12000] =	vst v63  }
0x103: {  	s9 =	sld [smem:$0x7F7]  }
0x104: {  	s10 =	sld [smem:$0x7F8]  }
0x105: {  	[tilespmem:s8], [sflag:$0x1] =	stream.indirect.gather [hbm4b:s3+s6], $0x8, s0, s6, $0xb8;
	[tilespmem:$0x12000] =	vst v63  }
0x106: {  	s0 =	sld [smem:$0x7F9]  }
0x107: {  	s8 =	sld [smem:$0x7FA]  }
0x108: {  	[tilespmem:s10], [sflag:$0x1] =	stream.indirect.gather [hbm4b:s3+s6], $0x8, s9, s6, $0xb8;
	[tilespmem:$0x12000] =	vst v63  }
0x109: {  	s9 =	sld [smem:$0x7FB]  }
0x10a: {  	s10 =	sld [smem:$0x7FC]  }
0x10b: {  	[tilespmem:s8], [sflag:$0x1] =	stream.indirect.gather [hbm4b:s3+s6], $0x8, s0, s6, $0xb8;
	[tilespmem:$0x12000] =	vst v63  }
0x10c: {  	s8 =	sld [smem:$0x7FD]  }
0x10d: {  	[tilespmem:s10], [sflag:$0x1] =	stream.indirect.gather [hbm4b:s3+s6], $0x8, s9, s6, $0xb8;
	[tilespmem:$0x12000] =	vst v63  }
0x10e: {  	s10 =	simm.s32 $0xF000  }
0x10f: {  	[tilespmem:s10], [sflag:$0x1] =	stream.indirect.gather [hbm4b:s3+s6], $0x8, s8, s6, $0xb8;
	[tilespmem:$0x12000] =	vst v63  }
0x110: {  	s9 =	simm.s32 $0xF400;
	s8 =	simm.s32 $0x1A80  }
0x111: {  	[tilespmem:s9], [sflag:$0x1] =	stream.indirect.gather [hbm4b:s3+s6], $0x8, s8, s6, $0xb8;
	[tilespmem:$0x12000] =	vst v63  }
0x112: {  	_ = 	snop  }
0x113: {  	[tilespmem:s12], [sflag:$0x1] =	stream.indirect.gather [hbm4b:s3+s6], $0x8, s11, s6, $0xb8;
	[tilespmem:$0x12000] =	vst v63  }
0x114: {  	_ = 	snop  }
0x115: {  	[tilespmem:s14], [sflag:$0x1] =	stream.indirect.gather [hbm4b:s3+s6], $0x8, s13, s6, $0xb8;
	[tilespmem:$0x12000] =	vst v63  }
0x116: {  	_ = 	snop  }
0x117: {  	[tilespmem:s16], [sflag:$0x1] =	stream.indirect.gather [hbm4b:s3+s6], $0x8, s15, s6, $0xb8;
	[tilespmem:$0x12000] =	vst v63  }
0x118: {  	_ = 	snop  }
0x119: {  	[tilespmem:s18], [sflag:$0x1] =	stream.indirect.gather [hbm4b:s3+s6], $0x8, s17, s6, $0xb8;
	[tilespmem:$0x12000] =	vst v63  }
0x11a: {  	_ = 	snop  }
0x11b: {  	[tilespmem:s20], [sflag:$0x1] =	stream.indirect.gather [hbm4b:s3+s6], $0x8, s19, s6, $0xb8;
	[tilespmem:$0x12000] =	vst v63  }
0x11c: {  	_ = 	snop  }
0x11d: {  	[tilespmem:s22], [sflag:$0x1] =	stream.indirect.gather [hbm4b:s3+s6], $0x8, s21, s6, $0xb8;
	[tilespmem:$0x12000] =	vst v63  }
0x11e: {  	_ = 	snop  }
0x11f: {  	[tilespmem:s24], [sflag:$0x1] =	stream.indirect.gather [hbm4b:s3+s6], $0x8, s23, s6, $0xb8;
	[tilespmem:$0x12000] =	vst v63  }
0x120: {  	_ = 	snop  }
0x121: {  	[tilespmem:s26], [sflag:$0x1] =	stream.indirect.gather [hbm4b:s3+s6], $0x8, s25, s6, $0xb8;
	[tilespmem:$0x12000] =	vst v63  }
0x122: {  	_ = 	snop  }
0x123: {  	[tilespmem:s29], [sflag:$0x1] =	stream.indirect.gather [hbm4b:s3+s6], $0x8, s28, s6, $0xb8;
	[tilespmem:$0x12000] =	vst v63  }
0x124: {  	_ = 	snop  }
0x125: {  	[tilespmem:s31], [sflag:$0x1] =	stream.indirect.gather [hbm4b:s3+s6], $0x8, s30, s6, $0xb8;
	[tilespmem:$0x12000] =	vst v63  }
0x126: {  	_ =	swait.ge [sflag:s1], $0x400  }
0x127: {  	[sflag:s1] =	ssyncset.done $0x0  }
0x128: {  	[sflag:s1] =	ssyncadd.s32 $0xFFFFFC00  }
0x129: {  	_ =	swait.ge [sflag:s1], $0x400  }
0x12a: {  	[sflag:s1] =	ssyncset.done $0x0  }
0x12b: {  	[sflag:s1] =	ssyncadd.s32 $0xFFFFFC00  }
0x12c: {  	_ =	swait.ge [sflag:s1], $0x400  }
0x12d: {  	[sflag:s1] =	ssyncset.done $0x0  }
0x12e: {  	[sflag:s1] =	ssyncadd.s32 $0xFFFFFC00  }
0x12f: {  	_ =	swait.ge [sflag:s1], $0x400  }
0x130: {  	[sflag:s1] =	ssyncset.done $0x0  }
0x131: {  	[sflag:s1] =	ssyncadd.s32 $0xFFFFFC00  }
0x132: {  	_ =	swait.ge [sflag:s1], $0x400  }
0x133: {  	[sflag:s1] =	ssyncset.done $0x0  }
0x134: {  	[sflag:s1] =	ssyncadd.s32 $0xFFFFFC00  }
0x135: {  	_ =	swait.ge [sflag:s1], $0x400  }
0x136: {  	[sflag:s1] =	ssyncset.done $0x0  }
0x137: {  	[sflag:s1] =	ssyncadd.s32 $0xFFFFFC00  }
0x138: {  	_ =	swait.ge [sflag:s1], $0x400  }
0x139: {  	[sflag:s1] =	ssyncset.done $0x0  }
0x13a: {  	[sflag:s1] =	ssyncadd.s32 $0xFFFFFC00  }
0x13b: {  	_ =	swait.ge [sflag:s1], $0x400  }
0x13c: {  	[sflag:s1] =	ssyncset.done $0x0  }
0x13d: {  	[sflag:s1] =	ssyncadd.s32 $0xFFFFFC00  }
0x13e: {  	_ =	swait.ge [sflag:s1], $0x400  }
0x13f: {  	[sflag:s1] =	ssyncset.done $0x0  }
0x140: {  	[sflag:s1] =	ssyncadd.s32 $0xFFFFFC00  }
0x141: {  	_ =	swait.ge [sflag:s1], $0x400  }
0x142: {  	[sflag:s1] =	ssyncset.done $0x0  }
0x143: {  	[sflag:s1] =	ssyncadd.s32 $0xFFFFFC00  }
0x144: {  	_ =	swait.ge [sflag:s1], $0x400  }
0x145: {  	[sflag:s1] =	ssyncset.done $0x0  }
0x146: {  	[sflag:s1] =	ssyncadd.s32 $0xFFFFFC00  }
0x147: {  	_ =	swait.ge [sflag:s1], $0x400  }
0x148: {  	[sflag:s1] =	ssyncset.done $0x0  }
0x149: {  	[sflag:s1] =	ssyncadd.s32 $0xFFFFFC00  }
0x14a: {  	_ =	swait.ge [sflag:s1], $0x400  }
0x14b: {  	[sflag:s1] =	ssyncset.done $0x0  }
0x14c: {  	[sflag:s1] =	ssyncadd.s32 $0xFFFFFC00  }
0x14d: {  	_ =	swait.ge [sflag:s1], $0x400  }
0x14e: {  	[sflag:s1] =	ssyncset.done $0x0  }
0x14f: {  	[sflag:s1] =	ssyncadd.s32 $0xFFFFFC00  }
0x150: {  	_ =	swait.ge [sflag:s1], $0x400  }
0x151: {  	[sflag:s1] =	ssyncset.done $0x0  }
0x152: {  	[sflag:s1] =	ssyncadd.s32 $0xFFFFFC00  }
0x153: {  	_ =	swait.ge [sflag:s1], $0x400  }
0x154: {  	[sflag:s1] =	ssyncset.done $0x0  }
0x155: {  	[sflag:s1] =	ssyncadd.s32 $0xFFFFFC00  }
0x156: {  	_ =	swait.ge [sflag:s1], $0x400  }
0x157: {  	[sflag:s1] =	ssyncset.done $0x0  }
0x158: {  	[sflag:s1] =	ssyncadd.s32 $0xFFFFFC00  }
0x159: {  	_ =	swait.ge [sflag:s1], $0x400  }
0x15a: {  	[sflag:s1] =	ssyncset.done $0x0  }
0x15b: {  	[sflag:s1] =	ssyncadd.s32 $0xFFFFFC00  }
0x15c: {  	_ =	swait.ge [sflag:s1], $0x400  }
0x15d: {  	[sflag:s1] =	ssyncset.done $0x0  }
0x15e: {  	[sflag:s1] =	ssyncadd.s32 $0xFFFFFC00  }
0x15f: {  	_ =	swait.ge [sflag:s1], $0x400  }
0x160: {  	[sflag:s1] =	ssyncset.done $0x0  }
0x161: {  	[sflag:s1] =	ssyncadd.s32 $0xFFFFFC00  }
0x162: {  	_ =	swait.ge [sflag:s1], $0x400  }
0x163: {  	[sflag:s1] =	ssyncset.done $0x0  }
0x164: {  	[sflag:s1] =	ssyncadd.s32 $0xFFFFFC00  }
0x165: {  	_ =	swait.ge [sflag:s1], $0x400  }
0x166: {  	[sflag:s1] =	ssyncset.done $0x0  }
0x167: {  	[sflag:s1] =	ssyncadd.s32 $0xFFFFFC00  }
0x168: {  	_ =	swait.ge [sflag:s1], $0x400  }
0x169: {  	[sflag:s1] =	ssyncset.done $0x0  }
0x16a: {  	[sflag:s1] =	ssyncadd.s32 $0xFFFFFC00  }
0x16b: {  	_ =	swait.ge [sflag:s1], $0x400  }
0x16c: {  	[sflag:s1] =	ssyncset.done $0x0  }
0x16d: {  	[sflag:s1] =	ssyncadd.s32 $0xFFFFFC00  }
0x16e: {  	_ =	swait.ge [sflag:s1], $0x400  }
0x16f: {  	[sflag:s1] =	ssyncset.done $0x0  }
0x170: {  	[sflag:s1] =	ssyncadd.s32 $0xFFFFFC00  }
0x171: {  	_ =	swait.ge [sflag:s1], $0x400  }
0x172: {  	[sflag:s1] =	ssyncset.done $0x0  }
0x173: {  	[sflag:s1] =	ssyncadd.s32 $0xFFFFFC00  }
0x174: {  	_ =	swait.ge [sflag:s1], $0x400  }
0x175: {  	[sflag:s1] =	ssyncset.done $0x0  }
0x176: {  	[sflag:s1] =	ssyncadd.s32 $0xFFFFFC00  }
0x177: {  	_ =	swait.ge [sflag:s1], $0x400  }
0x178: {  	[sflag:s1] =	ssyncset.done $0x0  }
0x179: {  	[sflag:s1] =	ssyncadd.s32 $0xFFFFFC00  }
0x17a: {  	_ =	swait.ge [sflag:s1], $0x400  }
0x17b: {  	[sflag:s1] =	ssyncset.done $0x0  }
0x17c: {  	[sflag:s1] =	ssyncadd.s32 $0xFFFFFC00  }
0x17d: {  	_ =	swait.ge [sflag:s1], $0x400  }
0x17e: {  	[sflag:s1] =	ssyncset.done $0x0  }
0x17f: {  	[sflag:s1] =	ssyncadd.s32 $0xFFFFFC00  }
0x180: {  	_ =	swait.ge [sflag:s1], $0x400  }
0x181: {  	[sflag:s1] =	ssyncset.done $0x0  }
0x182: {  	[sflag:s1] =	ssyncadd.s32 $0xFFFFFC00  }
0x183: {  	_ =	swait.ge [sflag:s1], $0x400  }
0x184: {  	[sflag:s1] =	ssyncset.done $0x0  }
0x185: {  	[sflag:s1] =	ssyncadd.s32 $0xFFFFFC00  }
0x186: {  	_ =	swait.ge [sflag:s1], $0x400  }
0x187: {  	[sflag:s1] =	ssyncset.done $0x0  }
0x188: {  	[sflag:s1] =	ssyncadd.s32 $0xFFFFFC00  }
0x189: {  	_ =	swait.ge [sflag:s1], $0x400  }
0x18a: {  	[sflag:s1] =	ssyncset.done $0x0  }
0x18b: {  	[sflag:s1] =	ssyncadd.s32 $0xFFFFFC00  }
0x18c: {  	_ =	swait.ge [sflag:s1], $0x400  }
0x18d: {  	[sflag:s1] =	ssyncset.done $0x0  }
0x18e: {  	[sflag:s1] =	ssyncadd.s32 $0xFFFFFC00  }
0x18f: {  	_ =	swait.ge [sflag:s1], $0x400  }
0x190: {  	[sflag:s1] =	ssyncset.done $0x0  }
0x191: {  	[sflag:s1] =	ssyncadd.s32 $0xFFFFFC00  }
0x192: {  	_ =	swait.ge [sflag:s1], $0x400  }
0x193: {  	[sflag:s1] =	ssyncset.done $0x0  }
0x194: {  	[sflag:s1] =	ssyncadd.s32 $0xFFFFFC00  }
0x195: {  	_ =	swait.ge [sflag:s1], $0x400  }
0x196: {  	[sflag:s1] =	ssyncset.done $0x0  }
0x197: {  	[sflag:s1] =	ssyncadd.s32 $0xFFFFFC00  }
0x198: {  	_ =	swait.ge [sflag:s1], $0x400  }
0x199: {  	[sflag:s1] =	ssyncset.done $0x0  }
0x19a: {  	[sflag:s1] =	ssyncadd.s32 $0xFFFFFC00  }
0x19b: {  	_ =	swait.ge [sflag:s1], $0x400  }
0x19c: {  	[sflag:s1] =	ssyncset.done $0x0  }
0x19d: {  	[sflag:s1] =	ssyncadd.s32 $0xFFFFFC00  }
0x19e: {  	_ =	swait.ge [sflag:s1], $0x400  }
0x19f: {  	[sflag:s1] =	ssyncset.done $0x0  }
0x1a0: {  	[sflag:s1] =	ssyncadd.s32 $0xFFFFFC00  }
0x1a1: {  	_ =	swait.ge [sflag:s1], $0x400  }
0x1a2: {  	[sflag:s1] =	ssyncset.done $0x0  }
0x1a3: {  	[sflag:s1] =	ssyncadd.s32 $0xFFFFFC00  }
0x1a4: {  	_ =	swait.ge [sflag:s1], $0x400  }
0x1a5: {  	[sflag:s1] =	ssyncset.done $0x0  }
0x1a6: {  	[sflag:s1] =	ssyncadd.s32 $0xFFFFFC00  }
0x1a7: {  	_ =	swait.ge [sflag:s1], $0x400  }
0x1a8: {  	[sflag:s1] =	ssyncset.done $0x0  }
0x1a9: {  	[sflag:s1] =	ssyncadd.s32 $0xFFFFFC00  }
0x1aa: {  	_ =	swait.ge [sflag:s1], $0x400  }
0x1ab: {  	[sflag:s1] =	ssyncset.done $0x0  }
0x1ac: {  	[sflag:s1] =	ssyncadd.s32 $0xFFFFFC00  }
0x1ad: {  	_ =	swait.ge [sflag:s1], $0x400  }
0x1ae: {  	[sflag:s1] =	ssyncset.done $0x0  }
0x1af: {  	[sflag:s1] =	ssyncadd.s32 $0xFFFFFC00  }
0x1b0: {  	_ =	swait.ge [sflag:s1], $0x400  }
0x1b1: {  	[sflag:s1] =	ssyncset.done $0x0  }
0x1b2: {  	[sflag:s1] =	ssyncadd.s32 $0xFFFFFC00  }
0x1b3: {  	_ =	swait.ge [sflag:s1], $0x400  }
0x1b4: {  	[sflag:s1] =	ssyncset.done $0x0  }
0x1b5: {  	[sflag:s1] =	ssyncadd.s32 $0xFFFFFC00  }
0x1b6: {  	_ =	swait.ge [sflag:s1], $0x400  }
0x1b7: {  	[sflag:s1] =	ssyncset.done $0x0  }
0x1b8: {  	[sflag:s1] =	ssyncadd.s32 $0xFFFFFC00  }
0x1b9: {  	_ =	swait.ge [sflag:s1], $0x400  }
0x1ba: {  	[sflag:s1] =	ssyncset.done $0x0  }
0x1bb: {  	[sflag:s1] =	ssyncadd.s32 $0xFFFFFC00  }
0x1bc: {  	_ =	swait.ge [sflag:s1], $0x400  }
0x1bd: {  	[sflag:s1] =	ssyncset.done $0x0  }
0x1be: {  	[sflag:s1] =	ssyncadd.s32 $0xFFFFFC00  }
0x1bf: {  	_ =	swait.ge [sflag:s1], $0x400  }
0x1c0: {  	[sflag:s1] =	ssyncset.done $0x0  }
0x1c1: {  	[sflag:s1] =	ssyncadd.s32 $0xFFFFFC00  }
0x1c2: {  	_ =	swait.ge [sflag:s1], $0x400  }
0x1c3: {  	[sflag:s1] =	ssyncset.done $0x0  }
0x1c4: {  	[sflag:s1] =	ssyncadd.s32 $0xFFFFFC00  }
0x1c5: {  	_ =	swait.ge [sflag:s1], $0x400  }
0x1c6: {  	[sflag:s1] =	ssyncset.done $0x0  }
0x1c7: {  	[sflag:s1] =	ssyncadd.s32 $0xFFFFFC00  }
0x1c8: {  	_ =	swait.ge [sflag:s1], $0x400  }
0x1c9: {  	[sflag:s1] =	ssyncset.done $0x0  }
0x1ca: {  	[sflag:s1] =	ssyncadd.s32 $0xFFFFFC00  }
0x1cb: {  	_ =	swait.ge [sflag:s1], $0x400  }
0x1cc: {  	[sflag:s1] =	ssyncset.done $0x0  }
0x1cd: {  	[sflag:s1] =	ssyncadd.s32 $0xFFFFFC00  }
0x1ce: {  	_ =	swait.ge [sflag:s1], $0x400  }
0x1cf: {  	[sflag:s1] =	ssyncset.done $0x0  }
0x1d0: {  	[sflag:s1] =	ssyncadd.s32 $0xFFFFFC00  }
0x1d1: {  	_ =	swait.ge [sflag:s1], $0x400  }
0x1d2: {  	[sflag:s1] =	ssyncset.done $0x0  }
0x1d3: {  	[sflag:s1] =	ssyncadd.s32 $0xFFFFFC00  }
0x1d4: {  	_ =	swait.ge [sflag:s1], $0x400  }
0x1d5: {  	[sflag:s1] =	ssyncset.done $0x0  }
0x1d6: {  	[sflag:s1] =	ssyncadd.s32 $0xFFFFFC00  }
0x1d7: {  	_ =	swait.ge [sflag:s1], $0x400  }
0x1d8: {  	[sflag:s1] =	ssyncset.done $0x0  }
0x1d9: {  	[sflag:s1] =	ssyncadd.s32 $0xFFFFFC00  }
0x1da: {  	_ =	swait.ge [sflag:s1], $0x400  }
0x1db: {  	[sflag:s1] =	ssyncset.done $0x0  }
0x1dc: {  	[sflag:s1] =	ssyncadd.s32 $0xFFFFFC00  }
0x1dd: {  	_ =	swait.ge [sflag:s1], $0x400  }
0x1de: {  	[sflag:s1] =	ssyncset.done $0x0  }
0x1df: {  	[sflag:s1] =	ssyncadd.s32 $0xFFFFFC00  }
0x1e0: {  	_ =	swait.ge [sflag:s1], $0x400  }
0x1e1: {  	[sflag:s1] =	ssyncset.done $0x0  }
0x1e2: {  	[sflag:s1] =	ssyncadd.s32 $0xFFFFFC00  }
0x1e3: {  	_ =	swait.ge [sflag:s1], $0x400  }
0x1e4: {  	p0 =	sne.s32 s4, $0x1;
	[sflag:s1] =	ssyncset.done $0x0  }
.Ltmp0:
0x1e5: {  	s10 =	rddreg [dreg:$0x3];
	[sflag:s1] =	ssyncadd.s32 $0xFFFFFC00;
	(pc) =	sbr.rel @p0 .LBB2_1-.Ltmp0, $4  }
0x1e6: {  	[hbm4b:s10+s2] =	stream.linear.scatter [tilespmem:s7], [sflag:$0x2], $0x10000, $0x38;
	[tilespmem:$0x12000] =	vst v63  }
0x1e7: {  	_ =	swait.ge [sflag:s5], $0x10000  }
0x1e8: {  	[sflag:s5] =	ssyncset.done $0x0  }
0x1e9: {  	s4 =	sadd.s32 $0xFFFFFFFF, s4;
	[sflag:s5] =	ssyncadd.s32 $0xFFFF0000  }
0x1ea: {  	_ =	sfence.sel $0x180000  }
0x1eb: {  	[bflag:$0x0] =	sbarrier.arrive $0xFFFF  }
0x1ec: {  	_ =	strace $0x90000047  }
0x1ed: {  	s0 =	stileid.u32;
	[bflag:$0x2] =	sbarrier.arrive $0xFFFF  }
0x1ee: {  	p0 =	sne.s32 s0, $0x0;
	s0 =	rddreg [dreg:$0x1]  }
0x1ef: {  	s0 =	sadd.s32 @!p0 $0x100000, s0  }
0x1f0: {  	[sflag:s0] =	ssyncadd.tile.s32 @!p0 $0x1;
	_ =	shalt  }
.Lfunc_end2:
_tile_overlayer_lowered:
.L_overlay_start_2:
0x1f1: {  	(tag) =	ssettag $0x2  }
0x1f2: {  	s0 =	rddreg [dreg:$0x0];
	s2 =	stileid.u32  }
0x1f3: {  	s1 =	rddreg [dreg:$0x1];
	p0 =	sne.s32 s2, $0x0  }
0x1f4: {  	s3 =	rddreg [dreg:$0x2];
	[bflag:$0x3] =	sbarrier.arrive $0xFFFF;
	s2 =	simm.s32 @!p0 $0x1C02  }
0x1f5: {  	[timem:s3], [sflag:s2] =	dma.local @!p0 [hbm:s0], s1  }
0x1f6: {  	s0 =	simm.s32 @!p0 $0x2  }
0x1f7: {  	_ =	swait.ge @!p0 [sflag:s0], s1  }
0x1f8: {  	s1 =	ssub.s32 @!p0 $0x0, s1;
	[sflag:s0] =	ssyncset.done @!p0 $0x0  }
0x1f9: {  	[sflag:s0] =	ssyncadd.s32 @!p0 s1  }
0x1fa: {  	[bflag:$0x3] =	sbarrier.arrive $0xFFFF  }
0x1fb: {  	_ =	shalt  }

</sc_bundles>
